<compile_context>
chip_gen: v7x
topology: tpu7x:2x2x1
jax: 0.10.2.dev20260603
libtpu: 0.0.44.dev20260713+nightly
codegen_flags: <defaults>
</compile_context>

<pallas_src>
import dataclasses
import functools

import jax
import jax.numpy as jnp
from jax import lax
from jax.experimental import pallas as pl
from jax.experimental.pallas import tpu as pltpu
from jax.experimental.pallas import tpu_sc as plsc

N = 10000
E = 320000
D = 128
H1 = 128
HEADS = 2
OUT = 128

NSUB = 16
CH = 80
NPAD = 10240
ROWS_PER_SUB = NPAD // NSUB

_HIGH = jax.lax.Precision.HIGHEST


def _lrelu(t):
    return jnp.where(t > 0, t, 0.2 * t)


def _make_sc_edge(stacked):
    eps = E // NSUB if stacked else E // (2 * NSUB)
    nc = eps // CH
    npairs = nc // 2

    def body(h_hbm, as_hbm, ad_hbm, src_hbm, dst_hbm, z2_hbm, z1_hbm,
             outp_hbm, outd_hbm,
             shared_acc, shared_dn, as_v, ad_v, sx0, sx1,
             ex0, ex1, db0, db1, rows0, rows1, gs0, gs1, sp0, sp1, sd0, sd1):
        k = lax.axis_index("c")
        s = lax.axis_index("s")
        tab_base = k * N if stacked else 0

        pltpu.sync_copy(as_hbm.at[pl.ds(tab_base, N)], as_v)
        pltpu.sync_copy(ad_hbm.at[pl.ds(tab_base, N)], ad_v)
        ebase = s * eps if stacked else k * (E // 2) + s * eps
        rps = ROWS_PER_SUB
        pltpu.sync_copy(z2_hbm.at[pl.ds(s * rps, rps)],
                        shared_acc.at[pl.ds(s * rps, rps)])
        pltpu.sync_copy(z1_hbm.at[pl.ds(s * rps, rps)],
                        shared_dn.at[pl.ds(s * rps, rps)])
        plsc.subcore_barrier()

        def exdst(c, sxr, dbr, exr):
            o = ebase + c * CH
            pltpu.sync_copy(src_hbm.at[pl.ds(o, CH)], sxr)
            pltpu.sync_copy(dst_hbm.at[pl.ds(o, CH)], dbr)

            @pl.loop(0, CH, step=16)
            def _ex(g):
                sv = sxr[pl.ds(g, 16)]
                dv = dbr[pl.ds(g, 16)]
                a = plsc.load_gather(as_v, [sv]) + plsc.load_gather(ad_v, [dv])
                exr[pl.ds(g, 16)] = jnp.exp(_lrelu(a))
                if stacked:
                    sxr[pl.ds(g, 16)] = sv + tab_base

        def gdesc(sxr, rowsr, sem):
            return pltpu.make_async_copy(h_hbm.at[sxr], rowsr, sem)

        def scale(rowsr, exr):
            @pl.loop(0, CH)
            def _s(i):
                exb = plsc.load_gather(exr, [jnp.full((16,), i, jnp.int32)])
                for g in range(8):
                    rowsr[i, pl.ds(g * 16, 16)] = (
                        rowsr[i, pl.ds(g * 16, 16)] * exb)

        def sstart(rowsr, exr, dbr, semp, semd):
            pltpu.async_copy(rowsr, shared_acc.at[dbr], semp, add=True)
            pltpu.async_copy(exr, shared_dn.at[dbr], semd, add=True)

        def swait(rowsr, exr, dbr, semp, semd):
            pltpu.make_async_copy(rowsr, shared_acc.at[dbr], semp).wait()
            pltpu.make_async_copy(exr, shared_dn.at[dbr], semd).wait()

        exdst(0, sx0, db0, ex0)
        gdesc(sx0, rows0, gs0).start()

        @pl.loop(0, npairs)
        def _pair(p):
            c1 = 2 * p + 1
            c2 = 2 * p + 2

            @pl.when(p > 0)
            def _w1():
                swait(rows1, ex1, db1, sp1, sd1)

            exdst(c1, sx1, db1, ex1)
            gdesc(sx1, rows1, gs1).start()
            gdesc(sx0, rows0, gs0).wait()
            scale(rows0, ex0)
            sstart(rows0, ex0, db0, sp0, sd0)
            gdesc(sx1, rows1, gs1).wait()
            scale(rows1, ex1)
            sstart(rows1, ex1, db1, sp1, sd1)

            @pl.when(p + 1 < npairs)
            def _pre():
                swait(rows0, ex0, db0, sp0, sd0)
                exdst(c2, sx0, db0, ex0)
                gdesc(sx0, rows0, gs0).start()

        if nc % 2:
            swait(rows0, ex0, db0, sp0, sd0)
            exdst(nc - 1, sx0, db0, ex0)
            gdesc(sx0, rows0, gs0).start()
            gdesc(sx0, rows0, gs0).wait()
            scale(rows0, ex0)
            sstart(rows0, ex0, db0, sp0, sd0)
        swait(rows0, ex0, db0, sp0, sd0)
        swait(rows1, ex1, db1, sp1, sd1)

        plsc.subcore_barrier()
        pltpu.sync_copy(shared_acc.at[pl.ds(s * rps, rps)],
                        outp_hbm.at[pl.ds(k * NPAD + s * rps, rps)])
        pltpu.sync_copy(shared_dn.at[pl.ds(s * rps, rps)],
                        outd_hbm.at[pl.ds(k * NPAD + s * rps, rps)])

    mesh = plsc.VectorSubcoreMesh(core_axis_name="c", subcore_axis_name="s",
                                  num_cores=2, num_subcores=NSUB)
    cp = pltpu.CompilerParams()
    if "needs_layout_passes" in pltpu.CompilerParams.__dataclass_fields__:
        cp = dataclasses.replace(cp, needs_layout_passes=False)
    kern = pl.kernel(
        body,
        out_type=[
            jax.ShapeDtypeStruct((2 * NPAD, 128), jnp.float32),
            jax.ShapeDtypeStruct((2 * NPAD,), jnp.float32),
        ],
        mesh=mesh,
        compiler_params=cp,
        scratch_types=[
            pltpu.VMEM_SHARED((NPAD, 128), jnp.float32),
            pltpu.VMEM_SHARED((NPAD,), jnp.float32),
            pltpu.VMEM((N,), jnp.float32),
            pltpu.VMEM((N,), jnp.float32),
            pltpu.VMEM((CH,), jnp.int32),
            pltpu.VMEM((CH,), jnp.int32),
            pltpu.VMEM((CH,), jnp.float32),
            pltpu.VMEM((CH,), jnp.float32),
            pltpu.VMEM((CH,), jnp.int32),
            pltpu.VMEM((CH,), jnp.int32),
            pltpu.VMEM((CH, 128), jnp.float32),
            pltpu.VMEM((CH, 128), jnp.float32),
            pltpu.SemaphoreType.DMA,
            pltpu.SemaphoreType.DMA,
            pltpu.SemaphoreType.DMA,
            pltpu.SemaphoreType.DMA,
            pltpu.SemaphoreType.DMA,
            pltpu.SemaphoreType.DMA,
        ],
    )
    return kern


_make_sc_edge = functools.lru_cache(None)(_make_sc_edge)


_BLK = 1000
_GRID = N // _BLK


def _tc1_body(x_ref, w_ref, m_ref, h0_ref, h1_ref, aux_ref):
    h = jnp.dot(x_ref[...], w_ref[...], precision=_HIGH,
                preferred_element_type=jnp.float32)
    aux = jnp.dot(h, m_ref[...], precision=_HIGH,
                  preferred_element_type=jnp.float32)
    h0_ref[...] = h[:, :H1]
    h1_ref[...] = h[:, H1:]
    aux_ref[...] = aux


def _tc1(x, W1, M1):
    return pl.pallas_call(
        _tc1_body,
        grid=(_GRID,),
        in_specs=[
            pl.BlockSpec((_BLK, D), lambda i: (i, 0)),
            pl.BlockSpec((D, HEADS * H1), lambda i: (0, 0)),
            pl.BlockSpec((HEADS * H1, 128), lambda i: (0, 0)),
        ],
        out_specs=[
            pl.BlockSpec((_BLK, H1), lambda i: (i, 0)),
            pl.BlockSpec((_BLK, H1), lambda i: (i, 0)),
            pl.BlockSpec((_BLK, 128), lambda i: (i, 0)),
        ],
        out_shape=[
            jax.ShapeDtypeStruct((N, H1), jnp.float32),
            jax.ShapeDtypeStruct((N, H1), jnp.float32),
            jax.ShapeDtypeStruct((N, 128), jnp.float32),
        ],
    )(x, W1, M1)


def _tc2_body(o0_ref, o1_ref, dn0_ref, dn1_ref, h0_ref, h1_ref, aux_ref,
              w_ref, m_ref, b_ref, h2_ref, aux2_ref):
    aux = aux_ref[...]
    b = b_ref[...]
    ys = []
    for k, (o_ref, dn_ref, h_ref) in enumerate(
            ((o0_ref, dn0_ref, h0_ref), (o1_ref, dn1_ref, h1_ref))):
        exs = jnp.exp(_lrelu(aux[:, 2 * k:2 * k + 1] +
                             aux[:, 2 * k + 1:2 * k + 2]))
        o = o_ref[...]
        hk = h_ref[...]
        dn = dn_ref[...] + exs
        yk = (o + exs * hk) / (dn + 1e-16) + b[:, k * H1:(k + 1) * H1]
        ys.append(jnp.where(yk > 0, yk, jnp.exp(yk) - 1.0))
    w = w_ref[...]
    r = (jnp.dot(ys[0], w[:H1, :], precision=_HIGH,
                 preferred_element_type=jnp.float32) +
         jnp.dot(ys[1], w[H1:, :], precision=_HIGH,
                 preferred_element_type=jnp.float32))
    h2 = r
    aux2 = jnp.dot(h2, m_ref[...], precision=_HIGH,
                   preferred_element_type=jnp.float32)
    h2_ref[...] = h2
    aux2_ref[...] = aux2


def _tc2(o0, o1, dn0, dn1, h0, h1, aux, W2, M2, bias1):
    return pl.pallas_call(
        _tc2_body,
        grid=(_GRID,),
        in_specs=[
            pl.BlockSpec((_BLK, H1), lambda i: (i, 0)),
            pl.BlockSpec((_BLK, H1), lambda i: (i, 0)),
            pl.BlockSpec((_BLK, 1), lambda i: (i, 0)),
            pl.BlockSpec((_BLK, 1), lambda i: (i, 0)),
            pl.BlockSpec((_BLK, H1), lambda i: (i, 0)),
            pl.BlockSpec((_BLK, H1), lambda i: (i, 0)),
            pl.BlockSpec((_BLK, 128), lambda i: (i, 0)),
            pl.BlockSpec((HEADS * H1, OUT), lambda i: (0, 0)),
            pl.BlockSpec((OUT, 128), lambda i: (0, 0)),
            pl.BlockSpec((1, HEADS * H1), lambda i: (0, 0)),
        ],
        out_specs=[
            pl.BlockSpec((_BLK, OUT), lambda i: (i, 0)),
            pl.BlockSpec((_BLK, 128), lambda i: (i, 0)),
        ],
        out_shape=[
            jax.ShapeDtypeStruct((N, OUT), jnp.float32),
            jax.ShapeDtypeStruct((N, 128), jnp.float32),
        ],
    )(o0, o1, dn0, dn1, h0, h1, aux, W2, M2, bias1)


def _tc3_body(oa_ref, ob_ref, dna_ref, dnb_ref, h2_ref, aux2_ref, b_ref,
              out_ref):
    aux2 = aux2_ref[...]
    exs = jnp.exp(_lrelu(aux2[:, 0:1] + aux2[:, 1:2]))
    h2 = h2_ref[...]
    dn = dna_ref[...] + dnb_ref[...] + exs
    s = oa_ref[...] + ob_ref[...] + exs * h2
    o = s / (dn + 1e-16) + b_ref[...]
    m = jnp.max(o, axis=1, keepdims=True)
    o = o - m
    out_ref[...] = o - jnp.log(jnp.sum(jnp.exp(o), axis=1, keepdims=True))


def _tc3(oa, ob, dna, dnb, h2, aux2, bias2):
    return pl.pallas_call(
        _tc3_body,
        grid=(_GRID,),
        in_specs=[
            pl.BlockSpec((_BLK, OUT), lambda i: (i, 0)),
            pl.BlockSpec((_BLK, OUT), lambda i: (i, 0)),
            pl.BlockSpec((_BLK, 1), lambda i: (i, 0)),
            pl.BlockSpec((_BLK, 1), lambda i: (i, 0)),
            pl.BlockSpec((_BLK, OUT), lambda i: (i, 0)),
            pl.BlockSpec((_BLK, 128), lambda i: (i, 0)),
            pl.BlockSpec((1, OUT), lambda i: (0, 0)),
        ],
        out_specs=pl.BlockSpec((_BLK, OUT), lambda i: (i, 0)),
        out_shape=jax.ShapeDtypeStruct((N, OUT), jnp.float32),
    )(oa, ob, dna, dnb, h2, aux2, bias2)


@jax.jit
def kernel(x, edge_index, W1, att_src1, att_dst1, bias1, W2, att_src2,
           att_dst2, bias2):
    src = edge_index[0].astype(jnp.int32)
    dst = edge_index[1].astype(jnp.int32)

    M1 = jnp.zeros((HEADS * H1, 128), jnp.float32)
    M1 = M1.at[0:H1, 0].set(att_src1[0])
    M1 = M1.at[0:H1, 1].set(att_dst1[0])
    M1 = M1.at[H1:2 * H1, 2].set(att_src1[1])
    M1 = M1.at[H1:2 * H1, 3].set(att_dst1[1])
    M2 = jnp.zeros((OUT, 128), jnp.float32)
    M2 = M2.at[:, 0].set(att_src2[0])
    M2 = M2.at[:, 1].set(att_dst2[0])

    h0, h1, aux = _tc1(x, W1, M1)

    z2d = jnp.zeros((NPAD, 128), jnp.float32)
    z1d = jnp.zeros((NPAD,), jnp.float32)

    h2n = jnp.concatenate([h0, h1], axis=0)
    as2n = jnp.concatenate([aux[:, 0], aux[:, 2]], axis=0)
    ad2n = jnp.concatenate([aux[:, 1], aux[:, 3]], axis=0)
    sc1p, sc1d = _make_sc_edge(True)(h2n, as2n, ad2n, src, dst, z2d, z1d)

    h2, aux2 = _tc2(sc1p[:N], sc1p[NPAD:NPAD + N],
                    sc1d[:N].reshape(N, 1), sc1d[NPAD:NPAD + N].reshape(N, 1),
                    h0, h1, aux, W2, M2, bias1.reshape(1, -1))

    sc2p, sc2d = _make_sc_edge(False)(h2, aux2[:, 0], aux2[:, 1], src, dst,
                                      z2d, z1d)

    return _tc3(sc2p[:N], sc2p[NPAD:NPAD + N],
                sc2d[:N].reshape(N, 1), sc2d[NPAD:NPAD + N].reshape(N, 1),
                h2, aux2, bias2.reshape(1, -1))

# --- scband reference (transcript-rebuilt; emitter-appended) ---
"""Pipeline reference for scband-gat-33603824124479 (READ-ONLY COPY).

The authoritative reference and input builder live on the scoring server;
editing this copy changes nothing except your own understanding.
"""

import jax, jax.numpy as jnp
import numpy as np

N = 10000
E = 320000
D = 128
H1 = 128
HEADS = 2
OUT = 128


def setup_inputs(seed: int = 0):
    key = jax.random.key(seed)
    ks = jax.random.split(key, 12)
    x = jax.random.normal(ks[0], (N, D), dtype=jnp.float32)
    edge_index = jax.random.randint(ks[1], (2, E), 0, N, dtype=jnp.int32)
    W1 = jax.random.normal(ks[2], (D, HEADS * H1), dtype=jnp.float32) * 0.1
    att_src1 = jax.random.normal(ks[3], (HEADS, H1), dtype=jnp.float32) * 0.1
    att_dst1 = jax.random.normal(ks[4], (HEADS, H1), dtype=jnp.float32) * 0.1
    bias1 = jnp.zeros((HEADS * H1,), dtype=jnp.float32)
    W2 = jax.random.normal(ks[5], (HEADS * H1, OUT), dtype=jnp.float32) * 0.1
    att_src2 = jax.random.normal(ks[6], (1, OUT), dtype=jnp.float32) * 0.1
    att_dst2 = jax.random.normal(ks[7], (1, OUT), dtype=jnp.float32) * 0.1
    bias2 = jnp.zeros((OUT,), dtype=jnp.float32)
    return {"x": x, "edge_index": edge_index, "W1": W1, "att_src1": att_src1,
            "att_dst1": att_dst1, "bias1": bias1, "W2": W2, "att_src2": att_src2,
            "att_dst2": att_dst2, "bias2": bias2}


def _gat_conv(x, src, dst, W, a_src, a_dst, bias, heads, out_ch, concat):
    n = x.shape[0]
    h = (x @ W).reshape(n, heads, out_ch)
    alpha_src = (h * a_src[None, :, :]).sum(-1)  # [N, heads]
    alpha_dst = (h * a_dst[None, :, :]).sum(-1)  # [N, heads]
    alpha = alpha_src[src] + alpha_dst[dst]       # [E, heads]
    alpha = jnp.where(alpha > 0, alpha, 0.2 * alpha)  # LeakyReLU(0.2)
    amax = jax.ops.segment_max(alpha, dst, num_segments=n)
    ex = jnp.exp(alpha - amax[dst])
    denom = jax.ops.segment_sum(ex, dst, num_segments=n)
    coef = ex / (denom[dst] + 1e-16)
    msg = h[src] * coef[:, :, None]               # [E, heads, out_ch]
    out = jax.ops.segment_sum(msg, dst, num_segments=n)
    if concat:
        out = out.reshape(n, heads * out_ch)
    else:
        out = out.mean(axis=1)
    return out + bias


def reference(x, edge_index, W1, att_src1, att_dst1, bias1, W2, att_src2, att_dst2, bias2):
    # eval mode: F.dropout(training=False) is identity
    n = x.shape[0]
    loops = jnp.arange(n, dtype=edge_index.dtype)
    src = jnp.concatenate([edge_index[0], loops])
    dst = jnp.concatenate([edge_index[1], loops])
    h = _gat_conv(x, src, dst, W1, att_src1, att_dst1, bias1, HEADS, H1, True)
    h = jax.nn.elu(h)
    out = _gat_conv(h, src, dst, W2, att_src2, att_dst2, bias2, 1, OUT, False)
    return jax.nn.log_softmax(out, axis=1)

if __name__ == "__main__":
    import jax
    _d = setup_inputs()
    print(jax.jit(kernel)(*tuple(_d.values())))

</pallas_src>

<mosaic_0001>
#map = affine_map<(d0, d1) -> (0, 0)>
#map1 = affine_map<(d0, d1) -> (0)>
module attributes {stable_mosaic.version = 14 : i64} {
  func.func @body(%arg0: i32, %arg1: i32, %arg2: memref<10000x128xf32, #tpu.memory_space<hbm>>, %arg3: memref<10000xf32, #tpu.memory_space<hbm>>, %arg4: memref<10000xf32, #tpu.memory_space<hbm>>, %arg5: memref<320000xi32, #tpu.memory_space<hbm>>, %arg6: memref<320000xi32, #tpu.memory_space<hbm>>, %arg7: memref<10240x128xf32, #tpu.memory_space<hbm>>, %arg8: memref<10240xf32, #tpu.memory_space<hbm>>, %arg9: memref<20480x128xf32, #tpu.memory_space<hbm>>, %arg10: memref<20480xf32, #tpu.memory_space<hbm>>, %arg11: memref<10240x128xf32, #tpu.memory_space<vmem_shared>>, %arg12: memref<10240xf32, #tpu.memory_space<vmem_shared>>, %arg13: memref<10000xf32, #tpu.memory_space<vmem>>, %arg14: memref<10000xf32, #tpu.memory_space<vmem>>, %arg15: memref<80xi32, #tpu.memory_space<vmem>>, %arg16: memref<80xi32, #tpu.memory_space<vmem>>, %arg17: memref<80xf32, #tpu.memory_space<vmem>>, %arg18: memref<80xf32, #tpu.memory_space<vmem>>, %arg19: memref<80xi32, #tpu.memory_space<vmem>>, %arg20: memref<80xi32, #tpu.memory_space<vmem>>, %arg21: memref<80x128xf32, #tpu.memory_space<vmem>>, %arg22: memref<80x128xf32, #tpu.memory_space<vmem>>, %arg23: memref<!tpu.dma_semaphore, #tpu.memory_space<semaphore_mem>>, %arg24: memref<!tpu.dma_semaphore, #tpu.memory_space<semaphore_mem>>, %arg25: memref<!tpu.dma_semaphore, #tpu.memory_space<semaphore_mem>>, %arg26: memref<!tpu.dma_semaphore, #tpu.memory_space<semaphore_mem>>, %arg27: memref<!tpu.dma_semaphore, #tpu.memory_space<semaphore_mem>>, %arg28: memref<!tpu.dma_semaphore, #tpu.memory_space<semaphore_mem>>) attributes {dimension_semantics = [#tpu.dimension_semantics<core_parallel>, #tpu.dimension_semantics<subcore_parallel>], iteration_bounds = array<i64: 2, 16>, scalar_prefetch = 0 : i64, scratch_operands = 18 : i64, tpu.core_type = #tpu.core_type<sc_vector_subcore>, window_params = [{transform_indices = #map}, {transform_indices = #map1}, {transform_indices = #map1}, {transform_indices = #map1}, {transform_indices = #map1}, {transform_indices = #map}, {transform_indices = #map1}, {transform_indices = #map}, {transform_indices = #map1}]} {
    "tpu.region"() ({
      %run_scoped3A = tpu.sem_alloc : memref<!tpu.dma_semaphore, #tpu.memory_space<semaphore_mem>>
      %dma_start3A_76 = arith.constant 0 : i32
      %dma_start3A_77 = tpu.memref_slice %arg3[%dma_start3A_76] : memref<10000xf32, #tpu.memory_space<hbm>> -> memref<10000xf32, #tpu.memory_space<hbm>>
      %dma_start3A_78 = arith.constant 0 : i32
      %dma_start3A_79 = tpu.memref_slice %arg3[%dma_start3A_78] : memref<10000xf32, #tpu.memory_space<hbm>> -> memref<10000xf32, #tpu.memory_space<hbm>>
      tpu.enqueue_dma source(%dma_start3A_79 : memref<10000xf32, #tpu.memory_space<hbm>>) target(%arg13 : memref<10000xf32, #tpu.memory_space<vmem>>) target_semaphore(%run_scoped3A : memref<!tpu.dma_semaphore, #tpu.memory_space<semaphore_mem>>)
      %dma_wait3A_80 = arith.constant 0 : i32
      %dma_wait3A_81 = tpu.memref_slice %arg3[%dma_wait3A_80] : memref<10000xf32, #tpu.memory_space<hbm>> -> memref<10000xf32, #tpu.memory_space<hbm>>
      %dma_wait3A_82 = arith.constant 0 : i32
      %dma_wait3A_83 = tpu.memref_slice %arg3[%dma_wait3A_82] : memref<10000xf32, #tpu.memory_space<hbm>> -> memref<10000xf32, #tpu.memory_space<hbm>>
      tpu.wait_dma2 semaphore(%run_scoped3A : memref<!tpu.dma_semaphore, #tpu.memory_space<semaphore_mem>>) src(%dma_wait3A_83 : memref<10000xf32, #tpu.memory_space<hbm>>) dst(%arg13 : memref<10000xf32, #tpu.memory_space<vmem>>)
      tpu.yield
    }) : () -> ()
    "tpu.region"() ({
      %run_scoped3A = tpu.sem_alloc : memref<!tpu.dma_semaphore, #tpu.memory_space<semaphore_mem>>
      %dma_start3A_76 = arith.constant 0 : i32
      %dma_start3A_77 = tpu.memref_slice %arg4[%dma_start3A_76] : memref<10000xf32, #tpu.memory_space<hbm>> -> memref<10000xf32, #tpu.memory_space<hbm>>
      %dma_start3A_78 = arith.constant 0 : i32
      %dma_start3A_79 = tpu.memref_slice %arg4[%dma_start3A_78] : memref<10000xf32, #tpu.memory_space<hbm>> -> memref<10000xf32, #tpu.memory_space<hbm>>
      tpu.enqueue_dma source(%dma_start3A_79 : memref<10000xf32, #tpu.memory_space<hbm>>) target(%arg14 : memref<10000xf32, #tpu.memory_space<vmem>>) target_semaphore(%run_scoped3A : memref<!tpu.dma_semaphore, #tpu.memory_space<semaphore_mem>>)
      %dma_wait3A_80 = arith.constant 0 : i32
      %dma_wait3A_81 = tpu.memref_slice %arg4[%dma_wait3A_80] : memref<10000xf32, #tpu.memory_space<hbm>> -> memref<10000xf32, #tpu.memory_space<hbm>>
      %dma_wait3A_82 = arith.constant 0 : i32
      %dma_wait3A_83 = tpu.memref_slice %arg4[%dma_wait3A_82] : memref<10000xf32, #tpu.memory_space<hbm>> -> memref<10000xf32, #tpu.memory_space<hbm>>
      tpu.wait_dma2 semaphore(%run_scoped3A : memref<!tpu.dma_semaphore, #tpu.memory_space<semaphore_mem>>) src(%dma_wait3A_83 : memref<10000xf32, #tpu.memory_space<hbm>>) dst(%arg14 : memref<10000xf32, #tpu.memory_space<vmem>>)
      tpu.yield
    }) : () -> ()
    %mul3A = arith.constant 160000 : i32
    %mul3A_0 = arith.muli %arg0, %mul3A : i32
    %mul3A_1 = arith.constant 10000 : i32
    %mul3A_2 = arith.muli %arg1, %mul3A_1 : i32
    %add3A = arith.addi %mul3A_0, %mul3A_2 : i32
    %mul3A_3 = arith.constant 640 : i32
    %mul3A_4 = arith.muli %arg1, %mul3A_3 : i32
    %mul3A_5 = arith.constant 640 : i32
    %mul3A_6 = arith.muli %arg1, %mul3A_5 : i32
    "tpu.region"() ({
      %run_scoped3A = tpu.sem_alloc : memref<!tpu.dma_semaphore, #tpu.memory_space<semaphore_mem>>
      %dma_start3A_76 = arith.constant 0 : i32
      %dma_start3A_77 = tpu.memref_slice %arg11[%mul3A_6, %dma_start3A_76] : memref<10240x128xf32, #tpu.memory_space<vmem_shared>> -> memref<640x128xf32, #tpu.memory_space<vmem_shared>>
      %dma_start3A_78 = arith.constant 0 : i32
      %dma_start3A_79 = tpu.memref_slice %arg7[%mul3A_4, %dma_start3A_78] : memref<10240x128xf32, #tpu.memory_space<hbm>> -> memref<640x128xf32, #tpu.memory_space<hbm>>
      tpu.enqueue_dma source(%dma_start3A_79 : memref<640x128xf32, #tpu.memory_space<hbm>>) target(%dma_start3A_77 : memref<640x128xf32, #tpu.memory_space<vmem_shared>>) target_semaphore(%run_scoped3A : memref<!tpu.dma_semaphore, #tpu.memory_space<semaphore_mem>>)
      %dma_wait3A_80 = arith.constant 0 : i32
      %dma_wait3A_81 = tpu.memref_slice %arg11[%mul3A_6, %dma_wait3A_80] : memref<10240x128xf32, #tpu.memory_space<vmem_shared>> -> memref<640x128xf32, #tpu.memory_space<vmem_shared>>
      %dma_wait3A_82 = arith.constant 0 : i32
      %dma_wait3A_83 = tpu.memref_slice %arg7[%mul3A_4, %dma_wait3A_82] : memref<10240x128xf32, #tpu.memory_space<hbm>> -> memref<640x128xf32, #tpu.memory_space<hbm>>
      tpu.wait_dma2 semaphore(%run_scoped3A : memref<!tpu.dma_semaphore, #tpu.memory_space<semaphore_mem>>) src(%dma_wait3A_83 : memref<640x128xf32, #tpu.memory_space<hbm>>) dst(%dma_wait3A_81 : memref<640x128xf32, #tpu.memory_space<vmem_shared>>)
      tpu.yield
    }) : () -> ()
    %mul3A_7 = arith.constant 640 : i32
    %mul3A_8 = arith.muli %arg1, %mul3A_7 : i32
    %mul3A_9 = arith.constant 640 : i32
    %mul3A_10 = arith.muli %arg1, %mul3A_9 : i32
    "tpu.region"() ({
      %run_scoped3A = tpu.sem_alloc : memref<!tpu.dma_semaphore, #tpu.memory_space<semaphore_mem>>
      %dma_start3A_76 = tpu.memref_slice %arg12[%mul3A_10] : memref<10240xf32, #tpu.memory_space<vmem_shared>> -> memref<640xf32, #tpu.memory_space<vmem_shared>>
      %dma_start3A_77 = tpu.memref_slice %arg8[%mul3A_8] : memref<10240xf32, #tpu.memory_space<hbm>> -> memref<640xf32, #tpu.memory_space<hbm>>
      tpu.enqueue_dma source(%dma_start3A_77 : memref<640xf32, #tpu.memory_space<hbm>>) target(%dma_start3A_76 : memref<640xf32, #tpu.memory_space<vmem_shared>>) target_semaphore(%run_scoped3A : memref<!tpu.dma_semaphore, #tpu.memory_space<semaphore_mem>>)
      %dma_wait3A_78 = tpu.memref_slice %arg12[%mul3A_10] : memref<10240xf32, #tpu.memory_space<vmem_shared>> -> memref<640xf32, #tpu.memory_space<vmem_shared>>
      %dma_wait3A_79 = tpu.memref_slice %arg8[%mul3A_8] : memref<10240xf32, #tpu.memory_space<hbm>> -> memref<640xf32, #tpu.memory_space<hbm>>
      tpu.wait_dma2 semaphore(%run_scoped3A : memref<!tpu.dma_semaphore, #tpu.memory_space<semaphore_mem>>) src(%dma_wait3A_79 : memref<640xf32, #tpu.memory_space<hbm>>) dst(%dma_wait3A_78 : memref<640xf32, #tpu.memory_space<vmem_shared>>)
      tpu.yield
    }) : () -> ()
    %barrier3A = arith.constant 0 : index
    tpu.barrier barrier_id(%barrier3A)
    %add3A_11 = arith.constant 0 : i32
    %add3A_12 = arith.addi %add3A, %add3A_11 : i32
    "tpu.region"() ({
      %run_scoped3A = tpu.sem_alloc : memref<!tpu.dma_semaphore, #tpu.memory_space<semaphore_mem>>
      %dma_start3A_76 = tpu.memref_slice %arg5[%add3A_12] : memref<320000xi32, #tpu.memory_space<hbm>> -> memref<80xi32, #tpu.memory_space<hbm>>
      %dma_start3A_77 = tpu.memref_slice %arg5[%add3A_12] : memref<320000xi32, #tpu.memory_space<hbm>> -> memref<80xi32, #tpu.memory_space<hbm>>
      tpu.enqueue_dma source(%dma_start3A_77 : memref<80xi32, #tpu.memory_space<hbm>>) target(%arg15 : memref<80xi32, #tpu.memory_space<vmem>>) target_semaphore(%run_scoped3A : memref<!tpu.dma_semaphore, #tpu.memory_space<semaphore_mem>>)
      %dma_wait3A_78 = tpu.memref_slice %arg5[%add3A_12] : memref<320000xi32, #tpu.memory_space<hbm>> -> memref<80xi32, #tpu.memory_space<hbm>>
      %dma_wait3A_79 = tpu.memref_slice %arg5[%add3A_12] : memref<320000xi32, #tpu.memory_space<hbm>> -> memref<80xi32, #tpu.memory_space<hbm>>
      tpu.wait_dma2 semaphore(%run_scoped3A : memref<!tpu.dma_semaphore, #tpu.memory_space<semaphore_mem>>) src(%dma_wait3A_79 : memref<80xi32, #tpu.memory_space<hbm>>) dst(%arg15 : memref<80xi32, #tpu.memory_space<vmem>>)
      tpu.yield
    }) : () -> ()
    "tpu.region"() ({
      %run_scoped3A = tpu.sem_alloc : memref<!tpu.dma_semaphore, #tpu.memory_space<semaphore_mem>>
      %dma_start3A_76 = tpu.memref_slice %arg6[%add3A_12] : memref<320000xi32, #tpu.memory_space<hbm>> -> memref<80xi32, #tpu.memory_space<hbm>>
      %dma_start3A_77 = tpu.memref_slice %arg6[%add3A_12] : memref<320000xi32, #tpu.memory_space<hbm>> -> memref<80xi32, #tpu.memory_space<hbm>>
      tpu.enqueue_dma source(%dma_start3A_77 : memref<80xi32, #tpu.memory_space<hbm>>) target(%arg19 : memref<80xi32, #tpu.memory_space<vmem>>) target_semaphore(%run_scoped3A : memref<!tpu.dma_semaphore, #tpu.memory_space<semaphore_mem>>)
      %dma_wait3A_78 = tpu.memref_slice %arg6[%add3A_12] : memref<320000xi32, #tpu.memory_space<hbm>> -> memref<80xi32, #tpu.memory_space<hbm>>
      %dma_wait3A_79 = tpu.memref_slice %arg6[%add3A_12] : memref<320000xi32, #tpu.memory_space<hbm>> -> memref<80xi32, #tpu.memory_space<hbm>>
      tpu.wait_dma2 semaphore(%run_scoped3A : memref<!tpu.dma_semaphore, #tpu.memory_space<semaphore_mem>>) src(%dma_wait3A_79 : memref<80xi32, #tpu.memory_space<hbm>>) dst(%arg19 : memref<80xi32, #tpu.memory_space<vmem>>)
      tpu.yield
    }) : () -> ()
    %scan3A = arith.constant 0 : i32
    %scan3A_13 = arith.constant 5 : i32
    %scan3A_14 = arith.addi %scan3A, %scan3A_13 : i32
    %scan3A_15 = arith.constant 1 : i32
    scf.for %scan3A_76 = %scan3A to %scan3A_14 step %scan3A_15  : i32 {
      %mul3A_77 = arith.constant 16 : i32
      %mul3A_78 = arith.muli %scan3A_76, %mul3A_77 : i32
      %add3A_79 = arith.constant 0 : i32
      %add3A_80 = arith.addi %add3A_79, %mul3A_78 : i32
      %get3A = arith.index_cast %add3A_80 : i32 to index
      %get3A_81 = tpu.vector_load %arg15[%get3A] {strides = array<i32>} : memref<80xi32, #tpu.memory_space<vmem>>, vector<16xi32>,
      %get3A_82 = arith.index_cast %add3A_80 : i32 to index
      %get3A_83 = tpu.vector_load %arg19[%get3A_82] {strides = array<i32>} : memref<80xi32, #tpu.memory_space<vmem>>, vector<16xi32>,
      %gather3A = tpu.vector_load_idx %arg13[%get3A_81] : memref<10000xf32, #tpu.memory_space<vmem>>[vector<16xi32>], vector<16xf32>,
      %gather3A_84 = tpu.vector_load_idx %arg14[%get3A_83] : memref<10000xf32, #tpu.memory_space<vmem>>[vector<16xi32>], vector<16xf32>,
      %add3A_85 = arith.addf %gather3A, %gather3A_84 : vector<16xf32>
      %gt3A = arith.constant 0.000000e+00 : f32
      %gt3A_86 = vector.broadcast %gt3A : f32 to vector<16xf32>
      %gt3A_87 = arith.cmpf ogt, %add3A_85, %gt3A_86 : vector<16xf32>
      %mul3A_88 = arith.constant 2.000000e-01 : f32
      %mul3A_89 = vector.broadcast %mul3A_88 : f32 to vector<16xf32>
      %mul3A_90 = arith.mulf %mul3A_89, %add3A_85 : vector<16xf32>
      %select_n3A = arith.select %gt3A_87, %add3A_85, %mul3A_90 : vector<16xi1>, vector<16xf32>
      %exp3A = math.exp %select_n3A : vector<16xf32>
      %swap3A = arith.index_cast %add3A_80 : i32 to index
      %swap3A_91 = tpu.vector_load %arg17[%swap3A] {strides = array<i32>} : memref<80xf32, #tpu.memory_space<vmem>>, vector<16xf32>,
      tpu.vector_store %arg17[%swap3A], %exp3A {strides = array<i32>} : memref<80xf32, #tpu.memory_space<vmem>>, vector<16xf32>,
    }
    %scan3A_16 = arith.constant 5 : i32
    %dma_start3A = arith.constant 0 : i32
    %dma_start3A_17 = arith.constant 0 : i32
    %dma_start3A_18 = tpu.memref_slice %arg2[%dma_start3A, %dma_start3A_17] : memref<10000x128xf32, #tpu.memory_space<hbm>> -> memref<10000x128xf32, #tpu.memory_space<hbm>>
    tpu.enqueue_indirect_dma source(%dma_start3A_18 : memref<10000x128xf32, #tpu.memory_space<hbm>>) target(%arg21 : memref<80x128xf32, #tpu.memory_space<vmem>>) offsets(%arg15 : memref<80xi32, #tpu.memory_space<vmem>>) semaphore(%arg23 : memref<!tpu.dma_semaphore, #tpu.memory_space<semaphore_mem>>)
    %scan3A_19 = arith.constant 0 : i32
    %scan3A_20 = arith.constant 62 : i32
    %scan3A_21 = arith.addi %scan3A_19, %scan3A_20 : i32
    %scan3A_22 = arith.constant 1 : i32
    scf.for %scan3A_76 = %scan3A_19 to %scan3A_21 step %scan3A_22  : i32 {
      %mul3A_77 = arith.constant 1 : i32
      %mul3A_78 = arith.muli %scan3A_76, %mul3A_77 : i32
      %add3A_79 = arith.constant 0 : i32
      %add3A_80 = arith.addi %add3A_79, %mul3A_78 : i32
      %mul3A_81 = arith.constant 2 : i32
      %mul3A_82 = arith.muli %mul3A_81, %add3A_80 : i32
      %add3A_83 = arith.constant 1 : i32
      %add3A_84 = arith.addi %mul3A_82, %add3A_83 : i32
      %mul3A_85 = arith.constant 2 : i32
      %mul3A_86 = arith.muli %mul3A_85, %add3A_80 : i32
      %add3A_87 = arith.constant 2 : i32
      %add3A_88 = arith.addi %mul3A_86, %add3A_87 : i32
      %gt3A = arith.constant 0 : i32
      %gt3A_89 = arith.cmpi sgt, %add3A_80, %gt3A : i32
      %convert_element_type3A = arith.extui %gt3A_89 : i1 to i32
      %cond3A = arith.constant 0 : i32
      %cond3A_90 = arith.cmpi ne, %convert_element_type3A, %cond3A : i32
      scf.if %cond3A_90 {
        %dma_wait3A_134 = arith.constant 0 : i32
        %dma_wait3A_135 = arith.constant 0 : i32
        %dma_wait3A_136 = tpu.memref_slice %arg11[%dma_wait3A_134, %dma_wait3A_135] : memref<10240x128xf32, #tpu.memory_space<vmem_shared>> -> memref<10240x128xf32, #tpu.memory_space<vmem_shared>>
        tpu.wait_indirect_dma semaphore(%arg26 : memref<!tpu.dma_semaphore, #tpu.memory_space<semaphore_mem>>) src(%arg22 : memref<80x128xf32, #tpu.memory_space<vmem>>) dst(%dma_wait3A_136 : memref<10240x128xf32, #tpu.memory_space<vmem_shared>>)
        %dma_wait3A_137 = arith.constant 0 : i32
        %dma_wait3A_138 = tpu.memref_slice %arg12[%dma_wait3A_137] : memref<10240xf32, #tpu.memory_space<vmem_shared>> -> memref<10240xf32, #tpu.memory_space<vmem_shared>>
        tpu.wait_indirect_dma semaphore(%arg28 : memref<!tpu.dma_semaphore, #tpu.memory_space<semaphore_mem>>) src(%arg18 : memref<80xf32, #tpu.memory_space<vmem>>) dst(%dma_wait3A_138 : memref<10240xf32, #tpu.memory_space<vmem_shared>>)
      } else {
      }
      %mul3A_91 = arith.constant 80 : i32
      %mul3A_92 = arith.muli %add3A_84, %mul3A_91 : i32
      %add3A_93 = arith.addi %add3A, %mul3A_92 : i32
      "tpu.region"() ({
        %run_scoped3A = tpu.sem_alloc : memref<!tpu.dma_semaphore, #tpu.memory_space<semaphore_mem>>
        %dma_start3A_134 = tpu.memref_slice %arg5[%add3A_93] : memref<320000xi32, #tpu.memory_space<hbm>> -> memref<80xi32, #tpu.memory_space<hbm>>
        %dma_start3A_135 = tpu.memref_slice %arg5[%add3A_93] : memref<320000xi32, #tpu.memory_space<hbm>> -> memref<80xi32, #tpu.memory_space<hbm>>
        tpu.enqueue_dma source(%dma_start3A_135 : memref<80xi32, #tpu.memory_space<hbm>>) target(%arg16 : memref<80xi32, #tpu.memory_space<vmem>>) target_semaphore(%run_scoped3A : memref<!tpu.dma_semaphore, #tpu.memory_space<semaphore_mem>>)
        %dma_wait3A_136 = tpu.memref_slice %arg5[%add3A_93] : memref<320000xi32, #tpu.memory_space<hbm>> -> memref<80xi32, #tpu.memory_space<hbm>>
        %dma_wait3A_137 = tpu.memref_slice %arg5[%add3A_93] : memref<320000xi32, #tpu.memory_space<hbm>> -> memref<80xi32, #tpu.memory_space<hbm>>
        tpu.wait_dma2 semaphore(%run_scoped3A : memref<!tpu.dma_semaphore, #tpu.memory_space<semaphore_mem>>) src(%dma_wait3A_137 : memref<80xi32, #tpu.memory_space<hbm>>) dst(%arg16 : memref<80xi32, #tpu.memory_space<vmem>>)
        tpu.yield
      }) : () -> ()
      "tpu.region"() ({
        %run_scoped3A = tpu.sem_alloc : memref<!tpu.dma_semaphore, #tpu.memory_space<semaphore_mem>>
        %dma_start3A_134 = tpu.memref_slice %arg6[%add3A_93] : memref<320000xi32, #tpu.memory_space<hbm>> -> memref<80xi32, #tpu.memory_space<hbm>>
        %dma_start3A_135 = tpu.memref_slice %arg6[%add3A_93] : memref<320000xi32, #tpu.memory_space<hbm>> -> memref<80xi32, #tpu.memory_space<hbm>>
        tpu.enqueue_dma source(%dma_start3A_135 : memref<80xi32, #tpu.memory_space<hbm>>) target(%arg20 : memref<80xi32, #tpu.memory_space<vmem>>) target_semaphore(%run_scoped3A : memref<!tpu.dma_semaphore, #tpu.memory_space<semaphore_mem>>)
        %dma_wait3A_136 = tpu.memref_slice %arg6[%add3A_93] : memref<320000xi32, #tpu.memory_space<hbm>> -> memref<80xi32, #tpu.memory_space<hbm>>
        %dma_wait3A_137 = tpu.memref_slice %arg6[%add3A_93] : memref<320000xi32, #tpu.memory_space<hbm>> -> memref<80xi32, #tpu.memory_space<hbm>>
        tpu.wait_dma2 semaphore(%run_scoped3A : memref<!tpu.dma_semaphore, #tpu.memory_space<semaphore_mem>>) src(%dma_wait3A_137 : memref<80xi32, #tpu.memory_space<hbm>>) dst(%arg20 : memref<80xi32, #tpu.memory_space<vmem>>)
        tpu.yield
      }) : () -> ()
      %scan3A_94 = arith.constant 0 : i32
      %scan3A_95 = arith.constant 5 : i32
      %scan3A_96 = arith.addi %scan3A_94, %scan3A_95 : i32
      %scan3A_97 = arith.constant 1 : i32
      scf.for %scan3A_134 = %scan3A_94 to %scan3A_96 step %scan3A_97  : i32 {
        %mul3A_135 = arith.constant 16 : i32
        %mul3A_136 = arith.muli %scan3A_134, %mul3A_135 : i32
        %add3A_137 = arith.constant 0 : i32
        %add3A_138 = arith.addi %add3A_137, %mul3A_136 : i32
        %get3A = arith.index_cast %add3A_138 : i32 to index
        %get3A_139 = tpu.vector_load %arg16[%get3A] {strides = array<i32>} : memref<80xi32, #tpu.memory_space<vmem>>, vector<16xi32>,
        %get3A_140 = arith.index_cast %add3A_138 : i32 to index
        %get3A_141 = tpu.vector_load %arg20[%get3A_140] {strides = array<i32>} : memref<80xi32, #tpu.memory_space<vmem>>, vector<16xi32>,
        %gather3A = tpu.vector_load_idx %arg13[%get3A_139] : memref<10000xf32, #tpu.memory_space<vmem>>[vector<16xi32>], vector<16xf32>,
        %gather3A_142 = tpu.vector_load_idx %arg14[%get3A_141] : memref<10000xf32, #tpu.memory_space<vmem>>[vector<16xi32>], vector<16xf32>,
        %add3A_143 = arith.addf %gather3A, %gather3A_142 : vector<16xf32>
        %gt3A_144 = arith.constant 0.000000e+00 : f32
        %gt3A_145 = vector.broadcast %gt3A_144 : f32 to vector<16xf32>
        %gt3A_146 = arith.cmpf ogt, %add3A_143, %gt3A_145 : vector<16xf32>
        %mul3A_147 = arith.constant 2.000000e-01 : f32
        %mul3A_148 = vector.broadcast %mul3A_147 : f32 to vector<16xf32>
        %mul3A_149 = arith.mulf %mul3A_148, %add3A_143 : vector<16xf32>
        %select_n3A = arith.select %gt3A_146, %add3A_143, %mul3A_149 : vector<16xi1>, vector<16xf32>
        %exp3A = math.exp %select_n3A : vector<16xf32>
        %swap3A = arith.index_cast %add3A_138 : i32 to index
        %swap3A_150 = tpu.vector_load %arg18[%swap3A] {strides = array<i32>} : memref<80xf32, #tpu.memory_space<vmem>>, vector<16xf32>,
        tpu.vector_store %arg18[%swap3A], %exp3A {strides = array<i32>} : memref<80xf32, #tpu.memory_space<vmem>>, vector<16xf32>,
      }
      %scan3A_98 = arith.constant 5 : i32
      %dma_start3A_99 = arith.constant 0 : i32
      %dma_start3A_100 = arith.constant 0 : i32
      %dma_start3A_101 = tpu.memref_slice %arg2[%dma_start3A_99, %dma_start3A_100] : memref<10000x128xf32, #tpu.memory_space<hbm>> -> memref<10000x128xf32, #tpu.memory_space<hbm>>
      tpu.enqueue_indirect_dma source(%dma_start3A_101 : memref<10000x128xf32, #tpu.memory_space<hbm>>) target(%arg22 : memref<80x128xf32, #tpu.memory_space<vmem>>) offsets(%arg16 : memref<80xi32, #tpu.memory_space<vmem>>) semaphore(%arg24 : memref<!tpu.dma_semaphore, #tpu.memory_space<semaphore_mem>>)
      %dma_wait3A_102 = arith.constant 0 : i32
      %dma_wait3A_103 = arith.constant 0 : i32
      %dma_wait3A_104 = tpu.memref_slice %arg2[%dma_wait3A_102, %dma_wait3A_103] : memref<10000x128xf32, #tpu.memory_space<hbm>> -> memref<10000x128xf32, #tpu.memory_space<hbm>>
      tpu.wait_indirect_dma semaphore(%arg23 : memref<!tpu.dma_semaphore, #tpu.memory_space<semaphore_mem>>) src(%dma_wait3A_104 : memref<10000x128xf32, #tpu.memory_space<hbm>>) dst(%arg21 : memref<80x128xf32, #tpu.memory_space<vmem>>)
      %scan3A_105 = arith.constant 0 : i32
      %scan3A_106 = arith.constant 80 : i32
      %scan3A_107 = arith.addi %scan3A_105, %scan3A_106 : i32
      %scan3A_108 = arith.constant 1 : i32
      scf.for %scan3A_134 = %scan3A_105 to %scan3A_107 step %scan3A_108  : i32 {
        %mul3A_135 = arith.constant 1 : i32
        %mul3A_136 = arith.muli %scan3A_134, %mul3A_135 : i32
        %add3A_137 = arith.constant 0 : i32
        %add3A_138 = arith.addi %add3A_137, %mul3A_136 : i32
        %broadcast_in_dim3A = vector.broadcast %add3A_138 : i32 to vector<16xi32>
        %gather3A = tpu.vector_load_idx %arg17[%broadcast_in_dim3A] : memref<80xf32, #tpu.memory_space<vmem>>[vector<16xi32>], vector<16xf32>,
        %get3A = arith.index_cast %add3A_138 : i32 to index
        %get3A_139 = arith.constant 0 : index
        %get3A_140 = tpu.vector_load %arg21[%get3A, %get3A_139] {strides = array<i32>} : memref<80x128xf32, #tpu.memory_space<vmem>>, vector<16xf32>,
        %mul3A_141 = arith.mulf %get3A_140, %gather3A : vector<16xf32>
        %swap3A = arith.index_cast %add3A_138 : i32 to index
        %swap3A_142 = arith.constant 0 : index
        %swap3A_143 = tpu.vector_load %arg21[%swap3A, %swap3A_142] {strides = array<i32>} : memref<80x128xf32, #tpu.memory_space<vmem>>, vector<16xf32>,
        tpu.vector_store %arg21[%swap3A, %swap3A_142], %mul3A_141 {strides = array<i32>} : memref<80x128xf32, #tpu.memory_space<vmem>>, vector<16xf32>,
        %get3A_144 = arith.index_cast %add3A_138 : i32 to index
        %get3A_145 = arith.constant 16 : index
        %get3A_146 = tpu.vector_load %arg21[%get3A_144, %get3A_145] {strides = array<i32>} : memref<80x128xf32, #tpu.memory_space<vmem>>, vector<16xf32>,
        %mul3A_147 = arith.mulf %get3A_146, %gather3A : vector<16xf32>
        %swap3A_148 = arith.index_cast %add3A_138 : i32 to index
        %swap3A_149 = arith.constant 16 : index
        %swap3A_150 = tpu.vector_load %arg21[%swap3A_148, %swap3A_149] {strides = array<i32>} : memref<80x128xf32, #tpu.memory_space<vmem>>, vector<16xf32>,
        tpu.vector_store %arg21[%swap3A_148, %swap3A_149], %mul3A_147 {strides = array<i32>} : memref<80x128xf32, #tpu.memory_space<vmem>>, vector<16xf32>,
        %get3A_151 = arith.index_cast %add3A_138 : i32 to index
        %get3A_152 = arith.constant 32 : index
        %get3A_153 = tpu.vector_load %arg21[%get3A_151, %get3A_152] {strides = array<i32>} : memref<80x128xf32, #tpu.memory_space<vmem>>, vector<16xf32>,
        %mul3A_154 = arith.mulf %get3A_153, %gather3A : vector<16xf32>
        %swap3A_155 = arith.index_cast %add3A_138 : i32 to index
        %swap3A_156 = arith.constant 32 : index
        %swap3A_157 = tpu.vector_load %arg21[%swap3A_155, %swap3A_156] {strides = array<i32>} : memref<80x128xf32, #tpu.memory_space<vmem>>, vector<16xf32>,
        tpu.vector_store %arg21[%swap3A_155, %swap3A_156], %mul3A_154 {strides = array<i32>} : memref<80x128xf32, #tpu.memory_space<vmem>>, vector<16xf32>,
        %get3A_158 = arith.index_cast %add3A_138 : i32 to index
        %get3A_159 = arith.constant 48 : index
        %get3A_160 = tpu.vector_load %arg21[%get3A_158, %get3A_159] {strides = array<i32>} : memref<80x128xf32, #tpu.memory_space<vmem>>, vector<16xf32>,
        %mul3A_161 = arith.mulf %get3A_160, %gather3A : vector<16xf32>
        %swap3A_162 = arith.index_cast %add3A_138 : i32 to index
        %swap3A_163 = arith.constant 48 : index
        %swap3A_164 = tpu.vector_load %arg21[%swap3A_162, %swap3A_163] {strides = array<i32>} : memref<80x128xf32, #tpu.memory_space<vmem>>, vector<16xf32>,
        tpu.vector_store %arg21[%swap3A_162, %swap3A_163], %mul3A_161 {strides = array<i32>} : memref<80x128xf32, #tpu.memory_space<vmem>>, vector<16xf32>,
        %get3A_165 = arith.index_cast %add3A_138 : i32 to index
        %get3A_166 = arith.constant 64 : index
        %get3A_167 = tpu.vector_load %arg21[%get3A_165, %get3A_166] {strides = array<i32>} : memref<80x128xf32, #tpu.memory_space<vmem>>, vector<16xf32>,
        %mul3A_168 = arith.mulf %get3A_167, %gather3A : vector<16xf32>
        %swap3A_169 = arith.index_cast %add3A_138 : i32 to index
        %swap3A_170 = arith.constant 64 : index
        %swap3A_171 = tpu.vector_load %arg21[%swap3A_169, %swap3A_170] {strides = array<i32>} : memref<80x128xf32, #tpu.memory_space<vmem>>, vector<16xf32>,
        tpu.vector_store %arg21[%swap3A_169, %swap3A_170], %mul3A_168 {strides = array<i32>} : memref<80x128xf32, #tpu.memory_space<vmem>>, vector<16xf32>,
        %get3A_172 = arith.index_cast %add3A_138 : i32 to index
        %get3A_173 = arith.constant 80 : index
        %get3A_174 = tpu.vector_load %arg21[%get3A_172, %get3A_173] {strides = array<i32>} : memref<80x128xf32, #tpu.memory_space<vmem>>, vector<16xf32>,
        %mul3A_175 = arith.mulf %get3A_174, %gather3A : vector<16xf32>
        %swap3A_176 = arith.index_cast %add3A_138 : i32 to index
        %swap3A_177 = arith.constant 80 : index
        %swap3A_178 = tpu.vector_load %arg21[%swap3A_176, %swap3A_177] {strides = array<i32>} : memref<80x128xf32, #tpu.memory_space<vmem>>, vector<16xf32>,
        tpu.vector_store %arg21[%swap3A_176, %swap3A_177], %mul3A_175 {strides = array<i32>} : memref<80x128xf32, #tpu.memory_space<vmem>>, vector<16xf32>,
        %get3A_179 = arith.index_cast %add3A_138 : i32 to index
        %get3A_180 = arith.constant 96 : index
        %get3A_181 = tpu.vector_load %arg21[%get3A_179, %get3A_180] {strides = array<i32>} : memref<80x128xf32, #tpu.memory_space<vmem>>, vector<16xf32>,
        %mul3A_182 = arith.mulf %get3A_181, %gather3A : vector<16xf32>
        %swap3A_183 = arith.index_cast %add3A_138 : i32 to index
        %swap3A_184 = arith.constant 96 : index
        %swap3A_185 = tpu.vector_load %arg21[%swap3A_183, %swap3A_184] {strides = array<i32>} : memref<80x128xf32, #tpu.memory_space<vmem>>, vector<16xf32>,
        tpu.vector_store %arg21[%swap3A_183, %swap3A_184], %mul3A_182 {strides = array<i32>} : memref<80x128xf32, #tpu.memory_space<vmem>>, vector<16xf32>,
        %get3A_186 = arith.index_cast %add3A_138 : i32 to index
        %get3A_187 = arith.constant 112 : index
        %get3A_188 = tpu.vector_load %arg21[%get3A_186, %get3A_187] {strides = array<i32>} : memref<80x128xf32, #tpu.memory_space<vmem>>, vector<16xf32>,
        %mul3A_189 = arith.mulf %get3A_188, %gather3A : vector<16xf32>
        %swap3A_190 = arith.index_cast %add3A_138 : i32 to index
        %swap3A_191 = arith.constant 112 : index
        %swap3A_192 = tpu.vector_load %arg21[%swap3A_190, %swap3A_191] {strides = array<i32>} : memref<80x128xf32, #tpu.memory_space<vmem>>, vector<16xf32>,
        tpu.vector_store %arg21[%swap3A_190, %swap3A_191], %mul3A_189 {strides = array<i32>} : memref<80x128xf32, #tpu.memory_space<vmem>>, vector<16xf32>,
      }
      %scan3A_109 = arith.constant 80 : i32
      %dma_start3A_110 = arith.constant 0 : i32
      %dma_start3A_111 = arith.constant 0 : i32
      %dma_start3A_112 = tpu.memref_slice %arg11[%dma_start3A_110, %dma_start3A_111] : memref<10240x128xf32, #tpu.memory_space<vmem_shared>> -> memref<10240x128xf32, #tpu.memory_space<vmem_shared>>
      tpu.enqueue_indirect_dma source(%arg21 : memref<80x128xf32, #tpu.memory_space<vmem>>) target(%dma_start3A_112 : memref<10240x128xf32, #tpu.memory_space<vmem_shared>>) offsets(%arg19 : memref<80xi32, #tpu.memory_space<vmem>>) semaphore(%arg25 : memref<!tpu.dma_semaphore, #tpu.memory_space<semaphore_mem>>) {add = true}
      %dma_start3A_113 = arith.constant 0 : i32
      %dma_start3A_114 = tpu.memref_slice %arg12[%dma_start3A_113] : memref<10240xf32, #tpu.memory_space<vmem_shared>> -> memref<10240xf32, #tpu.memory_space<vmem_shared>>
      tpu.enqueue_indirect_dma source(%arg17 : memref<80xf32, #tpu.memory_space<vmem>>) target(%dma_start3A_114 : memref<10240xf32, #tpu.memory_space<vmem_shared>>) offsets(%arg19 : memref<80xi32, #tpu.memory_space<vmem>>) semaphore(%arg27 : memref<!tpu.dma_semaphore, #tpu.memory_space<semaphore_mem>>) {add = true}
      %dma_wait3A_115 = arith.constant 0 : i32
      %dma_wait3A_116 = arith.constant 0 : i32
      %dma_wait3A_117 = tpu.memref_slice %arg2[%dma_wait3A_115, %dma_wait3A_116] : memref<10000x128xf32, #tpu.memory_space<hbm>> -> memref<10000x128xf32, #tpu.memory_space<hbm>>
      tpu.wait_indirect_dma semaphore(%arg24 : memref<!tpu.dma_semaphore, #tpu.memory_space<semaphore_mem>>) src(%dma_wait3A_117 : memref<10000x128xf32, #tpu.memory_space<hbm>>) dst(%arg22 : memref<80x128xf32, #tpu.memory_space<vmem>>)
      %scan3A_118 = arith.constant 0 : i32
      %scan3A_119 = arith.constant 80 : i32
      %scan3A_120 = arith.addi %scan3A_118, %scan3A_119 : i32
      %scan3A_121 = arith.constant 1 : i32
      scf.for %scan3A_134 = %scan3A_118 to %scan3A_120 step %scan3A_121  : i32 {
        %mul3A_135 = arith.constant 1 : i32
        %mul3A_136 = arith.muli %scan3A_134, %mul3A_135 : i32
        %add3A_137 = arith.constant 0 : i32
        %add3A_138 = arith.addi %add3A_137, %mul3A_136 : i32
        %broadcast_in_dim3A = vector.broadcast %add3A_138 : i32 to vector<16xi32>
        %gather3A = tpu.vector_load_idx %arg18[%broadcast_in_dim3A] : memref<80xf32, #tpu.memory_space<vmem>>[vector<16xi32>], vector<16xf32>,
        %get3A = arith.index_cast %add3A_138 : i32 to index
        %get3A_139 = arith.constant 0 : index
        %get3A_140 = tpu.vector_load %arg22[%get3A, %get3A_139] {strides = array<i32>} : memref<80x128xf32, #tpu.memory_space<vmem>>, vector<16xf32>,
        %mul3A_141 = arith.mulf %get3A_140, %gather3A : vector<16xf32>
        %swap3A = arith.index_cast %add3A_138 : i32 to index
        %swap3A_142 = arith.constant 0 : index
        %swap3A_143 = tpu.vector_load %arg22[%swap3A, %swap3A_142] {strides = array<i32>} : memref<80x128xf32, #tpu.memory_space<vmem>>, vector<16xf32>,
        tpu.vector_store %arg22[%swap3A, %swap3A_142], %mul3A_141 {strides = array<i32>} : memref<80x128xf32, #tpu.memory_space<vmem>>, vector<16xf32>,
        %get3A_144 = arith.index_cast %add3A_138 : i32 to index
        %get3A_145 = arith.constant 16 : index
        %get3A_146 = tpu.vector_load %arg22[%get3A_144, %get3A_145] {strides = array<i32>} : memref<80x128xf32, #tpu.memory_space<vmem>>, vector<16xf32>,
        %mul3A_147 = arith.mulf %get3A_146, %gather3A : vector<16xf32>
        %swap3A_148 = arith.index_cast %add3A_138 : i32 to index
        %swap3A_149 = arith.constant 16 : index
        %swap3A_150 = tpu.vector_load %arg22[%swap3A_148, %swap3A_149] {strides = array<i32>} : memref<80x128xf32, #tpu.memory_space<vmem>>, vector<16xf32>,
        tpu.vector_store %arg22[%swap3A_148, %swap3A_149], %mul3A_147 {strides = array<i32>} : memref<80x128xf32, #tpu.memory_space<vmem>>, vector<16xf32>,
        %get3A_151 = arith.index_cast %add3A_138 : i32 to index
        %get3A_152 = arith.constant 32 : index
        %get3A_153 = tpu.vector_load %arg22[%get3A_151, %get3A_152] {strides = array<i32>} : memref<80x128xf32, #tpu.memory_space<vmem>>, vector<16xf32>,
        %mul3A_154 = arith.mulf %get3A_153, %gather3A : vector<16xf32>
        %swap3A_155 = arith.index_cast %add3A_138 : i32 to index
        %swap3A_156 = arith.constant 32 : index
        %swap3A_157 = tpu.vector_load %arg22[%swap3A_155, %swap3A_156] {strides = array<i32>} : memref<80x128xf32, #tpu.memory_space<vmem>>, vector<16xf32>,
        tpu.vector_store %arg22[%swap3A_155, %swap3A_156], %mul3A_154 {strides = array<i32>} : memref<80x128xf32, #tpu.memory_space<vmem>>, vector<16xf32>,
        %get3A_158 = arith.index_cast %add3A_138 : i32 to index
        %get3A_159 = arith.constant 48 : index
        %get3A_160 = tpu.vector_load %arg22[%get3A_158, %get3A_159] {strides = array<i32>} : memref<80x128xf32, #tpu.memory_space<vmem>>, vector<16xf32>,
        %mul3A_161 = arith.mulf %get3A_160, %gather3A : vector<16xf32>
        %swap3A_162 = arith.index_cast %add3A_138 : i32 to index
        %swap3A_163 = arith.constant 48 : index
        %swap3A_164 = tpu.vector_load %arg22[%swap3A_162, %swap3A_163] {strides = array<i32>} : memref<80x128xf32, #tpu.memory_space<vmem>>, vector<16xf32>,
        tpu.vector_store %arg22[%swap3A_162, %swap3A_163], %mul3A_161 {strides = array<i32>} : memref<80x128xf32, #tpu.memory_space<vmem>>, vector<16xf32>,
        %get3A_165 = arith.index_cast %add3A_138 : i32 to index
        %get3A_166 = arith.constant 64 : index
        %get3A_167 = tpu.vector_load %arg22[%get3A_165, %get3A_166] {strides = array<i32>} : memref<80x128xf32, #tpu.memory_space<vmem>>, vector<16xf32>,
        %mul3A_168 = arith.mulf %get3A_167, %gather3A : vector<16xf32>
        %swap3A_169 = arith.index_cast %add3A_138 : i32 to index
        %swap3A_170 = arith.constant 64 : index
        %swap3A_171 = tpu.vector_load %arg22[%swap3A_169, %swap3A_170] {strides = array<i32>} : memref<80x128xf32, #tpu.memory_space<vmem>>, vector<16xf32>,
        tpu.vector_store %arg22[%swap3A_169, %swap3A_170], %mul3A_168 {strides = array<i32>} : memref<80x128xf32, #tpu.memory_space<vmem>>, vector<16xf32>,
        %get3A_172 = arith.index_cast %add3A_138 : i32 to index
        %get3A_173 = arith.constant 80 : index
        %get3A_174 = tpu.vector_load %arg22[%get3A_172, %get3A_173] {strides = array<i32>} : memref<80x128xf32, #tpu.memory_space<vmem>>, vector<16xf32>,
        %mul3A_175 = arith.mulf %get3A_174, %gather3A : vector<16xf32>
        %swap3A_176 = arith.index_cast %add3A_138 : i32 to index
        %swap3A_177 = arith.constant 80 : index
        %swap3A_178 = tpu.vector_load %arg22[%swap3A_176, %swap3A_177] {strides = array<i32>} : memref<80x128xf32, #tpu.memory_space<vmem>>, vector<16xf32>,
        tpu.vector_store %arg22[%swap3A_176, %swap3A_177], %mul3A_175 {strides = array<i32>} : memref<80x128xf32, #tpu.memory_space<vmem>>, vector<16xf32>,
        %get3A_179 = arith.index_cast %add3A_138 : i32 to index
        %get3A_180 = arith.constant 96 : index
        %get3A_181 = tpu.vector_load %arg22[%get3A_179, %get3A_180] {strides = array<i32>} : memref<80x128xf32, #tpu.memory_space<vmem>>, vector<16xf32>,
        %mul3A_182 = arith.mulf %get3A_181, %gather3A : vector<16xf32>
        %swap3A_183 = arith.index_cast %add3A_138 : i32 to index
        %swap3A_184 = arith.constant 96 : index
        %swap3A_185 = tpu.vector_load %arg22[%swap3A_183, %swap3A_184] {strides = array<i32>} : memref<80x128xf32, #tpu.memory_space<vmem>>, vector<16xf32>,
        tpu.vector_store %arg22[%swap3A_183, %swap3A_184], %mul3A_182 {strides = array<i32>} : memref<80x128xf32, #tpu.memory_space<vmem>>, vector<16xf32>,
        %get3A_186 = arith.index_cast %add3A_138 : i32 to index
        %get3A_187 = arith.constant 112 : index
        %get3A_188 = tpu.vector_load %arg22[%get3A_186, %get3A_187] {strides = array<i32>} : memref<80x128xf32, #tpu.memory_space<vmem>>, vector<16xf32>,
        %mul3A_189 = arith.mulf %get3A_188, %gather3A : vector<16xf32>
        %swap3A_190 = arith.index_cast %add3A_138 : i32 to index
        %swap3A_191 = arith.constant 112 : index
        %swap3A_192 = tpu.vector_load %arg22[%swap3A_190, %swap3A_191] {strides = array<i32>} : memref<80x128xf32, #tpu.memory_space<vmem>>, vector<16xf32>,
        tpu.vector_store %arg22[%swap3A_190, %swap3A_191], %mul3A_189 {strides = array<i32>} : memref<80x128xf32, #tpu.memory_space<vmem>>, vector<16xf32>,
      }
      %scan3A_122 = arith.constant 80 : i32
      %dma_start3A_123 = arith.constant 0 : i32
      %dma_start3A_124 = arith.constant 0 : i32
      %dma_start3A_125 = tpu.memref_slice %arg11[%dma_start3A_123, %dma_start3A_124] : memref<10240x128xf32, #tpu.memory_space<vmem_shared>> -> memref<10240x128xf32, #tpu.memory_space<vmem_shared>>
      tpu.enqueue_indirect_dma source(%arg22 : memref<80x128xf32, #tpu.memory_space<vmem>>) target(%dma_start3A_125 : memref<10240x128xf32, #tpu.memory_space<vmem_shared>>) offsets(%arg20 : memref<80xi32, #tpu.memory_space<vmem>>) semaphore(%arg26 : memref<!tpu.dma_semaphore, #tpu.memory_space<semaphore_mem>>) {add = true}
      %dma_start3A_126 = arith.constant 0 : i32
      %dma_start3A_127 = tpu.memref_slice %arg12[%dma_start3A_126] : memref<10240xf32, #tpu.memory_space<vmem_shared>> -> memref<10240xf32, #tpu.memory_space<vmem_shared>>
      tpu.enqueue_indirect_dma source(%arg18 : memref<80xf32, #tpu.memory_space<vmem>>) target(%dma_start3A_127 : memref<10240xf32, #tpu.memory_space<vmem_shared>>) offsets(%arg20 : memref<80xi32, #tpu.memory_space<vmem>>) semaphore(%arg28 : memref<!tpu.dma_semaphore, #tpu.memory_space<semaphore_mem>>) {add = true}
      %add3A_128 = arith.constant 1 : i32
      %add3A_129 = arith.addi %add3A_80, %add3A_128 : i32
      %lt3A = arith.constant 62 : i32
      %lt3A_130 = arith.cmpi slt, %add3A_129, %lt3A : i32
      %convert_element_type3A_131 = arith.extui %lt3A_130 : i1 to i32
      %cond3A_132 = arith.constant 0 : i32
      %cond3A_133 = arith.cmpi ne, %convert_element_type3A_131, %cond3A_132 : i32
      scf.if %cond3A_133 {
        %dma_wait3A_134 = arith.constant 0 : i32
        %dma_wait3A_135 = arith.constant 0 : i32
        %dma_wait3A_136 = tpu.memref_slice %arg11[%dma_wait3A_134, %dma_wait3A_135] : memref<10240x128xf32, #tpu.memory_space<vmem_shared>> -> memref<10240x128xf32, #tpu.memory_space<vmem_shared>>
        tpu.wait_indirect_dma semaphore(%arg25 : memref<!tpu.dma_semaphore, #tpu.memory_space<semaphore_mem>>) src(%arg21 : memref<80x128xf32, #tpu.memory_space<vmem>>) dst(%dma_wait3A_136 : memref<10240x128xf32, #tpu.memory_space<vmem_shared>>)
        %dma_wait3A_137 = arith.constant 0 : i32
        %dma_wait3A_138 = tpu.memref_slice %arg12[%dma_wait3A_137] : memref<10240xf32, #tpu.memory_space<vmem_shared>> -> memref<10240xf32, #tpu.memory_space<vmem_shared>>
        tpu.wait_indirect_dma semaphore(%arg27 : memref<!tpu.dma_semaphore, #tpu.memory_space<semaphore_mem>>) src(%arg17 : memref<80xf32, #tpu.memory_space<vmem>>) dst(%dma_wait3A_138 : memref<10240xf32, #tpu.memory_space<vmem_shared>>)
        %mul3A_139 = arith.constant 80 : i32
        %mul3A_140 = arith.muli %add3A_88, %mul3A_139 : i32
        %add3A_141 = arith.addi %add3A, %mul3A_140 : i32
        "tpu.region"() ({
          %run_scoped3A = tpu.sem_alloc : memref<!tpu.dma_semaphore, #tpu.memory_space<semaphore_mem>>
          %dma_start3A_150 = tpu.memref_slice %arg5[%add3A_141] : memref<320000xi32, #tpu.memory_space<hbm>> -> memref<80xi32, #tpu.memory_space<hbm>>
          %dma_start3A_151 = tpu.memref_slice %arg5[%add3A_141] : memref<320000xi32, #tpu.memory_space<hbm>> -> memref<80xi32, #tpu.memory_space<hbm>>
          tpu.enqueue_dma source(%dma_start3A_151 : memref<80xi32, #tpu.memory_space<hbm>>) target(%arg15 : memref<80xi32, #tpu.memory_space<vmem>>) target_semaphore(%run_scoped3A : memref<!tpu.dma_semaphore, #tpu.memory_space<semaphore_mem>>)
          %dma_wait3A_152 = tpu.memref_slice %arg5[%add3A_141] : memref<320000xi32, #tpu.memory_space<hbm>> -> memref<80xi32, #tpu.memory_space<hbm>>
          %dma_wait3A_153 = tpu.memref_slice %arg5[%add3A_141] : memref<320000xi32, #tpu.memory_space<hbm>> -> memref<80xi32, #tpu.memory_space<hbm>>
          tpu.wait_dma2 semaphore(%run_scoped3A : memref<!tpu.dma_semaphore, #tpu.memory_space<semaphore_mem>>) src(%dma_wait3A_153 : memref<80xi32, #tpu.memory_space<hbm>>) dst(%arg15 : memref<80xi32, #tpu.memory_space<vmem>>)
          tpu.yield
        }) : () -> ()
        "tpu.region"() ({
          %run_scoped3A = tpu.sem_alloc : memref<!tpu.dma_semaphore, #tpu.memory_space<semaphore_mem>>
          %dma_start3A_150 = tpu.memref_slice %arg6[%add3A_141] : memref<320000xi32, #tpu.memory_space<hbm>> -> memref<80xi32, #tpu.memory_space<hbm>>
          %dma_start3A_151 = tpu.memref_slice %arg6[%add3A_141] : memref<320000xi32, #tpu.memory_space<hbm>> -> memref<80xi32, #tpu.memory_space<hbm>>
          tpu.enqueue_dma source(%dma_start3A_151 : memref<80xi32, #tpu.memory_space<hbm>>) target(%arg19 : memref<80xi32, #tpu.memory_space<vmem>>) target_semaphore(%run_scoped3A : memref<!tpu.dma_semaphore, #tpu.memory_space<semaphore_mem>>)
          %dma_wait3A_152 = tpu.memref_slice %arg6[%add3A_141] : memref<320000xi32, #tpu.memory_space<hbm>> -> memref<80xi32, #tpu.memory_space<hbm>>
          %dma_wait3A_153 = tpu.memref_slice %arg6[%add3A_141] : memref<320000xi32, #tpu.memory_space<hbm>> -> memref<80xi32, #tpu.memory_space<hbm>>
          tpu.wait_dma2 semaphore(%run_scoped3A : memref<!tpu.dma_semaphore, #tpu.memory_space<semaphore_mem>>) src(%dma_wait3A_153 : memref<80xi32, #tpu.memory_space<hbm>>) dst(%arg19 : memref<80xi32, #tpu.memory_space<vmem>>)
          tpu.yield
        }) : () -> ()
        %scan3A_142 = arith.constant 0 : i32
        %scan3A_143 = arith.constant 5 : i32
        %scan3A_144 = arith.addi %scan3A_142, %scan3A_143 : i32
        %scan3A_145 = arith.constant 1 : i32
        scf.for %scan3A_150 = %scan3A_142 to %scan3A_144 step %scan3A_145  : i32 {
          %mul3A_151 = arith.constant 16 : i32
          %mul3A_152 = arith.muli %scan3A_150, %mul3A_151 : i32
          %add3A_153 = arith.constant 0 : i32
          %add3A_154 = arith.addi %add3A_153, %mul3A_152 : i32
          %get3A = arith.index_cast %add3A_154 : i32 to index
          %get3A_155 = tpu.vector_load %arg15[%get3A] {strides = array<i32>} : memref<80xi32, #tpu.memory_space<vmem>>, vector<16xi32>,
          %get3A_156 = arith.index_cast %add3A_154 : i32 to index
          %get3A_157 = tpu.vector_load %arg19[%get3A_156] {strides = array<i32>} : memref<80xi32, #tpu.memory_space<vmem>>, vector<16xi32>,
          %gather3A = tpu.vector_load_idx %arg13[%get3A_155] : memref<10000xf32, #tpu.memory_space<vmem>>[vector<16xi32>], vector<16xf32>,
          %gather3A_158 = tpu.vector_load_idx %arg14[%get3A_157] : memref<10000xf32, #tpu.memory_space<vmem>>[vector<16xi32>], vector<16xf32>,
          %add3A_159 = arith.addf %gather3A, %gather3A_158 : vector<16xf32>
          %gt3A_160 = arith.constant 0.000000e+00 : f32
          %gt3A_161 = vector.broadcast %gt3A_160 : f32 to vector<16xf32>
          %gt3A_162 = arith.cmpf ogt, %add3A_159, %gt3A_161 : vector<16xf32>
          %mul3A_163 = arith.constant 2.000000e-01 : f32
          %mul3A_164 = vector.broadcast %mul3A_163 : f32 to vector<16xf32>
          %mul3A_165 = arith.mulf %mul3A_164, %add3A_159 : vector<16xf32>
          %select_n3A = arith.select %gt3A_162, %add3A_159, %mul3A_165 : vector<16xi1>, vector<16xf32>
          %exp3A = math.exp %select_n3A : vector<16xf32>
          %swap3A = arith.index_cast %add3A_154 : i32 to index
          %swap3A_166 = tpu.vector_load %arg17[%swap3A] {strides = array<i32>} : memref<80xf32, #tpu.memory_space<vmem>>, vector<16xf32>,
          tpu.vector_store %arg17[%swap3A], %exp3A {strides = array<i32>} : memref<80xf32, #tpu.memory_space<vmem>>, vector<16xf32>,
        }
        %scan3A_146 = arith.constant 5 : i32
        %dma_start3A_147 = arith.constant 0 : i32
        %dma_start3A_148 = arith.constant 0 : i32
        %dma_start3A_149 = tpu.memref_slice %arg2[%dma_start3A_147, %dma_start3A_148] : memref<10000x128xf32, #tpu.memory_space<hbm>> -> memref<10000x128xf32, #tpu.memory_space<hbm>>
        tpu.enqueue_indirect_dma source(%dma_start3A_149 : memref<10000x128xf32, #tpu.memory_space<hbm>>) target(%arg21 : memref<80x128xf32, #tpu.memory_space<vmem>>) offsets(%arg15 : memref<80xi32, #tpu.memory_space<vmem>>) semaphore(%arg23 : memref<!tpu.dma_semaphore, #tpu.memory_space<semaphore_mem>>)
      } else {
      }
    }
    %scan3A_23 = arith.constant 62 : i32
    %dma_wait3A = arith.constant 0 : i32
    %dma_wait3A_24 = arith.constant 0 : i32
    %dma_wait3A_25 = tpu.memref_slice %arg11[%dma_wait3A, %dma_wait3A_24] : memref<10240x128xf32, #tpu.memory_space<vmem_shared>> -> memref<10240x128xf32, #tpu.memory_space<vmem_shared>>
    tpu.wait_indirect_dma semaphore(%arg25 : memref<!tpu.dma_semaphore, #tpu.memory_space<semaphore_mem>>) src(%arg21 : memref<80x128xf32, #tpu.memory_space<vmem>>) dst(%dma_wait3A_25 : memref<10240x128xf32, #tpu.memory_space<vmem_shared>>)
    %dma_wait3A_26 = arith.constant 0 : i32
    %dma_wait3A_27 = tpu.memref_slice %arg12[%dma_wait3A_26] : memref<10240xf32, #tpu.memory_space<vmem_shared>> -> memref<10240xf32, #tpu.memory_space<vmem_shared>>
    tpu.wait_indirect_dma semaphore(%arg27 : memref<!tpu.dma_semaphore, #tpu.memory_space<semaphore_mem>>) src(%arg17 : memref<80xf32, #tpu.memory_space<vmem>>) dst(%dma_wait3A_27 : memref<10240xf32, #tpu.memory_space<vmem_shared>>)
    %add3A_28 = arith.constant 9920 : i32
    %add3A_29 = arith.addi %add3A, %add3A_28 : i32
    "tpu.region"() ({
      %run_scoped3A = tpu.sem_alloc : memref<!tpu.dma_semaphore, #tpu.memory_space<semaphore_mem>>
      %dma_start3A_76 = tpu.memref_slice %arg5[%add3A_29] : memref<320000xi32, #tpu.memory_space<hbm>> -> memref<80xi32, #tpu.memory_space<hbm>>
      %dma_start3A_77 = tpu.memref_slice %arg5[%add3A_29] : memref<320000xi32, #tpu.memory_space<hbm>> -> memref<80xi32, #tpu.memory_space<hbm>>
      tpu.enqueue_dma source(%dma_start3A_77 : memref<80xi32, #tpu.memory_space<hbm>>) target(%arg15 : memref<80xi32, #tpu.memory_space<vmem>>) target_semaphore(%run_scoped3A : memref<!tpu.dma_semaphore, #tpu.memory_space<semaphore_mem>>)
      %dma_wait3A_78 = tpu.memref_slice %arg5[%add3A_29] : memref<320000xi32, #tpu.memory_space<hbm>> -> memref<80xi32, #tpu.memory_space<hbm>>
      %dma_wait3A_79 = tpu.memref_slice %arg5[%add3A_29] : memref<320000xi32, #tpu.memory_space<hbm>> -> memref<80xi32, #tpu.memory_space<hbm>>
      tpu.wait_dma2 semaphore(%run_scoped3A : memref<!tpu.dma_semaphore, #tpu.memory_space<semaphore_mem>>) src(%dma_wait3A_79 : memref<80xi32, #tpu.memory_space<hbm>>) dst(%arg15 : memref<80xi32, #tpu.memory_space<vmem>>)
      tpu.yield
    }) : () -> ()
    "tpu.region"() ({
      %run_scoped3A = tpu.sem_alloc : memref<!tpu.dma_semaphore, #tpu.memory_space<semaphore_mem>>
      %dma_start3A_76 = tpu.memref_slice %arg6[%add3A_29] : memref<320000xi32, #tpu.memory_space<hbm>> -> memref<80xi32, #tpu.memory_space<hbm>>
      %dma_start3A_77 = tpu.memref_slice %arg6[%add3A_29] : memref<320000xi32, #tpu.memory_space<hbm>> -> memref<80xi32, #tpu.memory_space<hbm>>
      tpu.enqueue_dma source(%dma_start3A_77 : memref<80xi32, #tpu.memory_space<hbm>>) target(%arg19 : memref<80xi32, #tpu.memory_space<vmem>>) target_semaphore(%run_scoped3A : memref<!tpu.dma_semaphore, #tpu.memory_space<semaphore_mem>>)
      %dma_wait3A_78 = tpu.memref_slice %arg6[%add3A_29] : memref<320000xi32, #tpu.memory_space<hbm>> -> memref<80xi32, #tpu.memory_space<hbm>>
      %dma_wait3A_79 = tpu.memref_slice %arg6[%add3A_29] : memref<320000xi32, #tpu.memory_space<hbm>> -> memref<80xi32, #tpu.memory_space<hbm>>
      tpu.wait_dma2 semaphore(%run_scoped3A : memref<!tpu.dma_semaphore, #tpu.memory_space<semaphore_mem>>) src(%dma_wait3A_79 : memref<80xi32, #tpu.memory_space<hbm>>) dst(%arg19 : memref<80xi32, #tpu.memory_space<vmem>>)
      tpu.yield
    }) : () -> ()
    %scan3A_30 = arith.constant 0 : i32
    %scan3A_31 = arith.constant 5 : i32
    %scan3A_32 = arith.addi %scan3A_30, %scan3A_31 : i32
    %scan3A_33 = arith.constant 1 : i32
    scf.for %scan3A_76 = %scan3A_30 to %scan3A_32 step %scan3A_33  : i32 {
      %mul3A_77 = arith.constant 16 : i32
      %mul3A_78 = arith.muli %scan3A_76, %mul3A_77 : i32
      %add3A_79 = arith.constant 0 : i32
      %add3A_80 = arith.addi %add3A_79, %mul3A_78 : i32
      %get3A = arith.index_cast %add3A_80 : i32 to index
      %get3A_81 = tpu.vector_load %arg15[%get3A] {strides = array<i32>} : memref<80xi32, #tpu.memory_space<vmem>>, vector<16xi32>,
      %get3A_82 = arith.index_cast %add3A_80 : i32 to index
      %get3A_83 = tpu.vector_load %arg19[%get3A_82] {strides = array<i32>} : memref<80xi32, #tpu.memory_space<vmem>>, vector<16xi32>,
      %gather3A = tpu.vector_load_idx %arg13[%get3A_81] : memref<10000xf32, #tpu.memory_space<vmem>>[vector<16xi32>], vector<16xf32>,
      %gather3A_84 = tpu.vector_load_idx %arg14[%get3A_83] : memref<10000xf32, #tpu.memory_space<vmem>>[vector<16xi32>], vector<16xf32>,
      %add3A_85 = arith.addf %gather3A, %gather3A_84 : vector<16xf32>
      %gt3A = arith.constant 0.000000e+00 : f32
      %gt3A_86 = vector.broadcast %gt3A : f32 to vector<16xf32>
      %gt3A_87 = arith.cmpf ogt, %add3A_85, %gt3A_86 : vector<16xf32>
      %mul3A_88 = arith.constant 2.000000e-01 : f32
      %mul3A_89 = vector.broadcast %mul3A_88 : f32 to vector<16xf32>
      %mul3A_90 = arith.mulf %mul3A_89, %add3A_85 : vector<16xf32>
      %select_n3A = arith.select %gt3A_87, %add3A_85, %mul3A_90 : vector<16xi1>, vector<16xf32>
      %exp3A = math.exp %select_n3A : vector<16xf32>
      %swap3A = arith.index_cast %add3A_80 : i32 to index
      %swap3A_91 = tpu.vector_load %arg17[%swap3A] {strides = array<i32>} : memref<80xf32, #tpu.memory_space<vmem>>, vector<16xf32>,
      tpu.vector_store %arg17[%swap3A], %exp3A {strides = array<i32>} : memref<80xf32, #tpu.memory_space<vmem>>, vector<16xf32>,
    }
    %scan3A_34 = arith.constant 5 : i32
    %dma_start3A_35 = arith.constant 0 : i32
    %dma_start3A_36 = arith.constant 0 : i32
    %dma_start3A_37 = tpu.memref_slice %arg2[%dma_start3A_35, %dma_start3A_36] : memref<10000x128xf32, #tpu.memory_space<hbm>> -> memref<10000x128xf32, #tpu.memory_space<hbm>>
    tpu.enqueue_indirect_dma source(%dma_start3A_37 : memref<10000x128xf32, #tpu.memory_space<hbm>>) target(%arg21 : memref<80x128xf32, #tpu.memory_space<vmem>>) offsets(%arg15 : memref<80xi32, #tpu.memory_space<vmem>>) semaphore(%arg23 : memref<!tpu.dma_semaphore, #tpu.memory_space<semaphore_mem>>)
    %dma_wait3A_38 = arith.constant 0 : i32
    %dma_wait3A_39 = arith.constant 0 : i32
    %dma_wait3A_40 = tpu.memref_slice %arg2[%dma_wait3A_38, %dma_wait3A_39] : memref<10000x128xf32, #tpu.memory_space<hbm>> -> memref<10000x128xf32, #tpu.memory_space<hbm>>
    tpu.wait_indirect_dma semaphore(%arg23 : memref<!tpu.dma_semaphore, #tpu.memory_space<semaphore_mem>>) src(%dma_wait3A_40 : memref<10000x128xf32, #tpu.memory_space<hbm>>) dst(%arg21 : memref<80x128xf32, #tpu.memory_space<vmem>>)
    %scan3A_41 = arith.constant 0 : i32
    %scan3A_42 = arith.constant 80 : i32
    %scan3A_43 = arith.addi %scan3A_41, %scan3A_42 : i32
    %scan3A_44 = arith.constant 1 : i32
    scf.for %scan3A_76 = %scan3A_41 to %scan3A_43 step %scan3A_44  : i32 {
      %mul3A_77 = arith.constant 1 : i32
      %mul3A_78 = arith.muli %scan3A_76, %mul3A_77 : i32
      %add3A_79 = arith.constant 0 : i32
      %add3A_80 = arith.addi %add3A_79, %mul3A_78 : i32
      %broadcast_in_dim3A = vector.broadcast %add3A_80 : i32 to vector<16xi32>
      %gather3A = tpu.vector_load_idx %arg17[%broadcast_in_dim3A] : memref<80xf32, #tpu.memory_space<vmem>>[vector<16xi32>], vector<16xf32>,
      %get3A = arith.index_cast %add3A_80 : i32 to index
      %get3A_81 = arith.constant 0 : index
      %get3A_82 = tpu.vector_load %arg21[%get3A, %get3A_81] {strides = array<i32>} : memref<80x128xf32, #tpu.memory_space<vmem>>, vector<16xf32>,
      %mul3A_83 = arith.mulf %get3A_82, %gather3A : vector<16xf32>
      %swap3A = arith.index_cast %add3A_80 : i32 to index
      %swap3A_84 = arith.constant 0 : index
      %swap3A_85 = tpu.vector_load %arg21[%swap3A, %swap3A_84] {strides = array<i32>} : memref<80x128xf32, #tpu.memory_space<vmem>>, vector<16xf32>,
      tpu.vector_store %arg21[%swap3A, %swap3A_84], %mul3A_83 {strides = array<i32>} : memref<80x128xf32, #tpu.memory_space<vmem>>, vector<16xf32>,
      %get3A_86 = arith.index_cast %add3A_80 : i32 to index
      %get3A_87 = arith.constant 16 : index
      %get3A_88 = tpu.vector_load %arg21[%get3A_86, %get3A_87] {strides = array<i32>} : memref<80x128xf32, #tpu.memory_space<vmem>>, vector<16xf32>,
      %mul3A_89 = arith.mulf %get3A_88, %gather3A : vector<16xf32>
      %swap3A_90 = arith.index_cast %add3A_80 : i32 to index
      %swap3A_91 = arith.constant 16 : index
      %swap3A_92 = tpu.vector_load %arg21[%swap3A_90, %swap3A_91] {strides = array<i32>} : memref<80x128xf32, #tpu.memory_space<vmem>>, vector<16xf32>,
      tpu.vector_store %arg21[%swap3A_90, %swap3A_91], %mul3A_89 {strides = array<i32>} : memref<80x128xf32, #tpu.memory_space<vmem>>, vector<16xf32>,
      %get3A_93 = arith.index_cast %add3A_80 : i32 to index
      %get3A_94 = arith.constant 32 : index
      %get3A_95 = tpu.vector_load %arg21[%get3A_93, %get3A_94] {strides = array<i32>} : memref<80x128xf32, #tpu.memory_space<vmem>>, vector<16xf32>,
      %mul3A_96 = arith.mulf %get3A_95, %gather3A : vector<16xf32>
      %swap3A_97 = arith.index_cast %add3A_80 : i32 to index
      %swap3A_98 = arith.constant 32 : index
      %swap3A_99 = tpu.vector_load %arg21[%swap3A_97, %swap3A_98] {strides = array<i32>} : memref<80x128xf32, #tpu.memory_space<vmem>>, vector<16xf32>,
      tpu.vector_store %arg21[%swap3A_97, %swap3A_98], %mul3A_96 {strides = array<i32>} : memref<80x128xf32, #tpu.memory_space<vmem>>, vector<16xf32>,
      %get3A_100 = arith.index_cast %add3A_80 : i32 to index
      %get3A_101 = arith.constant 48 : index
      %get3A_102 = tpu.vector_load %arg21[%get3A_100, %get3A_101] {strides = array<i32>} : memref<80x128xf32, #tpu.memory_space<vmem>>, vector<16xf32>,
      %mul3A_103 = arith.mulf %get3A_102, %gather3A : vector<16xf32>
      %swap3A_104 = arith.index_cast %add3A_80 : i32 to index
      %swap3A_105 = arith.constant 48 : index
      %swap3A_106 = tpu.vector_load %arg21[%swap3A_104, %swap3A_105] {strides = array<i32>} : memref<80x128xf32, #tpu.memory_space<vmem>>, vector<16xf32>,
      tpu.vector_store %arg21[%swap3A_104, %swap3A_105], %mul3A_103 {strides = array<i32>} : memref<80x128xf32, #tpu.memory_space<vmem>>, vector<16xf32>,
      %get3A_107 = arith.index_cast %add3A_80 : i32 to index
      %get3A_108 = arith.constant 64 : index
      %get3A_109 = tpu.vector_load %arg21[%get3A_107, %get3A_108] {strides = array<i32>} : memref<80x128xf32, #tpu.memory_space<vmem>>, vector<16xf32>,
      %mul3A_110 = arith.mulf %get3A_109, %gather3A : vector<16xf32>
      %swap3A_111 = arith.index_cast %add3A_80 : i32 to index
      %swap3A_112 = arith.constant 64 : index
      %swap3A_113 = tpu.vector_load %arg21[%swap3A_111, %swap3A_112] {strides = array<i32>} : memref<80x128xf32, #tpu.memory_space<vmem>>, vector<16xf32>,
      tpu.vector_store %arg21[%swap3A_111, %swap3A_112], %mul3A_110 {strides = array<i32>} : memref<80x128xf32, #tpu.memory_space<vmem>>, vector<16xf32>,
      %get3A_114 = arith.index_cast %add3A_80 : i32 to index
      %get3A_115 = arith.constant 80 : index
      %get3A_116 = tpu.vector_load %arg21[%get3A_114, %get3A_115] {strides = array<i32>} : memref<80x128xf32, #tpu.memory_space<vmem>>, vector<16xf32>,
      %mul3A_117 = arith.mulf %get3A_116, %gather3A : vector<16xf32>
      %swap3A_118 = arith.index_cast %add3A_80 : i32 to index
      %swap3A_119 = arith.constant 80 : index
      %swap3A_120 = tpu.vector_load %arg21[%swap3A_118, %swap3A_119] {strides = array<i32>} : memref<80x128xf32, #tpu.memory_space<vmem>>, vector<16xf32>,
      tpu.vector_store %arg21[%swap3A_118, %swap3A_119], %mul3A_117 {strides = array<i32>} : memref<80x128xf32, #tpu.memory_space<vmem>>, vector<16xf32>,
      %get3A_121 = arith.index_cast %add3A_80 : i32 to index
      %get3A_122 = arith.constant 96 : index
      %get3A_123 = tpu.vector_load %arg21[%get3A_121, %get3A_122] {strides = array<i32>} : memref<80x128xf32, #tpu.memory_space<vmem>>, vector<16xf32>,
      %mul3A_124 = arith.mulf %get3A_123, %gather3A : vector<16xf32>
      %swap3A_125 = arith.index_cast %add3A_80 : i32 to index
      %swap3A_126 = arith.constant 96 : index
      %swap3A_127 = tpu.vector_load %arg21[%swap3A_125, %swap3A_126] {strides = array<i32>} : memref<80x128xf32, #tpu.memory_space<vmem>>, vector<16xf32>,
      tpu.vector_store %arg21[%swap3A_125, %swap3A_126], %mul3A_124 {strides = array<i32>} : memref<80x128xf32, #tpu.memory_space<vmem>>, vector<16xf32>,
      %get3A_128 = arith.index_cast %add3A_80 : i32 to index
      %get3A_129 = arith.constant 112 : index
      %get3A_130 = tpu.vector_load %arg21[%get3A_128, %get3A_129] {strides = array<i32>} : memref<80x128xf32, #tpu.memory_space<vmem>>, vector<16xf32>,
      %mul3A_131 = arith.mulf %get3A_130, %gather3A : vector<16xf32>
      %swap3A_132 = arith.index_cast %add3A_80 : i32 to index
      %swap3A_133 = arith.constant 112 : index
      %swap3A_134 = tpu.vector_load %arg21[%swap3A_132, %swap3A_133] {strides = array<i32>} : memref<80x128xf32, #tpu.memory_space<vmem>>, vector<16xf32>,
      tpu.vector_store %arg21[%swap3A_132, %swap3A_133], %mul3A_131 {strides = array<i32>} : memref<80x128xf32, #tpu.memory_space<vmem>>, vector<16xf32>,
    }
    %scan3A_45 = arith.constant 80 : i32
    %dma_start3A_46 = arith.constant 0 : i32
    %dma_start3A_47 = arith.constant 0 : i32
    %dma_start3A_48 = tpu.memref_slice %arg11[%dma_start3A_46, %dma_start3A_47] : memref<10240x128xf32, #tpu.memory_space<vmem_shared>> -> memref<10240x128xf32, #tpu.memory_space<vmem_shared>>
    tpu.enqueue_indirect_dma source(%arg21 : memref<80x128xf32, #tpu.memory_space<vmem>>) target(%dma_start3A_48 : memref<10240x128xf32, #tpu.memory_space<vmem_shared>>) offsets(%arg19 : memref<80xi32, #tpu.memory_space<vmem>>) semaphore(%arg25 : memref<!tpu.dma_semaphore, #tpu.memory_space<semaphore_mem>>) {add = true}
    %dma_start3A_49 = arith.constant 0 : i32
    %dma_start3A_50 = tpu.memref_slice %arg12[%dma_start3A_49] : memref<10240xf32, #tpu.memory_space<vmem_shared>> -> memref<10240xf32, #tpu.memory_space<vmem_shared>>
    tpu.enqueue_indirect_dma source(%arg17 : memref<80xf32, #tpu.memory_space<vmem>>) target(%dma_start3A_50 : memref<10240xf32, #tpu.memory_space<vmem_shared>>) offsets(%arg19 : memref<80xi32, #tpu.memory_space<vmem>>) semaphore(%arg27 : memref<!tpu.dma_semaphore, #tpu.memory_space<semaphore_mem>>) {add = true}
    %dma_wait3A_51 = arith.constant 0 : i32
    %dma_wait3A_52 = arith.constant 0 : i32
    %dma_wait3A_53 = tpu.memref_slice %arg11[%dma_wait3A_51, %dma_wait3A_52] : memref<10240x128xf32, #tpu.memory_space<vmem_shared>> -> memref<10240x128xf32, #tpu.memory_space<vmem_shared>>
    tpu.wait_indirect_dma semaphore(%arg25 : memref<!tpu.dma_semaphore, #tpu.memory_space<semaphore_mem>>) src(%arg21 : memref<80x128xf32, #tpu.memory_space<vmem>>) dst(%dma_wait3A_53 : memref<10240x128xf32, #tpu.memory_space<vmem_shared>>)
    %dma_wait3A_54 = arith.constant 0 : i32
    %dma_wait3A_55 = tpu.memref_slice %arg12[%dma_wait3A_54] : memref<10240xf32, #tpu.memory_space<vmem_shared>> -> memref<10240xf32, #tpu.memory_space<vmem_shared>>
    tpu.wait_indirect_dma semaphore(%arg27 : memref<!tpu.dma_semaphore, #tpu.memory_space<semaphore_mem>>) src(%arg17 : memref<80xf32, #tpu.memory_space<vmem>>) dst(%dma_wait3A_55 : memref<10240xf32, #tpu.memory_space<vmem_shared>>)
    %dma_wait3A_56 = arith.constant 0 : i32
    %dma_wait3A_57 = arith.constant 0 : i32
    %dma_wait3A_58 = tpu.memref_slice %arg11[%dma_wait3A_56, %dma_wait3A_57] : memref<10240x128xf32, #tpu.memory_space<vmem_shared>> -> memref<10240x128xf32, #tpu.memory_space<vmem_shared>>
    tpu.wait_indirect_dma semaphore(%arg26 : memref<!tpu.dma_semaphore, #tpu.memory_space<semaphore_mem>>) src(%arg22 : memref<80x128xf32, #tpu.memory_space<vmem>>) dst(%dma_wait3A_58 : memref<10240x128xf32, #tpu.memory_space<vmem_shared>>)
    %dma_wait3A_59 = arith.constant 0 : i32
    %dma_wait3A_60 = tpu.memref_slice %arg12[%dma_wait3A_59] : memref<10240xf32, #tpu.memory_space<vmem_shared>> -> memref<10240xf32, #tpu.memory_space<vmem_shared>>
    tpu.wait_indirect_dma semaphore(%arg28 : memref<!tpu.dma_semaphore, #tpu.memory_space<semaphore_mem>>) src(%arg18 : memref<80xf32, #tpu.memory_space<vmem>>) dst(%dma_wait3A_60 : memref<10240xf32, #tpu.memory_space<vmem_shared>>)
    %barrier3A_61 = arith.constant 0 : index
    tpu.barrier barrier_id(%barrier3A_61)
    %mul3A_62 = arith.constant 640 : i32
    %mul3A_63 = arith.muli %arg1, %mul3A_62 : i32
    %mul3A_64 = arith.constant 10240 : i32
    %mul3A_65 = arith.muli %arg0, %mul3A_64 : i32
    %mul3A_66 = arith.constant 640 : i32
    %mul3A_67 = arith.muli %arg1, %mul3A_66 : i32
    %add3A_68 = arith.addi %mul3A_65, %mul3A_67 : i32
    "tpu.region"() ({
      %run_scoped3A = tpu.sem_alloc : memref<!tpu.dma_semaphore, #tpu.memory_space<semaphore_mem>>
      %dma_start3A_76 = arith.constant 0 : i32
      %dma_start3A_77 = tpu.memref_slice %arg9[%add3A_68, %dma_start3A_76] : memref<20480x128xf32, #tpu.memory_space<hbm>> -> memref<640x128xf32, #tpu.memory_space<hbm>>
      %dma_start3A_78 = arith.constant 0 : i32
      %dma_start3A_79 = tpu.memref_slice %arg11[%mul3A_63, %dma_start3A_78] : memref<10240x128xf32, #tpu.memory_space<vmem_shared>> -> memref<640x128xf32, #tpu.memory_space<vmem_shared>>
      tpu.enqueue_dma source(%dma_start3A_79 : memref<640x128xf32, #tpu.memory_space<vmem_shared>>) target(%dma_start3A_77 : memref<640x128xf32, #tpu.memory_space<hbm>>) target_semaphore(%run_scoped3A : memref<!tpu.dma_semaphore, #tpu.memory_space<semaphore_mem>>)
      %dma_wait3A_80 = arith.constant 0 : i32
      %dma_wait3A_81 = tpu.memref_slice %arg9[%add3A_68, %dma_wait3A_80] : memref<20480x128xf32, #tpu.memory_space<hbm>> -> memref<640x128xf32, #tpu.memory_space<hbm>>
      %dma_wait3A_82 = arith.constant 0 : i32
      %dma_wait3A_83 = tpu.memref_slice %arg11[%mul3A_63, %dma_wait3A_82] : memref<10240x128xf32, #tpu.memory_space<vmem_shared>> -> memref<640x128xf32, #tpu.memory_space<vmem_shared>>
      tpu.wait_dma2 semaphore(%run_scoped3A : memref<!tpu.dma_semaphore, #tpu.memory_space<semaphore_mem>>) src(%dma_wait3A_83 : memref<640x128xf32, #tpu.memory_space<vmem_shared>>) dst(%dma_wait3A_81 : memref<640x128xf32, #tpu.memory_space<hbm>>)
      tpu.yield
    }) : () -> ()
    %mul3A_69 = arith.constant 640 : i32
    %mul3A_70 = arith.muli %arg1, %mul3A_69 : i32
    %mul3A_71 = arith.constant 10240 : i32
    %mul3A_72 = arith.muli %arg0, %mul3A_71 : i32
    %mul3A_73 = arith.constant 640 : i32
    %mul3A_74 = arith.muli %arg1, %mul3A_73 : i32
    %add3A_75 = arith.addi %mul3A_72, %mul3A_74 : i32
    "tpu.region"() ({
      %run_scoped3A = tpu.sem_alloc : memref<!tpu.dma_semaphore, #tpu.memory_space<semaphore_mem>>
      %dma_start3A_76 = tpu.memref_slice %arg10[%add3A_75] : memref<20480xf32, #tpu.memory_space<hbm>> -> memref<640xf32, #tpu.memory_space<hbm>>
      %dma_start3A_77 = tpu.memref_slice %arg12[%mul3A_70] : memref<10240xf32, #tpu.memory_space<vmem_shared>> -> memref<640xf32, #tpu.memory_space<vmem_shared>>
      tpu.enqueue_dma source(%dma_start3A_77 : memref<640xf32, #tpu.memory_space<vmem_shared>>) target(%dma_start3A_76 : memref<640xf32, #tpu.memory_space<hbm>>) target_semaphore(%run_scoped3A : memref<!tpu.dma_semaphore, #tpu.memory_space<semaphore_mem>>)
      %dma_wait3A_78 = tpu.memref_slice %arg10[%add3A_75] : memref<20480xf32, #tpu.memory_space<hbm>> -> memref<640xf32, #tpu.memory_space<hbm>>
      %dma_wait3A_79 = tpu.memref_slice %arg12[%mul3A_70] : memref<10240xf32, #tpu.memory_space<vmem_shared>> -> memref<640xf32, #tpu.memory_space<vmem_shared>>
      tpu.wait_dma2 semaphore(%run_scoped3A : memref<!tpu.dma_semaphore, #tpu.memory_space<semaphore_mem>>) src(%dma_wait3A_79 : memref<640xf32, #tpu.memory_space<vmem_shared>>) dst(%dma_wait3A_78 : memref<640xf32, #tpu.memory_space<hbm>>)
      tpu.yield
    }) : () -> ()
    return
  }
}

#map = affine_map<(d0, d1) -> (0, 0)>
#map1 = affine_map<(d0, d1) -> (0)>
module attributes {stable_mosaic.version = 14 : i64} {
  func.func @body(%arg0: i32, %arg1: i32, %arg2: memref<20000x128xf32, #tpu.memory_space<hbm>>, %arg3: memref<20000xf32, #tpu.memory_space<hbm>>, %arg4: memref<20000xf32, #tpu.memory_space<hbm>>, %arg5: memref<320000xi32, #tpu.memory_space<hbm>>, %arg6: memref<320000xi32, #tpu.memory_space<hbm>>, %arg7: memref<10240x128xf32, #tpu.memory_space<hbm>>, %arg8: memref<10240xf32, #tpu.memory_space<hbm>>, %arg9: memref<20480x128xf32, #tpu.memory_space<hbm>>, %arg10: memref<20480xf32, #tpu.memory_space<hbm>>, %arg11: memref<10240x128xf32, #tpu.memory_space<vmem_shared>>, %arg12: memref<10240xf32, #tpu.memory_space<vmem_shared>>, %arg13: memref<10000xf32, #tpu.memory_space<vmem>>, %arg14: memref<10000xf32, #tpu.memory_space<vmem>>, %arg15: memref<80xi32, #tpu.memory_space<vmem>>, %arg16: memref<80xi32, #tpu.memory_space<vmem>>, %arg17: memref<80xf32, #tpu.memory_space<vmem>>, %arg18: memref<80xf32, #tpu.memory_space<vmem>>, %arg19: memref<80xi32, #tpu.memory_space<vmem>>, %arg20: memref<80xi32, #tpu.memory_space<vmem>>, %arg21: memref<80x128xf32, #tpu.memory_space<vmem>>, %arg22: memref<80x128xf32, #tpu.memory_space<vmem>>, %arg23: memref<!tpu.dma_semaphore, #tpu.memory_space<semaphore_mem>>, %arg24: memref<!tpu.dma_semaphore, #tpu.memory_space<semaphore_mem>>, %arg25: memref<!tpu.dma_semaphore, #tpu.memory_space<semaphore_mem>>, %arg26: memref<!tpu.dma_semaphore, #tpu.memory_space<semaphore_mem>>, %arg27: memref<!tpu.dma_semaphore, #tpu.memory_space<semaphore_mem>>, %arg28: memref<!tpu.dma_semaphore, #tpu.memory_space<semaphore_mem>>) attributes {dimension_semantics = [#tpu.dimension_semantics<core_parallel>, #tpu.dimension_semantics<subcore_parallel>], iteration_bounds = array<i64: 2, 16>, scalar_prefetch = 0 : i64, scratch_operands = 18 : i64, tpu.core_type = #tpu.core_type<sc_vector_subcore>, window_params = [{transform_indices = #map}, {transform_indices = #map1}, {transform_indices = #map1}, {transform_indices = #map1}, {transform_indices = #map1}, {transform_indices = #map}, {transform_indices = #map1}, {transform_indices = #map}, {transform_indices = #map1}]} {
    %mul3A = arith.constant 10000 : i32
    %mul3A_0 = arith.muli %arg0, %mul3A : i32
    "tpu.region"() ({
      %run_scoped3A = tpu.sem_alloc : memref<!tpu.dma_semaphore, #tpu.memory_space<semaphore_mem>>
      %dma_start3A_47 = tpu.memref_slice %arg3[%mul3A_0] : memref<20000xf32, #tpu.memory_space<hbm>> -> memref<10000xf32, #tpu.memory_space<hbm>>
      %dma_start3A_48 = tpu.memref_slice %arg3[%mul3A_0] : memref<20000xf32, #tpu.memory_space<hbm>> -> memref<10000xf32, #tpu.memory_space<hbm>>
      tpu.enqueue_dma source(%dma_start3A_48 : memref<10000xf32, #tpu.memory_space<hbm>>) target(%arg13 : memref<10000xf32, #tpu.memory_space<vmem>>) target_semaphore(%run_scoped3A : memref<!tpu.dma_semaphore, #tpu.memory_space<semaphore_mem>>)
      %dma_wait3A_49 = tpu.memref_slice %arg3[%mul3A_0] : memref<20000xf32, #tpu.memory_space<hbm>> -> memref<10000xf32, #tpu.memory_space<hbm>>
      %dma_wait3A_50 = tpu.memref_slice %arg3[%mul3A_0] : memref<20000xf32, #tpu.memory_space<hbm>> -> memref<10000xf32, #tpu.memory_space<hbm>>
      tpu.wait_dma2 semaphore(%run_scoped3A : memref<!tpu.dma_semaphore, #tpu.memory_space<semaphore_mem>>) src(%dma_wait3A_50 : memref<10000xf32, #tpu.memory_space<hbm>>) dst(%arg13 : memref<10000xf32, #tpu.memory_space<vmem>>)
      tpu.yield
    }) : () -> ()
    "tpu.region"() ({
      %run_scoped3A = tpu.sem_alloc : memref<!tpu.dma_semaphore, #tpu.memory_space<semaphore_mem>>
      %dma_start3A_47 = tpu.memref_slice %arg4[%mul3A_0] : memref<20000xf32, #tpu.memory_space<hbm>> -> memref<10000xf32, #tpu.memory_space<hbm>>
      %dma_start3A_48 = tpu.memref_slice %arg4[%mul3A_0] : memref<20000xf32, #tpu.memory_space<hbm>> -> memref<10000xf32, #tpu.memory_space<hbm>>
      tpu.enqueue_dma source(%dma_start3A_48 : memref<10000xf32, #tpu.memory_space<hbm>>) target(%arg14 : memref<10000xf32, #tpu.memory_space<vmem>>) target_semaphore(%run_scoped3A : memref<!tpu.dma_semaphore, #tpu.memory_space<semaphore_mem>>)
      %dma_wait3A_49 = tpu.memref_slice %arg4[%mul3A_0] : memref<20000xf32, #tpu.memory_space<hbm>> -> memref<10000xf32, #tpu.memory_space<hbm>>
      %dma_wait3A_50 = tpu.memref_slice %arg4[%mul3A_0] : memref<20000xf32, #tpu.memory_space<hbm>> -> memref<10000xf32, #tpu.memory_space<hbm>>
      tpu.wait_dma2 semaphore(%run_scoped3A : memref<!tpu.dma_semaphore, #tpu.memory_space<semaphore_mem>>) src(%dma_wait3A_50 : memref<10000xf32, #tpu.memory_space<hbm>>) dst(%arg14 : memref<10000xf32, #tpu.memory_space<vmem>>)
      tpu.yield
    }) : () -> ()
    %mul3A_1 = arith.constant 20000 : i32
    %mul3A_2 = arith.muli %arg1, %mul3A_1 : i32
    %mul3A_3 = arith.constant 640 : i32
    %mul3A_4 = arith.muli %arg1, %mul3A_3 : i32
    %mul3A_5 = arith.constant 640 : i32
    %mul3A_6 = arith.muli %arg1, %mul3A_5 : i32
    "tpu.region"() ({
      %run_scoped3A = tpu.sem_alloc : memref<!tpu.dma_semaphore, #tpu.memory_space<semaphore_mem>>
      %dma_start3A_47 = arith.constant 0 : i32
      %dma_start3A_48 = tpu.memref_slice %arg11[%mul3A_6, %dma_start3A_47] : memref<10240x128xf32, #tpu.memory_space<vmem_shared>> -> memref<640x128xf32, #tpu.memory_space<vmem_shared>>
      %dma_start3A_49 = arith.constant 0 : i32
      %dma_start3A_50 = tpu.memref_slice %arg7[%mul3A_4, %dma_start3A_49] : memref<10240x128xf32, #tpu.memory_space<hbm>> -> memref<640x128xf32, #tpu.memory_space<hbm>>
      tpu.enqueue_dma source(%dma_start3A_50 : memref<640x128xf32, #tpu.memory_space<hbm>>) target(%dma_start3A_48 : memref<640x128xf32, #tpu.memory_space<vmem_shared>>) target_semaphore(%run_scoped3A : memref<!tpu.dma_semaphore, #tpu.memory_space<semaphore_mem>>)
      %dma_wait3A_51 = arith.constant 0 : i32
      %dma_wait3A_52 = tpu.memref_slice %arg11[%mul3A_6, %dma_wait3A_51] : memref<10240x128xf32, #tpu.memory_space<vmem_shared>> -> memref<640x128xf32, #tpu.memory_space<vmem_shared>>
      %dma_wait3A_53 = arith.constant 0 : i32
      %dma_wait3A_54 = tpu.memref_slice %arg7[%mul3A_4, %dma_wait3A_53] : memref<10240x128xf32, #tpu.memory_space<hbm>> -> memref<640x128xf32, #tpu.memory_space<hbm>>
      tpu.wait_dma2 semaphore(%run_scoped3A : memref<!tpu.dma_semaphore, #tpu.memory_space<semaphore_mem>>) src(%dma_wait3A_54 : memref<640x128xf32, #tpu.memory_space<hbm>>) dst(%dma_wait3A_52 : memref<640x128xf32, #tpu.memory_space<vmem_shared>>)
      tpu.yield
    }) : () -> ()
    %mul3A_7 = arith.constant 640 : i32
    %mul3A_8 = arith.muli %arg1, %mul3A_7 : i32
    %mul3A_9 = arith.constant 640 : i32
    %mul3A_10 = arith.muli %arg1, %mul3A_9 : i32
    "tpu.region"() ({
      %run_scoped3A = tpu.sem_alloc : memref<!tpu.dma_semaphore, #tpu.memory_space<semaphore_mem>>
      %dma_start3A_47 = tpu.memref_slice %arg12[%mul3A_10] : memref<10240xf32, #tpu.memory_space<vmem_shared>> -> memref<640xf32, #tpu.memory_space<vmem_shared>>
      %dma_start3A_48 = tpu.memref_slice %arg8[%mul3A_8] : memref<10240xf32, #tpu.memory_space<hbm>> -> memref<640xf32, #tpu.memory_space<hbm>>
      tpu.enqueue_dma source(%dma_start3A_48 : memref<640xf32, #tpu.memory_space<hbm>>) target(%dma_start3A_47 : memref<640xf32, #tpu.memory_space<vmem_shared>>) target_semaphore(%run_scoped3A : memref<!tpu.dma_semaphore, #tpu.memory_space<semaphore_mem>>)
      %dma_wait3A_49 = tpu.memref_slice %arg12[%mul3A_10] : memref<10240xf32, #tpu.memory_space<vmem_shared>> -> memref<640xf32, #tpu.memory_space<vmem_shared>>
      %dma_wait3A_50 = tpu.memref_slice %arg8[%mul3A_8] : memref<10240xf32, #tpu.memory_space<hbm>> -> memref<640xf32, #tpu.memory_space<hbm>>
      tpu.wait_dma2 semaphore(%run_scoped3A : memref<!tpu.dma_semaphore, #tpu.memory_space<semaphore_mem>>) src(%dma_wait3A_50 : memref<640xf32, #tpu.memory_space<hbm>>) dst(%dma_wait3A_49 : memref<640xf32, #tpu.memory_space<vmem_shared>>)
      tpu.yield
    }) : () -> ()
    %barrier3A = arith.constant 0 : index
    tpu.barrier barrier_id(%barrier3A)
    %add3A = arith.constant 0 : i32
    %add3A_11 = arith.addi %mul3A_2, %add3A : i32
    "tpu.region"() ({
      %run_scoped3A = tpu.sem_alloc : memref<!tpu.dma_semaphore, #tpu.memory_space<semaphore_mem>>
      %dma_start3A_47 = tpu.memref_slice %arg5[%add3A_11] : memref<320000xi32, #tpu.memory_space<hbm>> -> memref<80xi32, #tpu.memory_space<hbm>>
      %dma_start3A_48 = tpu.memref_slice %arg5[%add3A_11] : memref<320000xi32, #tpu.memory_space<hbm>> -> memref<80xi32, #tpu.memory_space<hbm>>
      tpu.enqueue_dma source(%dma_start3A_48 : memref<80xi32, #tpu.memory_space<hbm>>) target(%arg15 : memref<80xi32, #tpu.memory_space<vmem>>) target_semaphore(%run_scoped3A : memref<!tpu.dma_semaphore, #tpu.memory_space<semaphore_mem>>)
      %dma_wait3A_49 = tpu.memref_slice %arg5[%add3A_11] : memref<320000xi32, #tpu.memory_space<hbm>> -> memref<80xi32, #tpu.memory_space<hbm>>
      %dma_wait3A_50 = tpu.memref_slice %arg5[%add3A_11] : memref<320000xi32, #tpu.memory_space<hbm>> -> memref<80xi32, #tpu.memory_space<hbm>>
      tpu.wait_dma2 semaphore(%run_scoped3A : memref<!tpu.dma_semaphore, #tpu.memory_space<semaphore_mem>>) src(%dma_wait3A_50 : memref<80xi32, #tpu.memory_space<hbm>>) dst(%arg15 : memref<80xi32, #tpu.memory_space<vmem>>)
      tpu.yield
    }) : () -> ()
    "tpu.region"() ({
      %run_scoped3A = tpu.sem_alloc : memref<!tpu.dma_semaphore, #tpu.memory_space<semaphore_mem>>
      %dma_start3A_47 = tpu.memref_slice %arg6[%add3A_11] : memref<320000xi32, #tpu.memory_space<hbm>> -> memref<80xi32, #tpu.memory_space<hbm>>
      %dma_start3A_48 = tpu.memref_slice %arg6[%add3A_11] : memref<320000xi32, #tpu.memory_space<hbm>> -> memref<80xi32, #tpu.memory_space<hbm>>
      tpu.enqueue_dma source(%dma_start3A_48 : memref<80xi32, #tpu.memory_space<hbm>>) target(%arg19 : memref<80xi32, #tpu.memory_space<vmem>>) target_semaphore(%run_scoped3A : memref<!tpu.dma_semaphore, #tpu.memory_space<semaphore_mem>>)
      %dma_wait3A_49 = tpu.memref_slice %arg6[%add3A_11] : memref<320000xi32, #tpu.memory_space<hbm>> -> memref<80xi32, #tpu.memory_space<hbm>>
      %dma_wait3A_50 = tpu.memref_slice %arg6[%add3A_11] : memref<320000xi32, #tpu.memory_space<hbm>> -> memref<80xi32, #tpu.memory_space<hbm>>
      tpu.wait_dma2 semaphore(%run_scoped3A : memref<!tpu.dma_semaphore, #tpu.memory_space<semaphore_mem>>) src(%dma_wait3A_50 : memref<80xi32, #tpu.memory_space<hbm>>) dst(%arg19 : memref<80xi32, #tpu.memory_space<vmem>>)
      tpu.yield
    }) : () -> ()
    %scan3A = arith.constant 0 : i32
    %scan3A_12 = arith.constant 5 : i32
    %scan3A_13 = arith.addi %scan3A, %scan3A_12 : i32
    %scan3A_14 = arith.constant 1 : i32
    scf.for %scan3A_47 = %scan3A to %scan3A_13 step %scan3A_14  : i32 {
      %mul3A_48 = arith.constant 16 : i32
      %mul3A_49 = arith.muli %scan3A_47, %mul3A_48 : i32
      %add3A_50 = arith.constant 0 : i32
      %add3A_51 = arith.addi %add3A_50, %mul3A_49 : i32
      %get3A = arith.index_cast %add3A_51 : i32 to index
      %get3A_52 = tpu.vector_load %arg15[%get3A] {strides = array<i32>} : memref<80xi32, #tpu.memory_space<vmem>>, vector<16xi32>,
      %get3A_53 = arith.index_cast %add3A_51 : i32 to index
      %get3A_54 = tpu.vector_load %arg19[%get3A_53] {strides = array<i32>} : memref<80xi32, #tpu.memory_space<vmem>>, vector<16xi32>,
      %gather3A = tpu.vector_load_idx %arg13[%get3A_52] : memref<10000xf32, #tpu.memory_space<vmem>>[vector<16xi32>], vector<16xf32>,
      %gather3A_55 = tpu.vector_load_idx %arg14[%get3A_54] : memref<10000xf32, #tpu.memory_space<vmem>>[vector<16xi32>], vector<16xf32>,
      %add3A_56 = arith.addf %gather3A, %gather3A_55 : vector<16xf32>
      %gt3A = arith.constant 0.000000e+00 : f32
      %gt3A_57 = vector.broadcast %gt3A : f32 to vector<16xf32>
      %gt3A_58 = arith.cmpf ogt, %add3A_56, %gt3A_57 : vector<16xf32>
      %mul3A_59 = arith.constant 2.000000e-01 : f32
      %mul3A_60 = vector.broadcast %mul3A_59 : f32 to vector<16xf32>
      %mul3A_61 = arith.mulf %mul3A_60, %add3A_56 : vector<16xf32>
      %select_n3A = arith.select %gt3A_58, %add3A_56, %mul3A_61 : vector<16xi1>, vector<16xf32>
      %exp3A = math.exp %select_n3A : vector<16xf32>
      %swap3A = arith.index_cast %add3A_51 : i32 to index
      %swap3A_62 = tpu.vector_load %arg17[%swap3A] {strides = array<i32>} : memref<80xf32, #tpu.memory_space<vmem>>, vector<16xf32>,
      tpu.vector_store %arg17[%swap3A], %exp3A {strides = array<i32>} : memref<80xf32, #tpu.memory_space<vmem>>, vector<16xf32>,
      %add3A_63 = vector.broadcast %mul3A_0 : i32 to vector<16xi32>
      %add3A_64 = arith.addi %get3A_52, %add3A_63 : vector<16xi32>
      %swap3A_65 = arith.index_cast %add3A_51 : i32 to index
      %swap3A_66 = tpu.vector_load %arg15[%swap3A_65] {strides = array<i32>} : memref<80xi32, #tpu.memory_space<vmem>>, vector<16xi32>,
      tpu.vector_store %arg15[%swap3A_65], %add3A_64 {strides = array<i32>} : memref<80xi32, #tpu.memory_space<vmem>>, vector<16xi32>,
    }
    %scan3A_15 = arith.constant 5 : i32
    %dma_start3A = arith.constant 0 : i32
    %dma_start3A_16 = arith.constant 0 : i32
    %dma_start3A_17 = tpu.memref_slice %arg2[%dma_start3A, %dma_start3A_16] : memref<20000x128xf32, #tpu.memory_space<hbm>> -> memref<20000x128xf32, #tpu.memory_space<hbm>>
    tpu.enqueue_indirect_dma source(%dma_start3A_17 : memref<20000x128xf32, #tpu.memory_space<hbm>>) target(%arg21 : memref<80x128xf32, #tpu.memory_space<vmem>>) offsets(%arg15 : memref<80xi32, #tpu.memory_space<vmem>>) semaphore(%arg23 : memref<!tpu.dma_semaphore, #tpu.memory_space<semaphore_mem>>)
    %scan3A_18 = arith.constant 0 : i32
    %scan3A_19 = arith.constant 125 : i32
    %scan3A_20 = arith.addi %scan3A_18, %scan3A_19 : i32
    %scan3A_21 = arith.constant 1 : i32
    scf.for %scan3A_47 = %scan3A_18 to %scan3A_20 step %scan3A_21  : i32 {
      %mul3A_48 = arith.constant 1 : i32
      %mul3A_49 = arith.muli %scan3A_47, %mul3A_48 : i32
      %add3A_50 = arith.constant 0 : i32
      %add3A_51 = arith.addi %add3A_50, %mul3A_49 : i32
      %mul3A_52 = arith.constant 2 : i32
      %mul3A_53 = arith.muli %mul3A_52, %add3A_51 : i32
      %add3A_54 = arith.constant 1 : i32
      %add3A_55 = arith.addi %mul3A_53, %add3A_54 : i32
      %mul3A_56 = arith.constant 2 : i32
      %mul3A_57 = arith.muli %mul3A_56, %add3A_51 : i32
      %add3A_58 = arith.constant 2 : i32
      %add3A_59 = arith.addi %mul3A_57, %add3A_58 : i32
      %gt3A = arith.constant 0 : i32
      %gt3A_60 = arith.cmpi sgt, %add3A_51, %gt3A : i32
      %convert_element_type3A = arith.extui %gt3A_60 : i1 to i32
      %cond3A = arith.constant 0 : i32
      %cond3A_61 = arith.cmpi ne, %convert_element_type3A, %cond3A : i32
      scf.if %cond3A_61 {
        %dma_wait3A_105 = arith.constant 0 : i32
        %dma_wait3A_106 = arith.constant 0 : i32
        %dma_wait3A_107 = tpu.memref_slice %arg11[%dma_wait3A_105, %dma_wait3A_106] : memref<10240x128xf32, #tpu.memory_space<vmem_shared>> -> memref<10240x128xf32, #tpu.memory_space<vmem_shared>>
        tpu.wait_indirect_dma semaphore(%arg26 : memref<!tpu.dma_semaphore, #tpu.memory_space<semaphore_mem>>) src(%arg22 : memref<80x128xf32, #tpu.memory_space<vmem>>) dst(%dma_wait3A_107 : memref<10240x128xf32, #tpu.memory_space<vmem_shared>>)
        %dma_wait3A_108 = arith.constant 0 : i32
        %dma_wait3A_109 = tpu.memref_slice %arg12[%dma_wait3A_108] : memref<10240xf32, #tpu.memory_space<vmem_shared>> -> memref<10240xf32, #tpu.memory_space<vmem_shared>>
        tpu.wait_indirect_dma semaphore(%arg28 : memref<!tpu.dma_semaphore, #tpu.memory_space<semaphore_mem>>) src(%arg18 : memref<80xf32, #tpu.memory_space<vmem>>) dst(%dma_wait3A_109 : memref<10240xf32, #tpu.memory_space<vmem_shared>>)
      } else {
      }
      %mul3A_62 = arith.constant 80 : i32
      %mul3A_63 = arith.muli %add3A_55, %mul3A_62 : i32
      %add3A_64 = arith.addi %mul3A_2, %mul3A_63 : i32
      "tpu.region"() ({
        %run_scoped3A = tpu.sem_alloc : memref<!tpu.dma_semaphore, #tpu.memory_space<semaphore_mem>>
        %dma_start3A_105 = tpu.memref_slice %arg5[%add3A_64] : memref<320000xi32, #tpu.memory_space<hbm>> -> memref<80xi32, #tpu.memory_space<hbm>>
        %dma_start3A_106 = tpu.memref_slice %arg5[%add3A_64] : memref<320000xi32, #tpu.memory_space<hbm>> -> memref<80xi32, #tpu.memory_space<hbm>>
        tpu.enqueue_dma source(%dma_start3A_106 : memref<80xi32, #tpu.memory_space<hbm>>) target(%arg16 : memref<80xi32, #tpu.memory_space<vmem>>) target_semaphore(%run_scoped3A : memref<!tpu.dma_semaphore, #tpu.memory_space<semaphore_mem>>)
        %dma_wait3A_107 = tpu.memref_slice %arg5[%add3A_64] : memref<320000xi32, #tpu.memory_space<hbm>> -> memref<80xi32, #tpu.memory_space<hbm>>
        %dma_wait3A_108 = tpu.memref_slice %arg5[%add3A_64] : memref<320000xi32, #tpu.memory_space<hbm>> -> memref<80xi32, #tpu.memory_space<hbm>>
        tpu.wait_dma2 semaphore(%run_scoped3A : memref<!tpu.dma_semaphore, #tpu.memory_space<semaphore_mem>>) src(%dma_wait3A_108 : memref<80xi32, #tpu.memory_space<hbm>>) dst(%arg16 : memref<80xi32, #tpu.memory_space<vmem>>)
        tpu.yield
      }) : () -> ()
      "tpu.region"() ({
        %run_scoped3A = tpu.sem_alloc : memref<!tpu.dma_semaphore, #tpu.memory_space<semaphore_mem>>
        %dma_start3A_105 = tpu.memref_slice %arg6[%add3A_64] : memref<320000xi32, #tpu.memory_space<hbm>> -> memref<80xi32, #tpu.memory_space<hbm>>
        %dma_start3A_106 = tpu.memref_slice %arg6[%add3A_64] : memref<320000xi32, #tpu.memory_space<hbm>> -> memref<80xi32, #tpu.memory_space<hbm>>
        tpu.enqueue_dma source(%dma_start3A_106 : memref<80xi32, #tpu.memory_space<hbm>>) target(%arg20 : memref<80xi32, #tpu.memory_space<vmem>>) target_semaphore(%run_scoped3A : memref<!tpu.dma_semaphore, #tpu.memory_space<semaphore_mem>>)
        %dma_wait3A_107 = tpu.memref_slice %arg6[%add3A_64] : memref<320000xi32, #tpu.memory_space<hbm>> -> memref<80xi32, #tpu.memory_space<hbm>>
        %dma_wait3A_108 = tpu.memref_slice %arg6[%add3A_64] : memref<320000xi32, #tpu.memory_space<hbm>> -> memref<80xi32, #tpu.memory_space<hbm>>
        tpu.wait_dma2 semaphore(%run_scoped3A : memref<!tpu.dma_semaphore, #tpu.memory_space<semaphore_mem>>) src(%dma_wait3A_108 : memref<80xi32, #tpu.memory_space<hbm>>) dst(%arg20 : memref<80xi32, #tpu.memory_space<vmem>>)
        tpu.yield
      }) : () -> ()
      %scan3A_65 = arith.constant 0 : i32
      %scan3A_66 = arith.constant 5 : i32
      %scan3A_67 = arith.addi %scan3A_65, %scan3A_66 : i32
      %scan3A_68 = arith.constant 1 : i32
      scf.for %scan3A_105 = %scan3A_65 to %scan3A_67 step %scan3A_68  : i32 {
        %mul3A_106 = arith.constant 16 : i32
        %mul3A_107 = arith.muli %scan3A_105, %mul3A_106 : i32
        %add3A_108 = arith.constant 0 : i32
        %add3A_109 = arith.addi %add3A_108, %mul3A_107 : i32
        %get3A = arith.index_cast %add3A_109 : i32 to index
        %get3A_110 = tpu.vector_load %arg16[%get3A] {strides = array<i32>} : memref<80xi32, #tpu.memory_space<vmem>>, vector<16xi32>,
        %get3A_111 = arith.index_cast %add3A_109 : i32 to index
        %get3A_112 = tpu.vector_load %arg20[%get3A_111] {strides = array<i32>} : memref<80xi32, #tpu.memory_space<vmem>>, vector<16xi32>,
        %gather3A = tpu.vector_load_idx %arg13[%get3A_110] : memref<10000xf32, #tpu.memory_space<vmem>>[vector<16xi32>], vector<16xf32>,
        %gather3A_113 = tpu.vector_load_idx %arg14[%get3A_112] : memref<10000xf32, #tpu.memory_space<vmem>>[vector<16xi32>], vector<16xf32>,
        %add3A_114 = arith.addf %gather3A, %gather3A_113 : vector<16xf32>
        %gt3A_115 = arith.constant 0.000000e+00 : f32
        %gt3A_116 = vector.broadcast %gt3A_115 : f32 to vector<16xf32>
        %gt3A_117 = arith.cmpf ogt, %add3A_114, %gt3A_116 : vector<16xf32>
        %mul3A_118 = arith.constant 2.000000e-01 : f32
        %mul3A_119 = vector.broadcast %mul3A_118 : f32 to vector<16xf32>
        %mul3A_120 = arith.mulf %mul3A_119, %add3A_114 : vector<16xf32>
        %select_n3A = arith.select %gt3A_117, %add3A_114, %mul3A_120 : vector<16xi1>, vector<16xf32>
        %exp3A = math.exp %select_n3A : vector<16xf32>
        %swap3A = arith.index_cast %add3A_109 : i32 to index
        %swap3A_121 = tpu.vector_load %arg18[%swap3A] {strides = array<i32>} : memref<80xf32, #tpu.memory_space<vmem>>, vector<16xf32>,
        tpu.vector_store %arg18[%swap3A], %exp3A {strides = array<i32>} : memref<80xf32, #tpu.memory_space<vmem>>, vector<16xf32>,
        %add3A_122 = vector.broadcast %mul3A_0 : i32 to vector<16xi32>
        %add3A_123 = arith.addi %get3A_110, %add3A_122 : vector<16xi32>
        %swap3A_124 = arith.index_cast %add3A_109 : i32 to index
        %swap3A_125 = tpu.vector_load %arg16[%swap3A_124] {strides = array<i32>} : memref<80xi32, #tpu.memory_space<vmem>>, vector<16xi32>,
        tpu.vector_store %arg16[%swap3A_124], %add3A_123 {strides = array<i32>} : memref<80xi32, #tpu.memory_space<vmem>>, vector<16xi32>,
      }
      %scan3A_69 = arith.constant 5 : i32
      %dma_start3A_70 = arith.constant 0 : i32
      %dma_start3A_71 = arith.constant 0 : i32
      %dma_start3A_72 = tpu.memref_slice %arg2[%dma_start3A_70, %dma_start3A_71] : memref<20000x128xf32, #tpu.memory_space<hbm>> -> memref<20000x128xf32, #tpu.memory_space<hbm>>
      tpu.enqueue_indirect_dma source(%dma_start3A_72 : memref<20000x128xf32, #tpu.memory_space<hbm>>) target(%arg22 : memref<80x128xf32, #tpu.memory_space<vmem>>) offsets(%arg16 : memref<80xi32, #tpu.memory_space<vmem>>) semaphore(%arg24 : memref<!tpu.dma_semaphore, #tpu.memory_space<semaphore_mem>>)
      %dma_wait3A_73 = arith.constant 0 : i32
      %dma_wait3A_74 = arith.constant 0 : i32
      %dma_wait3A_75 = tpu.memref_slice %arg2[%dma_wait3A_73, %dma_wait3A_74] : memref<20000x128xf32, #tpu.memory_space<hbm>> -> memref<20000x128xf32, #tpu.memory_space<hbm>>
      tpu.wait_indirect_dma semaphore(%arg23 : memref<!tpu.dma_semaphore, #tpu.memory_space<semaphore_mem>>) src(%dma_wait3A_75 : memref<20000x128xf32, #tpu.memory_space<hbm>>) dst(%arg21 : memref<80x128xf32, #tpu.memory_space<vmem>>)
      %scan3A_76 = arith.constant 0 : i32
      %scan3A_77 = arith.constant 80 : i32
      %scan3A_78 = arith.addi %scan3A_76, %scan3A_77 : i32
      %scan3A_79 = arith.constant 1 : i32
      scf.for %scan3A_105 = %scan3A_76 to %scan3A_78 step %scan3A_79  : i32 {
        %mul3A_106 = arith.constant 1 : i32
        %mul3A_107 = arith.muli %scan3A_105, %mul3A_106 : i32
        %add3A_108 = arith.constant 0 : i32
        %add3A_109 = arith.addi %add3A_108, %mul3A_107 : i32
        %broadcast_in_dim3A = vector.broadcast %add3A_109 : i32 to vector<16xi32>
        %gather3A = tpu.vector_load_idx %arg17[%broadcast_in_dim3A] : memref<80xf32, #tpu.memory_space<vmem>>[vector<16xi32>], vector<16xf32>,
        %get3A = arith.index_cast %add3A_109 : i32 to index
        %get3A_110 = arith.constant 0 : index
        %get3A_111 = tpu.vector_load %arg21[%get3A, %get3A_110] {strides = array<i32>} : memref<80x128xf32, #tpu.memory_space<vmem>>, vector<16xf32>,
        %mul3A_112 = arith.mulf %get3A_111, %gather3A : vector<16xf32>
        %swap3A = arith.index_cast %add3A_109 : i32 to index
        %swap3A_113 = arith.constant 0 : index
        %swap3A_114 = tpu.vector_load %arg21[%swap3A, %swap3A_113] {strides = array<i32>} : memref<80x128xf32, #tpu.memory_space<vmem>>, vector<16xf32>,
        tpu.vector_store %arg21[%swap3A, %swap3A_113], %mul3A_112 {strides = array<i32>} : memref<80x128xf32, #tpu.memory_space<vmem>>, vector<16xf32>,
        %get3A_115 = arith.index_cast %add3A_109 : i32 to index
        %get3A_116 = arith.constant 16 : index
        %get3A_117 = tpu.vector_load %arg21[%get3A_115, %get3A_116] {strides = array<i32>} : memref<80x128xf32, #tpu.memory_space<vmem>>, vector<16xf32>,
        %mul3A_118 = arith.mulf %get3A_117, %gather3A : vector<16xf32>
        %swap3A_119 = arith.index_cast %add3A_109 : i32 to index
        %swap3A_120 = arith.constant 16 : index
        %swap3A_121 = tpu.vector_load %arg21[%swap3A_119, %swap3A_120] {strides = array<i32>} : memref<80x128xf32, #tpu.memory_space<vmem>>, vector<16xf32>,
        tpu.vector_store %arg21[%swap3A_119, %swap3A_120], %mul3A_118 {strides = array<i32>} : memref<80x128xf32, #tpu.memory_space<vmem>>, vector<16xf32>,
        %get3A_122 = arith.index_cast %add3A_109 : i32 to index
        %get3A_123 = arith.constant 32 : index
        %get3A_124 = tpu.vector_load %arg21[%get3A_122, %get3A_123] {strides = array<i32>} : memref<80x128xf32, #tpu.memory_space<vmem>>, vector<16xf32>,
        %mul3A_125 = arith.mulf %get3A_124, %gather3A : vector<16xf32>
        %swap3A_126 = arith.index_cast %add3A_109 : i32 to index
        %swap3A_127 = arith.constant 32 : index
        %swap3A_128 = tpu.vector_load %arg21[%swap3A_126, %swap3A_127] {strides = array<i32>} : memref<80x128xf32, #tpu.memory_space<vmem>>, vector<16xf32>,
        tpu.vector_store %arg21[%swap3A_126, %swap3A_127], %mul3A_125 {strides = array<i32>} : memref<80x128xf32, #tpu.memory_space<vmem>>, vector<16xf32>,
        %get3A_129 = arith.index_cast %add3A_109 : i32 to index
        %get3A_130 = arith.constant 48 : index
        %get3A_131 = tpu.vector_load %arg21[%get3A_129, %get3A_130] {strides = array<i32>} : memref<80x128xf32, #tpu.memory_space<vmem>>, vector<16xf32>,
        %mul3A_132 = arith.mulf %get3A_131, %gather3A : vector<16xf32>
        %swap3A_133 = arith.index_cast %add3A_109 : i32 to index
        %swap3A_134 = arith.constant 48 : index
        %swap3A_135 = tpu.vector_load %arg21[%swap3A_133, %swap3A_134] {strides = array<i32>} : memref<80x128xf32, #tpu.memory_space<vmem>>, vector<16xf32>,
        tpu.vector_store %arg21[%swap3A_133, %swap3A_134], %mul3A_132 {strides = array<i32>} : memref<80x128xf32, #tpu.memory_space<vmem>>, vector<16xf32>,
        %get3A_136 = arith.index_cast %add3A_109 : i32 to index
        %get3A_137 = arith.constant 64 : index
        %get3A_138 = tpu.vector_load %arg21[%get3A_136, %get3A_137] {strides = array<i32>} : memref<80x128xf32, #tpu.memory_space<vmem>>, vector<16xf32>,
        %mul3A_139 = arith.mulf %get3A_138, %gather3A : vector<16xf32>
        %swap3A_140 = arith.index_cast %add3A_109 : i32 to index
        %swap3A_141 = arith.constant 64 : index
        %swap3A_142 = tpu.vector_load %arg21[%swap3A_140, %swap3A_141] {strides = array<i32>} : memref<80x128xf32, #tpu.memory_space<vmem>>, vector<16xf32>,
        tpu.vector_store %arg21[%swap3A_140, %swap3A_141], %mul3A_139 {strides = array<i32>} : memref<80x128xf32, #tpu.memory_space<vmem>>, vector<16xf32>,
        %get3A_143 = arith.index_cast %add3A_109 : i32 to index
        %get3A_144 = arith.constant 80 : index
        %get3A_145 = tpu.vector_load %arg21[%get3A_143, %get3A_144] {strides = array<i32>} : memref<80x128xf32, #tpu.memory_space<vmem>>, vector<16xf32>,
        %mul3A_146 = arith.mulf %get3A_145, %gather3A : vector<16xf32>
        %swap3A_147 = arith.index_cast %add3A_109 : i32 to index
        %swap3A_148 = arith.constant 80 : index
        %swap3A_149 = tpu.vector_load %arg21[%swap3A_147, %swap3A_148] {strides = array<i32>} : memref<80x128xf32, #tpu.memory_space<vmem>>, vector<16xf32>,
        tpu.vector_store %arg21[%swap3A_147, %swap3A_148], %mul3A_146 {strides = array<i32>} : memref<80x128xf32, #tpu.memory_space<vmem>>, vector<16xf32>,
        %get3A_150 = arith.index_cast %add3A_109 : i32 to index
        %get3A_151 = arith.constant 96 : index
        %get3A_152 = tpu.vector_load %arg21[%get3A_150, %get3A_151] {strides = array<i32>} : memref<80x128xf32, #tpu.memory_space<vmem>>, vector<16xf32>,
        %mul3A_153 = arith.mulf %get3A_152, %gather3A : vector<16xf32>
        %swap3A_154 = arith.index_cast %add3A_109 : i32 to index
        %swap3A_155 = arith.constant 96 : index
        %swap3A_156 = tpu.vector_load %arg21[%swap3A_154, %swap3A_155] {strides = array<i32>} : memref<80x128xf32, #tpu.memory_space<vmem>>, vector<16xf32>,
        tpu.vector_store %arg21[%swap3A_154, %swap3A_155], %mul3A_153 {strides = array<i32>} : memref<80x128xf32, #tpu.memory_space<vmem>>, vector<16xf32>,
        %get3A_157 = arith.index_cast %add3A_109 : i32 to index
        %get3A_158 = arith.constant 112 : index
        %get3A_159 = tpu.vector_load %arg21[%get3A_157, %get3A_158] {strides = array<i32>} : memref<80x128xf32, #tpu.memory_space<vmem>>, vector<16xf32>,
        %mul3A_160 = arith.mulf %get3A_159, %gather3A : vector<16xf32>
        %swap3A_161 = arith.index_cast %add3A_109 : i32 to index
        %swap3A_162 = arith.constant 112 : index
        %swap3A_163 = tpu.vector_load %arg21[%swap3A_161, %swap3A_162] {strides = array<i32>} : memref<80x128xf32, #tpu.memory_space<vmem>>, vector<16xf32>,
        tpu.vector_store %arg21[%swap3A_161, %swap3A_162], %mul3A_160 {strides = array<i32>} : memref<80x128xf32, #tpu.memory_space<vmem>>, vector<16xf32>,
      }
      %scan3A_80 = arith.constant 80 : i32
      %dma_start3A_81 = arith.constant 0 : i32
      %dma_start3A_82 = arith.constant 0 : i32
      %dma_start3A_83 = tpu.memref_slice %arg11[%dma_start3A_81, %dma_start3A_82] : memref<10240x128xf32, #tpu.memory_space<vmem_shared>> -> memref<10240x128xf32, #tpu.memory_space<vmem_shared>>
      tpu.enqueue_indirect_dma source(%arg21 : memref<80x128xf32, #tpu.memory_space<vmem>>) target(%dma_start3A_83 : memref<10240x128xf32, #tpu.memory_space<vmem_shared>>) offsets(%arg19 : memref<80xi32, #tpu.memory_space<vmem>>) semaphore(%arg25 : memref<!tpu.dma_semaphore, #tpu.memory_space<semaphore_mem>>) {add = true}
      %dma_start3A_84 = arith.constant 0 : i32
      %dma_start3A_85 = tpu.memref_slice %arg12[%dma_start3A_84] : memref<10240xf32, #tpu.memory_space<vmem_shared>> -> memref<10240xf32, #tpu.memory_space<vmem_shared>>
      tpu.enqueue_indirect_dma source(%arg17 : memref<80xf32, #tpu.memory_space<vmem>>) target(%dma_start3A_85 : memref<10240xf32, #tpu.memory_space<vmem_shared>>) offsets(%arg19 : memref<80xi32, #tpu.memory_space<vmem>>) semaphore(%arg27 : memref<!tpu.dma_semaphore, #tpu.memory_space<semaphore_mem>>) {add = true}
      %dma_wait3A_86 = arith.constant 0 : i32
      %dma_wait3A_87 = arith.constant 0 : i32
      %dma_wait3A_88 = tpu.memref_slice %arg2[%dma_wait3A_86, %dma_wait3A_87] : memref<20000x128xf32, #tpu.memory_space<hbm>> -> memref<20000x128xf32, #tpu.memory_space<hbm>>
      tpu.wait_indirect_dma semaphore(%arg24 : memref<!tpu.dma_semaphore, #tpu.memory_space<semaphore_mem>>) src(%dma_wait3A_88 : memref<20000x128xf32, #tpu.memory_space<hbm>>) dst(%arg22 : memref<80x128xf32, #tpu.memory_space<vmem>>)
      %scan3A_89 = arith.constant 0 : i32
      %scan3A_90 = arith.constant 80 : i32
      %scan3A_91 = arith.addi %scan3A_89, %scan3A_90 : i32
      %scan3A_92 = arith.constant 1 : i32
      scf.for %scan3A_105 = %scan3A_89 to %scan3A_91 step %scan3A_92  : i32 {
        %mul3A_106 = arith.constant 1 : i32
        %mul3A_107 = arith.muli %scan3A_105, %mul3A_106 : i32
        %add3A_108 = arith.constant 0 : i32
        %add3A_109 = arith.addi %add3A_108, %mul3A_107 : i32
        %broadcast_in_dim3A = vector.broadcast %add3A_109 : i32 to vector<16xi32>
        %gather3A = tpu.vector_load_idx %arg18[%broadcast_in_dim3A] : memref<80xf32, #tpu.memory_space<vmem>>[vector<16xi32>], vector<16xf32>,
        %get3A = arith.index_cast %add3A_109 : i32 to index
        %get3A_110 = arith.constant 0 : index
        %get3A_111 = tpu.vector_load %arg22[%get3A, %get3A_110] {strides = array<i32>} : memref<80x128xf32, #tpu.memory_space<vmem>>, vector<16xf32>,
        %mul3A_112 = arith.mulf %get3A_111, %gather3A : vector<16xf32>
        %swap3A = arith.index_cast %add3A_109 : i32 to index
        %swap3A_113 = arith.constant 0 : index
        %swap3A_114 = tpu.vector_load %arg22[%swap3A, %swap3A_113] {strides = array<i32>} : memref<80x128xf32, #tpu.memory_space<vmem>>, vector<16xf32>,
        tpu.vector_store %arg22[%swap3A, %swap3A_113], %mul3A_112 {strides = array<i32>} : memref<80x128xf32, #tpu.memory_space<vmem>>, vector<16xf32>,
        %get3A_115 = arith.index_cast %add3A_109 : i32 to index
        %get3A_116 = arith.constant 16 : index
        %get3A_117 = tpu.vector_load %arg22[%get3A_115, %get3A_116] {strides = array<i32>} : memref<80x128xf32, #tpu.memory_space<vmem>>, vector<16xf32>,
        %mul3A_118 = arith.mulf %get3A_117, %gather3A : vector<16xf32>
        %swap3A_119 = arith.index_cast %add3A_109 : i32 to index
        %swap3A_120 = arith.constant 16 : index
        %swap3A_121 = tpu.vector_load %arg22[%swap3A_119, %swap3A_120] {strides = array<i32>} : memref<80x128xf32, #tpu.memory_space<vmem>>, vector<16xf32>,
        tpu.vector_store %arg22[%swap3A_119, %swap3A_120], %mul3A_118 {strides = array<i32>} : memref<80x128xf32, #tpu.memory_space<vmem>>, vector<16xf32>,
        %get3A_122 = arith.index_cast %add3A_109 : i32 to index
        %get3A_123 = arith.constant 32 : index
        %get3A_124 = tpu.vector_load %arg22[%get3A_122, %get3A_123] {strides = array<i32>} : memref<80x128xf32, #tpu.memory_space<vmem>>, vector<16xf32>,
        %mul3A_125 = arith.mulf %get3A_124, %gather3A : vector<16xf32>
        %swap3A_126 = arith.index_cast %add3A_109 : i32 to index
        %swap3A_127 = arith.constant 32 : index
        %swap3A_128 = tpu.vector_load %arg22[%swap3A_126, %swap3A_127] {strides = array<i32>} : memref<80x128xf32, #tpu.memory_space<vmem>>, vector<16xf32>,
        tpu.vector_store %arg22[%swap3A_126, %swap3A_127], %mul3A_125 {strides = array<i32>} : memref<80x128xf32, #tpu.memory_space<vmem>>, vector<16xf32>,
        %get3A_129 = arith.index_cast %add3A_109 : i32 to index
        %get3A_130 = arith.constant 48 : index
        %get3A_131 = tpu.vector_load %arg22[%get3A_129, %get3A_130] {strides = array<i32>} : memref<80x128xf32, #tpu.memory_space<vmem>>, vector<16xf32>,
        %mul3A_132 = arith.mulf %get3A_131, %gather3A : vector<16xf32>
        %swap3A_133 = arith.index_cast %add3A_109 : i32 to index
        %swap3A_134 = arith.constant 48 : index
        %swap3A_135 = tpu.vector_load %arg22[%swap3A_133, %swap3A_134] {strides = array<i32>} : memref<80x128xf32, #tpu.memory_space<vmem>>, vector<16xf32>,
        tpu.vector_store %arg22[%swap3A_133, %swap3A_134], %mul3A_132 {strides = array<i32>} : memref<80x128xf32, #tpu.memory_space<vmem>>, vector<16xf32>,
        %get3A_136 = arith.index_cast %add3A_109 : i32 to index
        %get3A_137 = arith.constant 64 : index
        %get3A_138 = tpu.vector_load %arg22[%get3A_136, %get3A_137] {strides = array<i32>} : memref<80x128xf32, #tpu.memory_space<vmem>>, vector<16xf32>,
        %mul3A_139 = arith.mulf %get3A_138, %gather3A : vector<16xf32>
        %swap3A_140 = arith.index_cast %add3A_109 : i32 to index
        %swap3A_141 = arith.constant 64 : index
        %swap3A_142 = tpu.vector_load %arg22[%swap3A_140, %swap3A_141] {strides = array<i32>} : memref<80x128xf32, #tpu.memory_space<vmem>>, vector<16xf32>,
        tpu.vector_store %arg22[%swap3A_140, %swap3A_141], %mul3A_139 {strides = array<i32>} : memref<80x128xf32, #tpu.memory_space<vmem>>, vector<16xf32>,
        %get3A_143 = arith.index_cast %add3A_109 : i32 to index
        %get3A_144 = arith.constant 80 : index
        %get3A_145 = tpu.vector_load %arg22[%get3A_143, %get3A_144] {strides = array<i32>} : memref<80x128xf32, #tpu.memory_space<vmem>>, vector<16xf32>,
        %mul3A_146 = arith.mulf %get3A_145, %gather3A : vector<16xf32>
        %swap3A_147 = arith.index_cast %add3A_109 : i32 to index
        %swap3A_148 = arith.constant 80 : index
        %swap3A_149 = tpu.vector_load %arg22[%swap3A_147, %swap3A_148] {strides = array<i32>} : memref<80x128xf32, #tpu.memory_space<vmem>>, vector<16xf32>,
        tpu.vector_store %arg22[%swap3A_147, %swap3A_148], %mul3A_146 {strides = array<i32>} : memref<80x128xf32, #tpu.memory_space<vmem>>, vector<16xf32>,
        %get3A_150 = arith.index_cast %add3A_109 : i32 to index
        %get3A_151 = arith.constant 96 : index
        %get3A_152 = tpu.vector_load %arg22[%get3A_150, %get3A_151] {strides = array<i32>} : memref<80x128xf32, #tpu.memory_space<vmem>>, vector<16xf32>,
        %mul3A_153 = arith.mulf %get3A_152, %gather3A : vector<16xf32>
        %swap3A_154 = arith.index_cast %add3A_109 : i32 to index
        %swap3A_155 = arith.constant 96 : index
        %swap3A_156 = tpu.vector_load %arg22[%swap3A_154, %swap3A_155] {strides = array<i32>} : memref<80x128xf32, #tpu.memory_space<vmem>>, vector<16xf32>,
        tpu.vector_store %arg22[%swap3A_154, %swap3A_155], %mul3A_153 {strides = array<i32>} : memref<80x128xf32, #tpu.memory_space<vmem>>, vector<16xf32>,
        %get3A_157 = arith.index_cast %add3A_109 : i32 to index
        %get3A_158 = arith.constant 112 : index
        %get3A_159 = tpu.vector_load %arg22[%get3A_157, %get3A_158] {strides = array<i32>} : memref<80x128xf32, #tpu.memory_space<vmem>>, vector<16xf32>,
        %mul3A_160 = arith.mulf %get3A_159, %gather3A : vector<16xf32>
        %swap3A_161 = arith.index_cast %add3A_109 : i32 to index
        %swap3A_162 = arith.constant 112 : index
        %swap3A_163 = tpu.vector_load %arg22[%swap3A_161, %swap3A_162] {strides = array<i32>} : memref<80x128xf32, #tpu.memory_space<vmem>>, vector<16xf32>,
        tpu.vector_store %arg22[%swap3A_161, %swap3A_162], %mul3A_160 {strides = array<i32>} : memref<80x128xf32, #tpu.memory_space<vmem>>, vector<16xf32>,
      }
      %scan3A_93 = arith.constant 80 : i32
      %dma_start3A_94 = arith.constant 0 : i32
      %dma_start3A_95 = arith.constant 0 : i32
      %dma_start3A_96 = tpu.memref_slice %arg11[%dma_start3A_94, %dma_start3A_95] : memref<10240x128xf32, #tpu.memory_space<vmem_shared>> -> memref<10240x128xf32, #tpu.memory_space<vmem_shared>>
      tpu.enqueue_indirect_dma source(%arg22 : memref<80x128xf32, #tpu.memory_space<vmem>>) target(%dma_start3A_96 : memref<10240x128xf32, #tpu.memory_space<vmem_shared>>) offsets(%arg20 : memref<80xi32, #tpu.memory_space<vmem>>) semaphore(%arg26 : memref<!tpu.dma_semaphore, #tpu.memory_space<semaphore_mem>>) {add = true}
      %dma_start3A_97 = arith.constant 0 : i32
      %dma_start3A_98 = tpu.memref_slice %arg12[%dma_start3A_97] : memref<10240xf32, #tpu.memory_space<vmem_shared>> -> memref<10240xf32, #tpu.memory_space<vmem_shared>>
      tpu.enqueue_indirect_dma source(%arg18 : memref<80xf32, #tpu.memory_space<vmem>>) target(%dma_start3A_98 : memref<10240xf32, #tpu.memory_space<vmem_shared>>) offsets(%arg20 : memref<80xi32, #tpu.memory_space<vmem>>) semaphore(%arg28 : memref<!tpu.dma_semaphore, #tpu.memory_space<semaphore_mem>>) {add = true}
      %add3A_99 = arith.constant 1 : i32
      %add3A_100 = arith.addi %add3A_51, %add3A_99 : i32
      %lt3A = arith.constant 125 : i32
      %lt3A_101 = arith.cmpi slt, %add3A_100, %lt3A : i32
      %convert_element_type3A_102 = arith.extui %lt3A_101 : i1 to i32
      %cond3A_103 = arith.constant 0 : i32
      %cond3A_104 = arith.cmpi ne, %convert_element_type3A_102, %cond3A_103 : i32
      scf.if %cond3A_104 {
        %dma_wait3A_105 = arith.constant 0 : i32
        %dma_wait3A_106 = arith.constant 0 : i32
        %dma_wait3A_107 = tpu.memref_slice %arg11[%dma_wait3A_105, %dma_wait3A_106] : memref<10240x128xf32, #tpu.memory_space<vmem_shared>> -> memref<10240x128xf32, #tpu.memory_space<vmem_shared>>
        tpu.wait_indirect_dma semaphore(%arg25 : memref<!tpu.dma_semaphore, #tpu.memory_space<semaphore_mem>>) src(%arg21 : memref<80x128xf32, #tpu.memory_space<vmem>>) dst(%dma_wait3A_107 : memref<10240x128xf32, #tpu.memory_space<vmem_shared>>)
        %dma_wait3A_108 = arith.constant 0 : i32
        %dma_wait3A_109 = tpu.memref_slice %arg12[%dma_wait3A_108] : memref<10240xf32, #tpu.memory_space<vmem_shared>> -> memref<10240xf32, #tpu.memory_space<vmem_shared>>
        tpu.wait_indirect_dma semaphore(%arg27 : memref<!tpu.dma_semaphore, #tpu.memory_space<semaphore_mem>>) src(%arg17 : memref<80xf32, #tpu.memory_space<vmem>>) dst(%dma_wait3A_109 : memref<10240xf32, #tpu.memory_space<vmem_shared>>)
        %mul3A_110 = arith.constant 80 : i32
        %mul3A_111 = arith.muli %add3A_59, %mul3A_110 : i32
        %add3A_112 = arith.addi %mul3A_2, %mul3A_111 : i32
        "tpu.region"() ({
          %run_scoped3A = tpu.sem_alloc : memref<!tpu.dma_semaphore, #tpu.memory_space<semaphore_mem>>
          %dma_start3A_121 = tpu.memref_slice %arg5[%add3A_112] : memref<320000xi32, #tpu.memory_space<hbm>> -> memref<80xi32, #tpu.memory_space<hbm>>
          %dma_start3A_122 = tpu.memref_slice %arg5[%add3A_112] : memref<320000xi32, #tpu.memory_space<hbm>> -> memref<80xi32, #tpu.memory_space<hbm>>
          tpu.enqueue_dma source(%dma_start3A_122 : memref<80xi32, #tpu.memory_space<hbm>>) target(%arg15 : memref<80xi32, #tpu.memory_space<vmem>>) target_semaphore(%run_scoped3A : memref<!tpu.dma_semaphore, #tpu.memory_space<semaphore_mem>>)
          %dma_wait3A_123 = tpu.memref_slice %arg5[%add3A_112] : memref<320000xi32, #tpu.memory_space<hbm>> -> memref<80xi32, #tpu.memory_space<hbm>>
          %dma_wait3A_124 = tpu.memref_slice %arg5[%add3A_112] : memref<320000xi32, #tpu.memory_space<hbm>> -> memref<80xi32, #tpu.memory_space<hbm>>
          tpu.wait_dma2 semaphore(%run_scoped3A : memref<!tpu.dma_semaphore, #tpu.memory_space<semaphore_mem>>) src(%dma_wait3A_124 : memref<80xi32, #tpu.memory_space<hbm>>) dst(%arg15 : memref<80xi32, #tpu.memory_space<vmem>>)
          tpu.yield
        }) : () -> ()
        "tpu.region"() ({
          %run_scoped3A = tpu.sem_alloc : memref<!tpu.dma_semaphore, #tpu.memory_space<semaphore_mem>>
          %dma_start3A_121 = tpu.memref_slice %arg6[%add3A_112] : memref<320000xi32, #tpu.memory_space<hbm>> -> memref<80xi32, #tpu.memory_space<hbm>>
          %dma_start3A_122 = tpu.memref_slice %arg6[%add3A_112] : memref<320000xi32, #tpu.memory_space<hbm>> -> memref<80xi32, #tpu.memory_space<hbm>>
          tpu.enqueue_dma source(%dma_start3A_122 : memref<80xi32, #tpu.memory_space<hbm>>) target(%arg19 : memref<80xi32, #tpu.memory_space<vmem>>) target_semaphore(%run_scoped3A : memref<!tpu.dma_semaphore, #tpu.memory_space<semaphore_mem>>)
          %dma_wait3A_123 = tpu.memref_slice %arg6[%add3A_112] : memref<320000xi32, #tpu.memory_space<hbm>> -> memref<80xi32, #tpu.memory_space<hbm>>
          %dma_wait3A_124 = tpu.memref_slice %arg6[%add3A_112] : memref<320000xi32, #tpu.memory_space<hbm>> -> memref<80xi32, #tpu.memory_space<hbm>>
          tpu.wait_dma2 semaphore(%run_scoped3A : memref<!tpu.dma_semaphore, #tpu.memory_space<semaphore_mem>>) src(%dma_wait3A_124 : memref<80xi32, #tpu.memory_space<hbm>>) dst(%arg19 : memref<80xi32, #tpu.memory_space<vmem>>)
          tpu.yield
        }) : () -> ()
        %scan3A_113 = arith.constant 0 : i32
        %scan3A_114 = arith.constant 5 : i32
        %scan3A_115 = arith.addi %scan3A_113, %scan3A_114 : i32
        %scan3A_116 = arith.constant 1 : i32
        scf.for %scan3A_121 = %scan3A_113 to %scan3A_115 step %scan3A_116  : i32 {
          %mul3A_122 = arith.constant 16 : i32
          %mul3A_123 = arith.muli %scan3A_121, %mul3A_122 : i32
          %add3A_124 = arith.constant 0 : i32
          %add3A_125 = arith.addi %add3A_124, %mul3A_123 : i32
          %get3A = arith.index_cast %add3A_125 : i32 to index
          %get3A_126 = tpu.vector_load %arg15[%get3A] {strides = array<i32>} : memref<80xi32, #tpu.memory_space<vmem>>, vector<16xi32>,
          %get3A_127 = arith.index_cast %add3A_125 : i32 to index
          %get3A_128 = tpu.vector_load %arg19[%get3A_127] {strides = array<i32>} : memref<80xi32, #tpu.memory_space<vmem>>, vector<16xi32>,
          %gather3A = tpu.vector_load_idx %arg13[%get3A_126] : memref<10000xf32, #tpu.memory_space<vmem>>[vector<16xi32>], vector<16xf32>,
          %gather3A_129 = tpu.vector_load_idx %arg14[%get3A_128] : memref<10000xf32, #tpu.memory_space<vmem>>[vector<16xi32>], vector<16xf32>,
          %add3A_130 = arith.addf %gather3A, %gather3A_129 : vector<16xf32>
          %gt3A_131 = arith.constant 0.000000e+00 : f32
          %gt3A_132 = vector.broadcast %gt3A_131 : f32 to vector<16xf32>
          %gt3A_133 = arith.cmpf ogt, %add3A_130, %gt3A_132 : vector<16xf32>
          %mul3A_134 = arith.constant 2.000000e-01 : f32
          %mul3A_135 = vector.broadcast %mul3A_134 : f32 to vector<16xf32>
          %mul3A_136 = arith.mulf %mul3A_135, %add3A_130 : vector<16xf32>
          %select_n3A = arith.select %gt3A_133, %add3A_130, %mul3A_136 : vector<16xi1>, vector<16xf32>
          %exp3A = math.exp %select_n3A : vector<16xf32>
          %swap3A = arith.index_cast %add3A_125 : i32 to index
          %swap3A_137 = tpu.vector_load %arg17[%swap3A] {strides = array<i32>} : memref<80xf32, #tpu.memory_space<vmem>>, vector<16xf32>,
          tpu.vector_store %arg17[%swap3A], %exp3A {strides = array<i32>} : memref<80xf32, #tpu.memory_space<vmem>>, vector<16xf32>,
          %add3A_138 = vector.broadcast %mul3A_0 : i32 to vector<16xi32>
          %add3A_139 = arith.addi %get3A_126, %add3A_138 : vector<16xi32>
          %swap3A_140 = arith.index_cast %add3A_125 : i32 to index
          %swap3A_141 = tpu.vector_load %arg15[%swap3A_140] {strides = array<i32>} : memref<80xi32, #tpu.memory_space<vmem>>, vector<16xi32>,
          tpu.vector_store %arg15[%swap3A_140], %add3A_139 {strides = array<i32>} : memref<80xi32, #tpu.memory_space<vmem>>, vector<16xi32>,
        }
        %scan3A_117 = arith.constant 5 : i32
        %dma_start3A_118 = arith.constant 0 : i32
        %dma_start3A_119 = arith.constant 0 : i32
        %dma_start3A_120 = tpu.memref_slice %arg2[%dma_start3A_118, %dma_start3A_119] : memref<20000x128xf32, #tpu.memory_space<hbm>> -> memref<20000x128xf32, #tpu.memory_space<hbm>>
        tpu.enqueue_indirect_dma source(%dma_start3A_120 : memref<20000x128xf32, #tpu.memory_space<hbm>>) target(%arg21 : memref<80x128xf32, #tpu.memory_space<vmem>>) offsets(%arg15 : memref<80xi32, #tpu.memory_space<vmem>>) semaphore(%arg23 : memref<!tpu.dma_semaphore, #tpu.memory_space<semaphore_mem>>)
      } else {
      }
    }
    %scan3A_22 = arith.constant 125 : i32
    %dma_wait3A = arith.constant 0 : i32
    %dma_wait3A_23 = arith.constant 0 : i32
    %dma_wait3A_24 = tpu.memref_slice %arg11[%dma_wait3A, %dma_wait3A_23] : memref<10240x128xf32, #tpu.memory_space<vmem_shared>> -> memref<10240x128xf32, #tpu.memory_space<vmem_shared>>
    tpu.wait_indirect_dma semaphore(%arg25 : memref<!tpu.dma_semaphore, #tpu.memory_space<semaphore_mem>>) src(%arg21 : memref<80x128xf32, #tpu.memory_space<vmem>>) dst(%dma_wait3A_24 : memref<10240x128xf32, #tpu.memory_space<vmem_shared>>)
    %dma_wait3A_25 = arith.constant 0 : i32
    %dma_wait3A_26 = tpu.memref_slice %arg12[%dma_wait3A_25] : memref<10240xf32, #tpu.memory_space<vmem_shared>> -> memref<10240xf32, #tpu.memory_space<vmem_shared>>
    tpu.wait_indirect_dma semaphore(%arg27 : memref<!tpu.dma_semaphore, #tpu.memory_space<semaphore_mem>>) src(%arg17 : memref<80xf32, #tpu.memory_space<vmem>>) dst(%dma_wait3A_26 : memref<10240xf32, #tpu.memory_space<vmem_shared>>)
    %dma_wait3A_27 = arith.constant 0 : i32
    %dma_wait3A_28 = arith.constant 0 : i32
    %dma_wait3A_29 = tpu.memref_slice %arg11[%dma_wait3A_27, %dma_wait3A_28] : memref<10240x128xf32, #tpu.memory_space<vmem_shared>> -> memref<10240x128xf32, #tpu.memory_space<vmem_shared>>
    tpu.wait_indirect_dma semaphore(%arg26 : memref<!tpu.dma_semaphore, #tpu.memory_space<semaphore_mem>>) src(%arg22 : memref<80x128xf32, #tpu.memory_space<vmem>>) dst(%dma_wait3A_29 : memref<10240x128xf32, #tpu.memory_space<vmem_shared>>)
    %dma_wait3A_30 = arith.constant 0 : i32
    %dma_wait3A_31 = tpu.memref_slice %arg12[%dma_wait3A_30] : memref<10240xf32, #tpu.memory_space<vmem_shared>> -> memref<10240xf32, #tpu.memory_space<vmem_shared>>
    tpu.wait_indirect_dma semaphore(%arg28 : memref<!tpu.dma_semaphore, #tpu.memory_space<semaphore_mem>>) src(%arg18 : memref<80xf32, #tpu.memory_space<vmem>>) dst(%dma_wait3A_31 : memref<10240xf32, #tpu.memory_space<vmem_shared>>)
    %barrier3A_32 = arith.constant 0 : index
    tpu.barrier barrier_id(%barrier3A_32)
    %mul3A_33 = arith.constant 640 : i32
    %mul3A_34 = arith.muli %arg1, %mul3A_33 : i32
    %mul3A_35 = arith.constant 10240 : i32
    %mul3A_36 = arith.muli %arg0, %mul3A_35 : i32
    %mul3A_37 = arith.constant 640 : i32
    %mul3A_38 = arith.muli %arg1, %mul3A_37 : i32
    %add3A_39 = arith.addi %mul3A_36, %mul3A_38 : i32
    "tpu.region"() ({
      %run_scoped3A = tpu.sem_alloc : memref<!tpu.dma_semaphore, #tpu.memory_space<semaphore_mem>>
      %dma_start3A_47 = arith.constant 0 : i32
      %dma_start3A_48 = tpu.memref_slice %arg9[%add3A_39, %dma_start3A_47] : memref<20480x128xf32, #tpu.memory_space<hbm>> -> memref<640x128xf32, #tpu.memory_space<hbm>>
      %dma_start3A_49 = arith.constant 0 : i32
      %dma_start3A_50 = tpu.memref_slice %arg11[%mul3A_34, %dma_start3A_49] : memref<10240x128xf32, #tpu.memory_space<vmem_shared>> -> memref<640x128xf32, #tpu.memory_space<vmem_shared>>
      tpu.enqueue_dma source(%dma_start3A_50 : memref<640x128xf32, #tpu.memory_space<vmem_shared>>) target(%dma_start3A_48 : memref<640x128xf32, #tpu.memory_space<hbm>>) target_semaphore(%run_scoped3A : memref<!tpu.dma_semaphore, #tpu.memory_space<semaphore_mem>>)
      %dma_wait3A_51 = arith.constant 0 : i32
      %dma_wait3A_52 = tpu.memref_slice %arg9[%add3A_39, %dma_wait3A_51] : memref<20480x128xf32, #tpu.memory_space<hbm>> -> memref<640x128xf32, #tpu.memory_space<hbm>>
      %dma_wait3A_53 = arith.constant 0 : i32
      %dma_wait3A_54 = tpu.memref_slice %arg11[%mul3A_34, %dma_wait3A_53] : memref<10240x128xf32, #tpu.memory_space<vmem_shared>> -> memref<640x128xf32, #tpu.memory_space<vmem_shared>>
      tpu.wait_dma2 semaphore(%run_scoped3A : memref<!tpu.dma_semaphore, #tpu.memory_space<semaphore_mem>>) src(%dma_wait3A_54 : memref<640x128xf32, #tpu.memory_space<vmem_shared>>) dst(%dma_wait3A_52 : memref<640x128xf32, #tpu.memory_space<hbm>>)
      tpu.yield
    }) : () -> ()
    %mul3A_40 = arith.constant 640 : i32
    %mul3A_41 = arith.muli %arg1, %mul3A_40 : i32
    %mul3A_42 = arith.constant 10240 : i32
    %mul3A_43 = arith.muli %arg0, %mul3A_42 : i32
    %mul3A_44 = arith.constant 640 : i32
    %mul3A_45 = arith.muli %arg1, %mul3A_44 : i32
    %add3A_46 = arith.addi %mul3A_43, %mul3A_45 : i32
    "tpu.region"() ({
      %run_scoped3A = tpu.sem_alloc : memref<!tpu.dma_semaphore, #tpu.memory_space<semaphore_mem>>
      %dma_start3A_47 = tpu.memref_slice %arg10[%add3A_46] : memref<20480xf32, #tpu.memory_space<hbm>> -> memref<640xf32, #tpu.memory_space<hbm>>
      %dma_start3A_48 = tpu.memref_slice %arg12[%mul3A_41] : memref<10240xf32, #tpu.memory_space<vmem_shared>> -> memref<640xf32, #tpu.memory_space<vmem_shared>>
      tpu.enqueue_dma source(%dma_start3A_48 : memref<640xf32, #tpu.memory_space<vmem_shared>>) target(%dma_start3A_47 : memref<640xf32, #tpu.memory_space<hbm>>) target_semaphore(%run_scoped3A : memref<!tpu.dma_semaphore, #tpu.memory_space<semaphore_mem>>)
      %dma_wait3A_49 = tpu.memref_slice %arg10[%add3A_46] : memref<20480xf32, #tpu.memory_space<hbm>> -> memref<640xf32, #tpu.memory_space<hbm>>
      %dma_wait3A_50 = tpu.memref_slice %arg12[%mul3A_41] : memref<10240xf32, #tpu.memory_space<vmem_shared>> -> memref<640xf32, #tpu.memory_space<vmem_shared>>
      tpu.wait_dma2 semaphore(%run_scoped3A : memref<!tpu.dma_semaphore, #tpu.memory_space<semaphore_mem>>) src(%dma_wait3A_50 : memref<640xf32, #tpu.memory_space<vmem_shared>>) dst(%dma_wait3A_49 : memref<640xf32, #tpu.memory_space<hbm>>)
      tpu.yield
    }) : () -> ()
    return
  }
}

module attributes {stable_mosaic.version = 14 : i64} {
  func.func @_tc1_body(%arg0: i32, %arg1: memref<1000x128xf32, #tpu.memory_space<vmem>>, %arg2: memref<128x256xf32, #tpu.memory_space<vmem>>, %arg3: memref<256x128xf32, #tpu.memory_space<vmem>>, %arg4: memref<1000x128xf32, #tpu.memory_space<vmem>>, %arg5: memref<1000x128xf32, #tpu.memory_space<vmem>>, %arg6: memref<1000x128xf32, #tpu.memory_space<vmem>>) attributes {dimension_semantics = [#tpu.dimension_semantics<arbitrary>], iteration_bounds = array<i64: 10>, scalar_prefetch = 0 : i64, scratch_operands = 0 : i64, tpu.core_type = #tpu.core_type<tc>, window_params = [{transform_indices = @transform_0, window_bounds = array<i64: 1000, 128>}, {pipeline_mode = #tpu.pipeline_mode<synchronous>, transform_indices = @transform_1, window_bounds = array<i64: 128, 256>}, {pipeline_mode = #tpu.pipeline_mode<synchronous>, transform_indices = @transform_2, window_bounds = array<i64: 256, 128>}, {transform_indices = @transform_3, window_bounds = array<i64: 1000, 128>}, {transform_indices = @transform_4, window_bounds = array<i64: 1000, 128>}, {transform_indices = @transform_5, window_bounds = array<i64: 1000, 128>}]} {
    %get3A = arith.constant 0 : index
    %get3A_0 = arith.constant 0 : index
    %get3A_1 = vector.load %arg1[%get3A, %get3A_0] : memref<1000x128xf32, #tpu.memory_space<vmem>>, vector<1000x128xf32>
    %get3A_2 = arith.constant 0 : index
    %get3A_3 = arith.constant 0 : index
    %get3A_4 = vector.load %arg2[%get3A_2, %get3A_3] : memref<128x256xf32, #tpu.memory_space<vmem>>, vector<128x256xf32>
    %dot_general3A = arith.constant dense<0.000000e+00> : vector<1000x256xf32>
    %dot_general3A_5 = tpu.matmul %get3A_1, %get3A_4, %dot_general3A {dimension_numbers = #tpu.dot_dimension_numbers<[1], [0], [0], [1], [0, 0, 1, 1], [], []>, precision = #tpu.contract_precision<fp32>, transpose_lhs_hint = false} : vector<1000x128xf32>, vector<128x256xf32>, vector<1000x256xf32> -> vector<1000x256xf32>
    %get3A_6 = arith.constant 0 : index
    %get3A_7 = arith.constant 0 : index
    %get3A_8 = vector.load %arg3[%get3A_6, %get3A_7] : memref<256x128xf32, #tpu.memory_space<vmem>>, vector<256x128xf32>
    %dot_general3A_9 = arith.constant dense<0.000000e+00> : vector<1000x128xf32>
    %dot_general3A_10 = tpu.matmul %dot_general3A_5, %get3A_8, %dot_general3A_9 {dimension_numbers = #tpu.dot_dimension_numbers<[1], [0], [0], [1], [0, 0, 1, 1], [], []>, precision = #tpu.contract_precision<fp32>, transpose_lhs_hint = false} : vector<1000x256xf32>, vector<256x128xf32>, vector<1000x128xf32> -> vector<1000x128xf32>
    %slice3A = vector.extract_strided_slice %dot_general3A_5 {offsets = [0, 0], sizes = [1000, 128], strides = [1, 1]} : vector<1000x256xf32> to vector<1000x128xf32>
    %swap3A = arith.constant 0 : index
    %swap3A_11 = arith.constant 0 : index
    %swap3A_12 = vector.load %arg4[%swap3A, %swap3A_11] : memref<1000x128xf32, #tpu.memory_space<vmem>>, vector<1000x128xf32>
    tpu.vector_store %arg4[%swap3A, %swap3A_11], %slice3A {strides = array<i32>} : memref<1000x128xf32, #tpu.memory_space<vmem>>, vector<1000x128xf32>,
    %slice3A_13 = vector.extract_strided_slice %dot_general3A_5 {offsets = [0, 128], sizes = [1000, 128], strides = [1, 1]} : vector<1000x256xf32> to vector<1000x128xf32>
    %swap3A_14 = arith.constant 0 : index
    %swap3A_15 = arith.constant 0 : index
    %swap3A_16 = vector.load %arg5[%swap3A_14, %swap3A_15] : memref<1000x128xf32, #tpu.memory_space<vmem>>, vector<1000x128xf32>
    tpu.vector_store %arg5[%swap3A_14, %swap3A_15], %slice3A_13 {strides = array<i32>} : memref<1000x128xf32, #tpu.memory_space<vmem>>, vector<1000x128xf32>,
    %swap3A_17 = arith.constant 0 : index
    %swap3A_18 = arith.constant 0 : index
    %swap3A_19 = vector.load %arg6[%swap3A_17, %swap3A_18] : memref<1000x128xf32, #tpu.memory_space<vmem>>, vector<1000x128xf32>
    tpu.vector_store %arg6[%swap3A_17, %swap3A_18], %dot_general3A_10 {strides = array<i32>} : memref<1000x128xf32, #tpu.memory_space<vmem>>, vector<1000x128xf32>,
    return
  }
  func.func @transform_0(%arg0: i32) -> (i32, i32) {
    %c0_i32 = arith.constant 0 : i32
    %c0_i32_0 = arith.constant 0 : i32
    return %arg0, %c0_i32 : i32, i32
  }
  func.func @transform_1(%arg0: i32) -> (i32, i32) {
    %c0_i32 = arith.constant 0 : i32
    %c0_i32_0 = arith.constant 0 : i32
    %c0_i32_1 = arith.constant 0 : i32
    return %c0_i32, %c0_i32_0 : i32, i32
  }
  func.func @transform_2(%arg0: i32) -> (i32, i32) {
    %c0_i32 = arith.constant 0 : i32
    %c0_i32_0 = arith.constant 0 : i32
    %c0_i32_1 = arith.constant 0 : i32
    return %c0_i32, %c0_i32_0 : i32, i32
  }
  func.func @transform_3(%arg0: i32) -> (i32, i32) {
    %c0_i32 = arith.constant 0 : i32
    %c0_i32_0 = arith.constant 0 : i32
    return %arg0, %c0_i32 : i32, i32
  }
  func.func @transform_4(%arg0: i32) -> (i32, i32) {
    %c0_i32 = arith.constant 0 : i32
    %c0_i32_0 = arith.constant 0 : i32
    return %arg0, %c0_i32 : i32, i32
  }
  func.func @transform_5(%arg0: i32) -> (i32, i32) {
    %c0_i32 = arith.constant 0 : i32
    %c0_i32_0 = arith.constant 0 : i32
    return %arg0, %c0_i32 : i32, i32
  }
}

module attributes {stable_mosaic.version = 14 : i64} {
  func.func @_tc2_body(%arg0: i32, %arg1: memref<1000x128xf32, #tpu.memory_space<vmem>>, %arg2: memref<1000x128xf32, #tpu.memory_space<vmem>>, %arg3: memref<1000x1xf32, #tpu.memory_space<vmem>>, %arg4: memref<1000x1xf32, #tpu.memory_space<vmem>>, %arg5: memref<1000x128xf32, #tpu.memory_space<vmem>>, %arg6: memref<1000x128xf32, #tpu.memory_space<vmem>>, %arg7: memref<1000x128xf32, #tpu.memory_space<vmem>>, %arg8: memref<256x128xf32, #tpu.memory_space<vmem>>, %arg9: memref<128x128xf32, #tpu.memory_space<vmem>>, %arg10: memref<1x256xf32, #tpu.memory_space<vmem>>, %arg11: memref<1000x128xf32, #tpu.memory_space<vmem>>, %arg12: memref<1000x128xf32, #tpu.memory_space<vmem>>) attributes {dimension_semantics = [#tpu.dimension_semantics<arbitrary>], iteration_bounds = array<i64: 10>, scalar_prefetch = 0 : i64, scratch_operands = 0 : i64, tpu.core_type = #tpu.core_type<tc>, window_params = [{transform_indices = @transform_0, window_bounds = array<i64: 1000, 128>}, {transform_indices = @transform_1, window_bounds = array<i64: 1000, 128>}, {transform_indices = @transform_2, window_bounds = array<i64: 1000, 1>}, {transform_indices = @transform_3, window_bounds = array<i64: 1000, 1>}, {transform_indices = @transform_4, window_bounds = array<i64: 1000, 128>}, {transform_indices = @transform_5, window_bounds = array<i64: 1000, 128>}, {transform_indices = @transform_6, window_bounds = array<i64: 1000, 128>}, {pipeline_mode = #tpu.pipeline_mode<synchronous>, transform_indices = @transform_7, window_bounds = array<i64: 256, 128>}, {pipeline_mode = #tpu.pipeline_mode<synchronous>, transform_indices = @transform_8, window_bounds = array<i64: 128, 128>}, {pipeline_mode = #tpu.pipeline_mode<synchronous>, transform_indices = @transform_9, window_bounds = array<i64: 1, 256>}, {transform_indices = @transform_10, window_bounds = array<i64: 1000, 128>}, {transform_indices = @transform_11, window_bounds = array<i64: 1000, 128>}]} {
    %get3A = arith.constant 0 : index
    %get3A_0 = arith.constant 0 : index
    %get3A_1 = vector.load %arg7[%get3A, %get3A_0] : memref<1000x128xf32, #tpu.memory_space<vmem>>, vector<1000x128xf32>
    %get3A_2 = arith.constant 0 : index
    %get3A_3 = arith.constant 0 : index
    %get3A_4 = vector.load %arg10[%get3A_2, %get3A_3] : memref<1x256xf32, #tpu.memory_space<vmem>>, vector<1x256xf32>
    %slice3A = vector.extract_strided_slice %get3A_1 {offsets = [0, 0], sizes = [1000, 1], strides = [1, 1]} : vector<1000x128xf32> to vector<1000x1xf32>
    %slice3A_5 = vector.extract_strided_slice %get3A_1 {offsets = [0, 1], sizes = [1000, 1], strides = [1, 1]} : vector<1000x128xf32> to vector<1000x1xf32>
    %add3A = arith.addf %slice3A, %slice3A_5 : vector<1000x1xf32>
    %gt3A = arith.constant 0.000000e+00 : f32
    %gt3A_6 = vector.broadcast %gt3A : f32 to vector<1000x1xf32>
    %gt3A_7 = arith.cmpf ogt, %add3A, %gt3A_6 : vector<1000x1xf32>
    %mul3A = arith.constant 2.000000e-01 : f32
    %mul3A_8 = vector.broadcast %mul3A : f32 to vector<1000x1xf32>
    %mul3A_9 = arith.mulf %mul3A_8, %add3A : vector<1000x1xf32>
    %select_n3A = arith.select %gt3A_7, %add3A, %mul3A_9 : vector<1000x1xi1>, vector<1000x1xf32>
    %exp3A = math.exp %select_n3A : vector<1000x1xf32>
    %get3A_10 = arith.constant 0 : index
    %get3A_11 = arith.constant 0 : index
    %get3A_12 = vector.load %arg1[%get3A_10, %get3A_11] : memref<1000x128xf32, #tpu.memory_space<vmem>>, vector<1000x128xf32>
    %get3A_13 = arith.constant 0 : index
    %get3A_14 = arith.constant 0 : index
    %get3A_15 = vector.load %arg5[%get3A_13, %get3A_14] : memref<1000x128xf32, #tpu.memory_space<vmem>>, vector<1000x128xf32>
    %get3A_16 = arith.constant 0 : index
    %get3A_17 = arith.constant 0 : index
    %get3A_18 = vector.load %arg3[%get3A_16, %get3A_17] : memref<1000x1xf32, #tpu.memory_space<vmem>>, vector<1000x1xf32>
    %add3A_19 = arith.addf %get3A_18, %exp3A : vector<1000x1xf32>
    %mul3A_20 = vector.broadcast %exp3A : vector<1000x1xf32> to vector<1000x128xf32>
    %mul3A_21 = arith.mulf %mul3A_20, %get3A_15 : vector<1000x128xf32>
    %add3A_22 = arith.addf %get3A_12, %mul3A_21 : vector<1000x128xf32>
    %add3A_23 = arith.constant 1.000000e-16 : f32
    %add3A_24 = vector.broadcast %add3A_23 : f32 to vector<1000x1xf32>
    %add3A_25 = arith.addf %add3A_19, %add3A_24 : vector<1000x1xf32>
    %div3A = vector.broadcast %add3A_25 : vector<1000x1xf32> to vector<1000x128xf32>
    %div3A_26 = arith.divf %add3A_22, %div3A : vector<1000x128xf32>
    %slice3A_27 = vector.extract_strided_slice %get3A_4 {offsets = [0, 0], sizes = [1, 128], strides = [1, 1]} : vector<1x256xf32> to vector<1x128xf32>
    %add3A_28 = vector.broadcast %slice3A_27 : vector<1x128xf32> to vector<1000x128xf32>
    %add3A_29 = arith.addf %div3A_26, %add3A_28 : vector<1000x128xf32>
    %gt3A_30 = arith.constant 0.000000e+00 : f32
    %gt3A_31 = vector.broadcast %gt3A_30 : f32 to vector<1000x128xf32>
    %gt3A_32 = arith.cmpf ogt, %add3A_29, %gt3A_31 : vector<1000x128xf32>
    %exp3A_33 = math.exp %add3A_29 : vector<1000x128xf32>
    %sub3A = arith.constant 1.000000e+00 : f32
    %sub3A_34 = vector.broadcast %sub3A : f32 to vector<1000x128xf32>
    %sub3A_35 = arith.subf %exp3A_33, %sub3A_34 : vector<1000x128xf32>
    %select_n3A_36 = arith.select %gt3A_32, %add3A_29, %sub3A_35 : vector<1000x128xi1>, vector<1000x128xf32>
    %slice3A_37 = vector.extract_strided_slice %get3A_1 {offsets = [0, 2], sizes = [1000, 1], strides = [1, 1]} : vector<1000x128xf32> to vector<1000x1xf32>
    %slice3A_38 = vector.extract_strided_slice %get3A_1 {offsets = [0, 3], sizes = [1000, 1], strides = [1, 1]} : vector<1000x128xf32> to vector<1000x1xf32>
    %add3A_39 = arith.addf %slice3A_37, %slice3A_38 : vector<1000x1xf32>
    %gt3A_40 = arith.constant 0.000000e+00 : f32
    %gt3A_41 = vector.broadcast %gt3A_40 : f32 to vector<1000x1xf32>
    %gt3A_42 = arith.cmpf ogt, %add3A_39, %gt3A_41 : vector<1000x1xf32>
    %mul3A_43 = arith.constant 2.000000e-01 : f32
    %mul3A_44 = vector.broadcast %mul3A_43 : f32 to vector<1000x1xf32>
    %mul3A_45 = arith.mulf %mul3A_44, %add3A_39 : vector<1000x1xf32>
    %select_n3A_46 = arith.select %gt3A_42, %add3A_39, %mul3A_45 : vector<1000x1xi1>, vector<1000x1xf32>
    %exp3A_47 = math.exp %select_n3A_46 : vector<1000x1xf32>
    %get3A_48 = arith.constant 0 : index
    %get3A_49 = arith.constant 0 : index
    %get3A_50 = vector.load %arg2[%get3A_48, %get3A_49] : memref<1000x128xf32, #tpu.memory_space<vmem>>, vector<1000x128xf32>
    %get3A_51 = arith.constant 0 : index
    %get3A_52 = arith.constant 0 : index
    %get3A_53 = vector.load %arg6[%get3A_51, %get3A_52] : memref<1000x128xf32, #tpu.memory_space<vmem>>, vector<1000x128xf32>
    %get3A_54 = arith.constant 0 : index
    %get3A_55 = arith.constant 0 : index
    %get3A_56 = vector.load %arg4[%get3A_54, %get3A_55] : memref<1000x1xf32, #tpu.memory_space<vmem>>, vector<1000x1xf32>
    %add3A_57 = arith.addf %get3A_56, %exp3A_47 : vector<1000x1xf32>
    %mul3A_58 = vector.broadcast %exp3A_47 : vector<1000x1xf32> to vector<1000x128xf32>
    %mul3A_59 = arith.mulf %mul3A_58, %get3A_53 : vector<1000x128xf32>
    %add3A_60 = arith.addf %get3A_50, %mul3A_59 : vector<1000x128xf32>
    %add3A_61 = arith.constant 1.000000e-16 : f32
    %add3A_62 = vector.broadcast %add3A_61 : f32 to vector<1000x1xf32>
    %add3A_63 = arith.addf %add3A_57, %add3A_62 : vector<1000x1xf32>
    %div3A_64 = vector.broadcast %add3A_63 : vector<1000x1xf32> to vector<1000x128xf32>
    %div3A_65 = arith.divf %add3A_60, %div3A_64 : vector<1000x128xf32>
    %slice3A_66 = vector.extract_strided_slice %get3A_4 {offsets = [0, 128], sizes = [1, 128], strides = [1, 1]} : vector<1x256xf32> to vector<1x128xf32>
    %add3A_67 = vector.broadcast %slice3A_66 : vector<1x128xf32> to vector<1000x128xf32>
    %add3A_68 = arith.addf %div3A_65, %add3A_67 : vector<1000x128xf32>
    %gt3A_69 = arith.constant 0.000000e+00 : f32
    %gt3A_70 = vector.broadcast %gt3A_69 : f32 to vector<1000x128xf32>
    %gt3A_71 = arith.cmpf ogt, %add3A_68, %gt3A_70 : vector<1000x128xf32>
    %exp3A_72 = math.exp %add3A_68 : vector<1000x128xf32>
    %sub3A_73 = arith.constant 1.000000e+00 : f32
    %sub3A_74 = vector.broadcast %sub3A_73 : f32 to vector<1000x128xf32>
    %sub3A_75 = arith.subf %exp3A_72, %sub3A_74 : vector<1000x128xf32>
    %select_n3A_76 = arith.select %gt3A_71, %add3A_68, %sub3A_75 : vector<1000x128xi1>, vector<1000x128xf32>
    %get3A_77 = arith.constant 0 : index
    %get3A_78 = arith.constant 0 : index
    %get3A_79 = vector.load %arg8[%get3A_77, %get3A_78] : memref<256x128xf32, #tpu.memory_space<vmem>>, vector<256x128xf32>
    %slice3A_80 = vector.extract_strided_slice %get3A_79 {offsets = [0, 0], sizes = [128, 128], strides = [1, 1]} : vector<256x128xf32> to vector<128x128xf32>
    %dot_general3A = arith.constant dense<0.000000e+00> : vector<1000x128xf32>
    %dot_general3A_81 = tpu.matmul %select_n3A_36, %slice3A_80, %dot_general3A {dimension_numbers = #tpu.dot_dimension_numbers<[1], [0], [0], [1], [0, 0, 1, 1], [], []>, precision = #tpu.contract_precision<fp32>, transpose_lhs_hint = false} : vector<1000x128xf32>, vector<128x128xf32>, vector<1000x128xf32> -> vector<1000x128xf32>
    %slice3A_82 = vector.extract_strided_slice %get3A_79 {offsets = [128, 0], sizes = [128, 128], strides = [1, 1]} : vector<256x128xf32> to vector<128x128xf32>
    %dot_general3A_83 = arith.constant dense<0.000000e+00> : vector<1000x128xf32>
    %dot_general3A_84 = tpu.matmul %select_n3A_76, %slice3A_82, %dot_general3A_83 {dimension_numbers = #tpu.dot_dimension_numbers<[1], [0], [0], [1], [0, 0, 1, 1], [], []>, precision = #tpu.contract_precision<fp32>, transpose_lhs_hint = false} : vector<1000x128xf32>, vector<128x128xf32>, vector<1000x128xf32> -> vector<1000x128xf32>
    %add3A_85 = arith.addf %dot_general3A_81, %dot_general3A_84 : vector<1000x128xf32>
    %get3A_86 = arith.constant 0 : index
    %get3A_87 = arith.constant 0 : index
    %get3A_88 = vector.load %arg9[%get3A_86, %get3A_87] : memref<128x128xf32, #tpu.memory_space<vmem>>, vector<128x128xf32>
    %dot_general3A_89 = arith.constant dense<0.000000e+00> : vector<1000x128xf32>
    %dot_general3A_90 = tpu.matmul %add3A_85, %get3A_88, %dot_general3A_89 {dimension_numbers = #tpu.dot_dimension_numbers<[1], [0], [0], [1], [0, 0, 1, 1], [], []>, precision = #tpu.contract_precision<fp32>, transpose_lhs_hint = false} : vector<1000x128xf32>, vector<128x128xf32>, vector<1000x128xf32> -> vector<1000x128xf32>
    %swap3A = arith.constant 0 : index
    %swap3A_91 = arith.constant 0 : index
    %swap3A_92 = vector.load %arg11[%swap3A, %swap3A_91] : memref<1000x128xf32, #tpu.memory_space<vmem>>, vector<1000x128xf32>
    tpu.vector_store %arg11[%swap3A, %swap3A_91], %add3A_85 {strides = array<i32>} : memref<1000x128xf32, #tpu.memory_space<vmem>>, vector<1000x128xf32>,
    %swap3A_93 = arith.constant 0 : index
    %swap3A_94 = arith.constant 0 : index
    %swap3A_95 = vector.load %arg12[%swap3A_93, %swap3A_94] : memref<1000x128xf32, #tpu.memory_space<vmem>>, vector<1000x128xf32>
    tpu.vector_store %arg12[%swap3A_93, %swap3A_94], %dot_general3A_90 {strides = array<i32>} : memref<1000x128xf32, #tpu.memory_space<vmem>>, vector<1000x128xf32>,
    return
  }
  func.func @transform_0(%arg0: i32) -> (i32, i32) {
    %c0_i32 = arith.constant 0 : i32
    %c0_i32_0 = arith.constant 0 : i32
    return %arg0, %c0_i32 : i32, i32
  }
  func.func @transform_1(%arg0: i32) -> (i32, i32) {
    %c0_i32 = arith.constant 0 : i32
    %c0_i32_0 = arith.constant 0 : i32
    return %arg0, %c0_i32 : i32, i32
  }
  func.func @transform_2(%arg0: i32) -> (i32, i32) {
    %c0_i32 = arith.constant 0 : i32
    %c0_i32_0 = arith.constant 0 : i32
    return %arg0, %c0_i32 : i32, i32
  }
  func.func @transform_3(%arg0: i32) -> (i32, i32) {
    %c0_i32 = arith.constant 0 : i32
    %c0_i32_0 = arith.constant 0 : i32
    return %arg0, %c0_i32 : i32, i32
  }
  func.func @transform_4(%arg0: i32) -> (i32, i32) {
    %c0_i32 = arith.constant 0 : i32
    %c0_i32_0 = arith.constant 0 : i32
    return %arg0, %c0_i32 : i32, i32
  }
  func.func @transform_5(%arg0: i32) -> (i32, i32) {
    %c0_i32 = arith.constant 0 : i32
    %c0_i32_0 = arith.constant 0 : i32
    return %arg0, %c0_i32 : i32, i32
  }
  func.func @transform_6(%arg0: i32) -> (i32, i32) {
    %c0_i32 = arith.constant 0 : i32
    %c0_i32_0 = arith.constant 0 : i32
    return %arg0, %c0_i32 : i32, i32
  }
  func.func @transform_7(%arg0: i32) -> (i32, i32) {
    %c0_i32 = arith.constant 0 : i32
    %c0_i32_0 = arith.constant 0 : i32
    %c0_i32_1 = arith.constant 0 : i32
    return %c0_i32, %c0_i32_0 : i32, i32
  }
  func.func @transform_8(%arg0: i32) -> (i32, i32) {
    %c0_i32 = arith.constant 0 : i32
    %c0_i32_0 = arith.constant 0 : i32
    %c0_i32_1 = arith.constant 0 : i32
    return %c0_i32, %c0_i32_0 : i32, i32
  }
  func.func @transform_9(%arg0: i32) -> (i32, i32) {
    %c0_i32 = arith.constant 0 : i32
    %c0_i32_0 = arith.constant 0 : i32
    %c0_i32_1 = arith.constant 0 : i32
    return %c0_i32, %c0_i32_0 : i32, i32
  }
  func.func @transform_10(%arg0: i32) -> (i32, i32) {
    %c0_i32 = arith.constant 0 : i32
    %c0_i32_0 = arith.constant 0 : i32
    return %arg0, %c0_i32 : i32, i32
  }
  func.func @transform_11(%arg0: i32) -> (i32, i32) {
    %c0_i32 = arith.constant 0 : i32
    %c0_i32_0 = arith.constant 0 : i32
    return %arg0, %c0_i32 : i32, i32
  }
}

module attributes {stable_mosaic.version = 14 : i64} {
  func.func @_tc3_body(%arg0: i32, %arg1: memref<1000x128xf32, #tpu.memory_space<vmem>>, %arg2: memref<1000x128xf32, #tpu.memory_space<vmem>>, %arg3: memref<1000x1xf32, #tpu.memory_space<vmem>>, %arg4: memref<1000x1xf32, #tpu.memory_space<vmem>>, %arg5: memref<1000x128xf32, #tpu.memory_space<vmem>>, %arg6: memref<1000x128xf32, #tpu.memory_space<vmem>>, %arg7: memref<1x128xf32, #tpu.memory_space<vmem>>, %arg8: memref<1000x128xf32, #tpu.memory_space<vmem>>) attributes {dimension_semantics = [#tpu.dimension_semantics<arbitrary>], iteration_bounds = array<i64: 10>, scalar_prefetch = 0 : i64, scratch_operands = 0 : i64, tpu.core_type = #tpu.core_type<tc>, window_params = [{transform_indices = @transform_0, window_bounds = array<i64: 1000, 128>}, {transform_indices = @transform_1, window_bounds = array<i64: 1000, 128>}, {transform_indices = @transform_2, window_bounds = array<i64: 1000, 1>}, {transform_indices = @transform_3, window_bounds = array<i64: 1000, 1>}, {transform_indices = @transform_4, window_bounds = array<i64: 1000, 128>}, {transform_indices = @transform_5, window_bounds = array<i64: 1000, 128>}, {pipeline_mode = #tpu.pipeline_mode<synchronous>, transform_indices = @transform_6, window_bounds = array<i64: 1, 128>}, {transform_indices = @transform_7, window_bounds = array<i64: 1000, 128>}]} {
    %get3A = arith.constant 0 : index
    %get3A_0 = arith.constant 0 : index
    %get3A_1 = vector.load %arg6[%get3A, %get3A_0] : memref<1000x128xf32, #tpu.memory_space<vmem>>, vector<1000x128xf32>
    %slice3A = vector.extract_strided_slice %get3A_1 {offsets = [0, 0], sizes = [1000, 1], strides = [1, 1]} : vector<1000x128xf32> to vector<1000x1xf32>
    %slice3A_2 = vector.extract_strided_slice %get3A_1 {offsets = [0, 1], sizes = [1000, 1], strides = [1, 1]} : vector<1000x128xf32> to vector<1000x1xf32>
    %add3A = arith.addf %slice3A, %slice3A_2 : vector<1000x1xf32>
    %gt3A = arith.constant 0.000000e+00 : f32
    %gt3A_3 = vector.broadcast %gt3A : f32 to vector<1000x1xf32>
    %gt3A_4 = arith.cmpf ogt, %add3A, %gt3A_3 : vector<1000x1xf32>
    %mul3A = arith.constant 2.000000e-01 : f32
    %mul3A_5 = vector.broadcast %mul3A : f32 to vector<1000x1xf32>
    %mul3A_6 = arith.mulf %mul3A_5, %add3A : vector<1000x1xf32>
    %select_n3A = arith.select %gt3A_4, %add3A, %mul3A_6 : vector<1000x1xi1>, vector<1000x1xf32>
    %exp3A = math.exp %select_n3A : vector<1000x1xf32>
    %get3A_7 = arith.constant 0 : index
    %get3A_8 = arith.constant 0 : index
    %get3A_9 = vector.load %arg5[%get3A_7, %get3A_8] : memref<1000x128xf32, #tpu.memory_space<vmem>>, vector<1000x128xf32>
    %get3A_10 = arith.constant 0 : index
    %get3A_11 = arith.constant 0 : index
    %get3A_12 = vector.load %arg3[%get3A_10, %get3A_11] : memref<1000x1xf32, #tpu.memory_space<vmem>>, vector<1000x1xf32>
    %get3A_13 = arith.constant 0 : index
    %get3A_14 = arith.constant 0 : index
    %get3A_15 = vector.load %arg4[%get3A_13, %get3A_14] : memref<1000x1xf32, #tpu.memory_space<vmem>>, vector<1000x1xf32>
    %add3A_16 = arith.addf %get3A_12, %get3A_15 : vector<1000x1xf32>
    %add3A_17 = arith.addf %add3A_16, %exp3A : vector<1000x1xf32>
    %get3A_18 = arith.constant 0 : index
    %get3A_19 = arith.constant 0 : index
    %get3A_20 = vector.load %arg1[%get3A_18, %get3A_19] : memref<1000x128xf32, #tpu.memory_space<vmem>>, vector<1000x128xf32>
    %get3A_21 = arith.constant 0 : index
    %get3A_22 = arith.constant 0 : index
    %get3A_23 = vector.load %arg2[%get3A_21, %get3A_22] : memref<1000x128xf32, #tpu.memory_space<vmem>>, vector<1000x128xf32>
    %add3A_24 = arith.addf %get3A_20, %get3A_23 : vector<1000x128xf32>
    %mul3A_25 = vector.broadcast %exp3A : vector<1000x1xf32> to vector<1000x128xf32>
    %mul3A_26 = arith.mulf %mul3A_25, %get3A_9 : vector<1000x128xf32>
    %add3A_27 = arith.addf %add3A_24, %mul3A_26 : vector<1000x128xf32>
    %add3A_28 = arith.constant 1.000000e-16 : f32
    %add3A_29 = vector.broadcast %add3A_28 : f32 to vector<1000x1xf32>
    %add3A_30 = arith.addf %add3A_17, %add3A_29 : vector<1000x1xf32>
    %div3A = vector.broadcast %add3A_30 : vector<1000x1xf32> to vector<1000x128xf32>
    %div3A_31 = arith.divf %add3A_27, %div3A : vector<1000x128xf32>
    %get3A_32 = arith.constant 0 : index
    %get3A_33 = arith.constant 0 : index
    %get3A_34 = vector.load %arg7[%get3A_32, %get3A_33] : memref<1x128xf32, #tpu.memory_space<vmem>>, vector<1x128xf32>
    %add3A_35 = vector.broadcast %get3A_34 : vector<1x128xf32> to vector<1000x128xf32>
    %add3A_36 = arith.addf %div3A_31, %add3A_35 : vector<1000x128xf32>
    %reduce_max3A = arith.constant dense<0xFF800000> : vector<1000xf32>
    %reduce_max3A_37 = vector.multi_reduction <maximumf>, %add3A_36, %reduce_max3A [1] : vector<1000x128xf32> to vector<1000xf32>
    %broadcast_in_dim3A = vector.shape_cast %reduce_max3A_37 : vector<1000xf32> to vector<1000x1xf32>
    %sub3A = vector.broadcast %broadcast_in_dim3A : vector<1000x1xf32> to vector<1000x128xf32>
    %sub3A_38 = arith.subf %add3A_36, %sub3A : vector<1000x128xf32>
    %exp3A_39 = math.exp %sub3A_38 : vector<1000x128xf32>
    %reduce_sum3A = arith.constant dense<0.000000e+00> : vector<1000xf32>
    %reduce_sum3A_40 = vector.multi_reduction <add>, %exp3A_39, %reduce_sum3A [1] : vector<1000x128xf32> to vector<1000xf32>
    %broadcast_in_dim3A_41 = vector.shape_cast %reduce_sum3A_40 : vector<1000xf32> to vector<1000x1xf32>
    %log3A = math.log %broadcast_in_dim3A_41 : vector<1000x1xf32>
    %sub3A_42 = vector.broadcast %log3A : vector<1000x1xf32> to vector<1000x128xf32>
    %sub3A_43 = arith.subf %sub3A_38, %sub3A_42 : vector<1000x128xf32>
    %swap3A = arith.constant 0 : index
    %swap3A_44 = arith.constant 0 : index
    %swap3A_45 = vector.load %arg8[%swap3A, %swap3A_44] : memref<1000x128xf32, #tpu.memory_space<vmem>>, vector<1000x128xf32>
    tpu.vector_store %arg8[%swap3A, %swap3A_44], %sub3A_43 {strides = array<i32>} : memref<1000x128xf32, #tpu.memory_space<vmem>>, vector<1000x128xf32>,
    return
  }
  func.func @transform_0(%arg0: i32) -> (i32, i32) {
    %c0_i32 = arith.constant 0 : i32
    %c0_i32_0 = arith.constant 0 : i32
    return %arg0, %c0_i32 : i32, i32
  }
  func.func @transform_1(%arg0: i32) -> (i32, i32) {
    %c0_i32 = arith.constant 0 : i32
    %c0_i32_0 = arith.constant 0 : i32
    return %arg0, %c0_i32 : i32, i32
  }
  func.func @transform_2(%arg0: i32) -> (i32, i32) {
    %c0_i32 = arith.constant 0 : i32
    %c0_i32_0 = arith.constant 0 : i32
    return %arg0, %c0_i32 : i32, i32
  }
  func.func @transform_3(%arg0: i32) -> (i32, i32) {
    %c0_i32 = arith.constant 0 : i32
    %c0_i32_0 = arith.constant 0 : i32
    return %arg0, %c0_i32 : i32, i32
  }
  func.func @transform_4(%arg0: i32) -> (i32, i32) {
    %c0_i32 = arith.constant 0 : i32
    %c0_i32_0 = arith.constant 0 : i32
    return %arg0, %c0_i32 : i32, i32
  }
  func.func @transform_5(%arg0: i32) -> (i32, i32) {
    %c0_i32 = arith.constant 0 : i32
    %c0_i32_0 = arith.constant 0 : i32
    return %arg0, %c0_i32 : i32, i32
  }
  func.func @transform_6(%arg0: i32) -> (i32, i32) {
    %c0_i32 = arith.constant 0 : i32
    %c0_i32_0 = arith.constant 0 : i32
    %c0_i32_1 = arith.constant 0 : i32
    return %c0_i32, %c0_i32_0 : i32, i32
  }
  func.func @transform_7(%arg0: i32) -> (i32, i32) {
    %c0_i32 = arith.constant 0 : i32
    %c0_i32_0 = arith.constant 0 : i32
    return %arg0, %c0_i32 : i32, i32
  }
}

</mosaic_0001>

<sc_bundles>
// kernel: kernel.10.cloned.1.call-start
scs
__scs_entry_jumppad:
0x0: {  	(pc) =	sbr.rel $0x88, $3  }
0x1: {  	(tag) =	ssettag $0x0;
	lr =	simm.s32 $0x1  }
0x2: {  	[smem:$0x3F97] =	sst lr;
	_ =	strace $0xD0000000  }
0x3: {  	_ = 	snop  }
0x4: {  	_ = 	snop  }
0x5: {  	_ = 	snop  }
0x6: {  	_ = 	snop  }
0x7: {  	_ = 	snop  }
__scs_overlays_trampoline_lowered:
0x8: {  	[smem:$0x3FA6] =	sst s0  }
0x9: {  	[smem:$0x3FA7] =	sst s1  }
0xa: {  	[smem:$0x3FA8] =	sst s2  }
0xb: {  	[smem:$0x3FA9] =	sst s3  }
0xc: {  	[smem:$0x3FAA] =	sst s4  }
0xd: {  	[smem:$0x3FAB] =	sst s5  }
0xe: {  	[smem:$0x3FAC] =	sst s6  }
0xf: {  	[smem:$0x3FAD] =	sst s7  }
0x10: {  	[smem:$0x3FAE] =	sst s8  }
0x11: {  	[smem:$0x3FAF] =	sst s9;
	s0 =	simm.s32 @!p0 $0x0  }
0x12: {  	s1 =	sld [smem:$0x3F95];
	s0 =	simm.s32 @p0 $0x1  }
0x13: {  	[smem:$0x3FB0] =	sst s0;
	s0 =	simm.s32 @!p1 $0x0  }
0x14: {  	s2 =	sld [smem:$0x3F94];
	s0 =	simm.s32 @p1 $0x1  }
0x15: {  	[smem:$0x3FB1] =	sst s0;
	s0 =	simm.s32 @!p2 $0x0  }
0x16: {  	s3 =	sld [smem:$0x3FDB];
	s0 =	simm.s32 @p2 $0x1  }
0x17: {  	s4 =	simm.s32 $0x1BF5;
	[smem:$0x3FB3] =	sst s0  }
0x18: {  	s0 =	sld [smem:$0x3F96];
	_ =	swait.ge [sflag:s4], $0x0  }
0x19: {  	s7 =	sld [smem:$0x3F97]  }
0x1a: {  	s8 =	sadd.s32 $0xFFFFE003, lr  }
0x1b: {  	s9 =	sadd.s32 $0xFFFFFEF7, lr;
	s5 =	simm.s32 $0xFFFFFFFF;
	p2 =	slt.u32 s8, $0xFFFFF086  }
0x1c: {  	p1 =	slt.u32 s9, $0xF7A;
	s5 =	simm.s32 @!p2 $0x0  }
0x1d: {  	s5 =	simm.s32 @p1 $0x1;
	p0 =	seq.s32 s7, s2  }
0x1e: {  	s7 =	smul.u32 @!p0 $0xF7A, s2;
	p2 =	seq.s32 @!p0 s5, $0x0  }
0x1f: {  	s9 =	smul.u32 $0xF7A, s1;
	s8 =	simm.s32 @!p0 $0x1BF5;
	p2 =	por !p2, p0  }
0x20: {  	[sflag:s8] =	ssyncset.s32 @!p0 $0xFFFFF086;
	s6 =	sadd.s32 @!p0 s3, s7;
	s7 =	simm.s32 @!p0 $0x108  }
0x21: {  	s3 =	sadd.s32 s3, s9;
	s6 =	sadd.s32 @!p0 $0x88, s6;
	s7 =	simm.s32 @p2 $0x1082  }
0x22: {  	[simem:s7], [sflag:s8] =	dma.local @!p0 [hbm:s6], $0xF7A  }
0x23: {  	s9 =	sor.u32 $0xD0000000, s2;
	s6 =	simm.s32 $0x108;
	_ =	swait.ge @!p0 [sflag:s8], $0x0  }
0x24: {  	s3 =	sadd.s32 $0x88, s3;
	s6 =	simm.s32 @!p1 $0x1082;
	[sflag:s4] =	ssyncset.s32 $0xFFFFF086  }
0x25: {  	[simem:s6], [sflag:s4] =	dma.local [hbm:s3], $0xF7A  }
0x26: {  	[smem:$0x3F97] =	sst s1;
	(tag) =	ssettag s2;
	_ =	strace s9  }
0x27: {  	s1 =	sld [smem:$0x3FA7]  }
0x28: {  	s2 =	sld [smem:$0x3FA8]  }
0x29: {  	s4 =	sld [smem:$0x3FAA]  }
0x2a: {  	p0 =	seq.s32 s5, $0x0;
	s5 =	sld [smem:$0x3FAB]  }
0x2b: {  	s6 =	sld [smem:$0x3FAC]  }
0x2c: {  	s7 =	sld [smem:$0x3FAD]  }
0x2d: {  	s3 =	simm.s32 $0x108;
	s8 =	sld [smem:$0x3FAE]  }
0x2e: {  	s3 =	simm.s32 @!p0 $0x1082;
	s9 =	sld [smem:$0x3FAF]  }
0x2f: {  	lr =	sadd.s32 s0, s3;
	s0 =	sld [smem:$0x3FA6]  }
0x30: {  	s3 =	sld [smem:$0x3FA9]  }
0x31: {  	[smem:$0x3FB2] =	sst s10  }
0x32: {  	s10 =	sld [smem:$0x3FB0];
	_ =	sdelay $0x3  }
0x33: {  	p0 =	seq.s32 s10, $0x1;
	s10 =	sld [smem:$0x3FB2];
	_ =	sdelay $0x3  }
0x34: {  	[smem:$0x3FB2] =	sst s10  }
0x35: {  	s10 =	sld [smem:$0x3FB1];
	_ =	sdelay $0x3  }
0x36: {  	p1 =	seq.s32 s10, $0x1;
	s10 =	sld [smem:$0x3FB2];
	_ =	sdelay $0x3  }
0x37: {  	[smem:$0x3FB2] =	sst s10  }
0x38: {  	s10 =	sld [smem:$0x3FB3]  }
0x39: {  	_ = 	snop;
	(pc) =	sbr.ind lr, $3  }
0x3a: {  	_ = 	snop  }
0x3b: {  	_ = 	snop  }
0x3c: {  	p2 =	seq.s32 s10, $0x1;
	s10 =	sld [smem:$0x3FB2]  }
0x3d: {  	_ =	shalt  }
0x3e: {  	_ =	shalt  }
0x3f: {  	_ =	shalt  }
0x40: {  	_ =	shalt  }
0x41: {  	_ =	shalt  }
0x42: {  	_ =	shalt  }
0x43: {  	_ =	shalt  }
0x44: {  	_ =	shalt  }
0x45: {  	_ =	shalt  }
0x46: {  	_ =	shalt  }
0x47: {  	_ =	shalt  }
0x48: {  	_ =	shalt  }
0x49: {  	_ =	shalt  }
0x4a: {  	_ =	shalt  }
0x4b: {  	_ =	shalt  }
0x4c: {  	_ =	shalt  }
0x4d: {  	_ =	shalt  }
0x4e: {  	_ =	shalt  }
0x4f: {  	_ =	shalt  }
0x50: {  	_ =	shalt  }
0x51: {  	_ =	shalt  }
0x52: {  	_ =	shalt  }
0x53: {  	_ =	shalt  }
0x54: {  	_ =	shalt  }
0x55: {  	_ =	shalt  }
0x56: {  	_ =	shalt  }
0x57: {  	_ =	shalt  }
0x58: {  	_ =	shalt  }
0x59: {  	_ =	shalt  }
0x5a: {  	_ =	shalt  }
0x5b: {  	_ =	shalt  }
0x5c: {  	_ =	shalt  }
0x5d: {  	_ =	shalt  }
0x5e: {  	_ =	shalt  }
0x5f: {  	_ =	shalt  }
0x60: {  	_ =	shalt  }
0x61: {  	_ =	shalt  }
0x62: {  	_ =	shalt  }
0x63: {  	_ =	shalt  }
0x64: {  	_ =	shalt  }
0x65: {  	_ =	shalt  }
0x66: {  	_ =	shalt  }
0x67: {  	_ =	shalt  }
0x68: {  	_ =	shalt  }
0x69: {  	_ =	shalt  }
0x6a: {  	_ =	shalt  }
0x6b: {  	_ =	shalt  }
0x6c: {  	_ =	shalt  }
0x6d: {  	_ =	shalt  }
0x6e: {  	_ =	shalt  }
0x6f: {  	_ =	shalt  }
0x70: {  	_ =	shalt  }
0x71: {  	_ =	shalt  }
0x72: {  	_ =	shalt  }
0x73: {  	_ =	shalt  }
0x74: {  	_ =	shalt  }
0x75: {  	_ =	shalt  }
0x76: {  	_ =	shalt  }
0x77: {  	_ =	shalt  }
0x78: {  	_ =	shalt  }
0x79: {  	_ =	shalt  }
0x7a: {  	_ =	shalt  }
0x7b: {  	_ =	shalt  }
0x7c: {  	_ =	shalt  }
0x7d: {  	_ =	shalt  }
0x7e: {  	_ =	shalt  }
0x7f: {  	_ =	shalt  }
0x80: {  	_ =	shalt  }
0x81: {  	_ =	shalt  }
0x82: {  	_ =	shalt  }
0x83: {  	_ =	shalt  }
0x84: {  	_ =	shalt  }
0x85: {  	_ =	shalt  }
0x86: {  	_ =	shalt  }
0x87: {  	_ =	shalt  }
.Lfunc_end0:
.L_simem_size_0:
called_computation.1_lowered:
.L_overlay_start_0:
0x88: {  	s2 =	sld [smem:$0x3FD9]  }
0x89: {  	s3 =	sld [smem:$0x3FFE];
	_ =	sdelay $0x1  }
0x8a: {  	s1 =	srdreg.scid  }
0x8b: {  	s0 =	sand.u32 $0x1, s1  }
0x8c: {  	s17 =	sshll.u32 s0, $0xA;
	s2 =	sadd.s32 s3, s2  }
0x8d: {  	s2 =	sadd.s32 s2, s17  }
0x8e: {  	[smem:$0x3FBE] =	sst s2  }
0x8f: {  	_ = 	snop  }
0x90: {  	s2 =	sld [smem:$0x3FD0];
	(tm) =	ssettm $0x1  }
0x91: {  	s18 =	sld [smem:$0x3FFB];
	_ =	sdelay $0x3  }
0x92: {  	_ =	strace s18  }
0x93: {  	s3 =	sld [smem:$0x3FFC];
	_ =	sdelay $0x3  }
0x94: {  	_ =	strace s3  }
0x95: {  	s3 =	sld [smem:$0x3FFD];
	_ =	sdelay $0x3  }
0x96: {  	_ =	strace s3  }
0x97: {  	_ =	strace $0x8FFFFFFF  }
0x98: {  	s19 =	sld [smem:$0x3FDB];
	_ =	sdelay $0x1  }
0x99: {  	s4 =	simm.s32 $_scs_section_size  }
0x9a: {  	s5 =	simm.s32 $_size__tile_overlayer_lowered;
	s6 =	simm.s32 $_tile_overlayer_lowered  }
0x9b: {  	s22 =	simm.s32 $0x1BFF;
	s21 =	sshll.u32 s6, $0x1;
	s3 =	sadd.s32 s4, s19  }
0x9c: {  	s7 =	simm.s32 $0x0;
	s20 =	sshll.u32 s5, $0x1;
	s5 =	sadd.s32 s21, s3  }
0x9d: {  	[timem:s7], [sflag:s22] =	dma.local [hbm:s5], s20  }
0x9e: {  	_ =	swait.ge [sflag:s22], s20  }
0x9f: {  	s4 =	ssub.s32 $0x0, s20;
	[sflag:s22] =	ssyncset.done $0x0  }
0xa0: {  	[sflag:s22] =	ssyncadd.s32 s4;
	_ =	sdelay $0x1  }
0xa1: {  	s23 =	simm.s32 $0x1B8B  }
0xa2: {  	_ =	swait.ge [sflag:s23], $0x1  }
0xa3: {  	[sflag:s23] =	ssyncset.done $0x0  }
0xa4: {  	s25 =	simm.s32 $0x1B8E;
	s24 =	sld [smem:$0x3FFE];
	[sflag:s23] =	ssyncadd.s32 $0xFFFFFFFF  }
0xa5: {  	s26 =	simm.s32 $execute0_lowered;
	[smem:$0x3FD2] =	sst s25  }
0xa6: {  	s5 =	sshll.u32 s26, $0x1;
	_ =	strace $0x80000049;
	[dreg:$0x1] =	wrdreg $0xFFFFFFFF  }
0xa7: {  	s28 =	simm.s32 $_size_execute0_lowered;
	s3 =	sadd.s32 s3, s5;
	[dreg:$0x0] =	wrdreg $0x0  }
0xa8: {  	s5 =	sshll.u32 s28, $0x1;
	[dreg:$0x2] =	wrdreg s3  }
0xa9: {  	[dreg:$0x3] =	wrdreg s5  }
0xaa: {  	[dreg:$0x4] =	wrdreg $0xC0  }
0xab: {  	_ =	task [dreg:s7], $0x5FFFF  }
0xac: {  	[dreg:$0x1] =	wrdreg $0xFFFFFFFF  }
0xad: {  	[dreg:$0x0] =	wrdreg $0x60  }
0xae: {  	[dreg:$0x2] =	wrdreg s24  }
0xaf: {  	[dreg:$0x3] =	wrdreg s2  }
0xb0: {  	[dreg:$0x4] =	wrdreg $0x0  }
0xb1: {  	[dreg:$0x5] =	wrdreg $0x140000  }
0xb2: {  	[dreg:$0x6] =	wrdreg $0x9  }
0xb3: {  	_ =	task.clear_ibuf [dreg:s7], $0x7FFFF;
	_ =	strace $0x90000049  }
0xb4: {  	s29 =	simm.s32 $0x9;
	_ =	strace $0x8000004B  }
0xb5: {  	_ =	swait.ge [sflag:s29], $0x1  }
0xb6: {  	[sflag:s29] =	ssyncadd.s32 $0xFFFFFFFF  }
0xb7: {  	_ =	strace $0x9000004B  }
0xb8: {  	_ =	sfence  }
0xb9: {  	s30 =	sld [smem:$0x0];
	_ =	sdelay $0x2  }
0xba: {  	s31 =	sshll.u32 s1, $0xD;
	s1 =	sshrl.u32 s1, $0x2  }
0xbb: {  	s3 =	sand.u32 $0x4000, s31;
	s1 =	sadd.s32 s1, s30  }
0xbc: {  	s0 =	sor.u32 s3, s0;
	s1 =	sshll.u32 s1, $0x11  }
0xbd: {  	s0 =	sor.u32 s1, s0  }
0xbe: {  	s0 =	sadd.s32 $0x8F2B, s0  }
0xbf: {  	[sflag:s0] =	ssyncadd.remote.s32 $0x1  }
0xc0: {  	_ =	sfence.sel $0xFFFF  }
0xc1: {  	[dreg:$0x0] =	wrdreg $0xFFFFFFFF;
	(pc) =	sbr.abs _section_cstart, $3  }
0xc2: {  	[dreg:$0x1] =	wrdreg $0xFFFFFFFF  }
0xc3: {  	_ =	task.clear_ibuf [dreg:s7], $0x2FFFF;
	_ =	strace $0x9FFFFFFF  }
0xc4: {  	(tm) =	ssettm $0x7FFFFFFF  }
0xc5: {  	_ =	shalt  }
tec
execute0_lowered:
.L_overlay_start_1:
0x0: {  	(tag) =	ssettag $0x1  }
0x1: {  	s0 =	rddreg [dreg:$0x0]  }
0x2: {  	s3 =	rddreg [dreg:$0x1]  }
0x3: {  	s1 =	rddreg [dreg:$0x2]  }
0x4: {  	s2 =	rddreg [dreg:$0x3];
	s4 =	simm.s32 $0x0  }
0x5: {  	s16 =	stileid.u32;
	s6 =	srdreg.scid;
	s28 =	simm.s32 $0x19380  }
0x6: {  	s29 =	simm.s32 $0x50;
	s30 =	simm.s32 $0x19480;
	s31 =	simm.s32 $0x19200  }
0x7: {  	[smem:$0x7FF] =	sst s4;
	s5 =	sadd.s32 $0x14A00, s0;
	s19 =	smul.u32 $0x280, s16  }
0x8: {  	s17 =	sadd.s32 $0x63400, s0;
	s18 =	sadd.s32 $0x62E00, s0;
	s7 =	smul.u32 $0x2800, s16  }
0x9: {  	s8 =	sadd.s32 $0xAC00, s0;
	s6 =	sand.u32 $0x1, s6;
	s13 =	smul.u32 $0x50000, s16  }
0xa: {  	s16 =	smul.u32 $0x2710, s16;
	_ =	strace $0x8000004A;
	[dreg:$0x5] =	wrdreg s17  }
0xb: {  	s9 =	sadd.s32 $0xE00, s0;
	[dreg:$0x6] =	wrdreg s18;
	s11 =	smul.u32 $0x2800, s6  }
0xc: {  	s12 =	smul.u32 $0x27100, s6;
	s6 =	ssub.s32 $0x2, s6;
	s18 =	simm.s32 $0x0  }
0xd: {  	s10 =	sshrl.u32 s19, $0x3;
	s7 =	sadd.s32 s7, s0;
	s15 =	sshrl.u32 s6, $0x1  }
0xe: {  	s13 =	sshrl.u32 s13, $0x2;
	s4 =	sadd.s32 s19, s2;
	s10 =	sadd.s32 s10, s0  }
0xf: {  	s11 =	sadd.s32 s19, s11;
	s13 =	sadd.s32 s13, s1;
	[dreg:$0x9] =	wrdreg s4  }
0x10: {  	s6 =	ssub.s32 s6, s15;
	s7 =	sadd.s32 $0xD9200, s7;
	[dreg:$0x7] =	wrdreg s13  }
0x11: {  	s12 =	sadd.s32 s16, s12;
	s14 =	sshll.u32 s11, $0x4;
	[dreg:$0x8] =	wrdreg s7  }
0x12: {  	s20 =	sadd.s32 $0xD8C00, s10;
	s21 =	sshrl.u32 s12, $0x3;
	s16 =	sadd.s32 $0x50, s12  }
0x13: {  	s17 =	sadd.s32 $0xA0, s12;
	s25 =	sshrl.u32 s11, $0x3;
	s26 =	smax.u32 s6, $0x1  }
0x14: {  	s6 =	simm.s32 $0x1;
	s7 =	simm.s32 $0x19280;
	[dreg:$0xa] =	wrdreg s20  }
0x15: {  	s10 =	simm.s32 $0x2;
	s22 =	sadd.s32 s8, s21;
	[dreg:$0x11] =	wrdreg s26  }
0x16: {  	s23 =	sadd.s32 s9, s21;
	s4 =	sadd.s32 $0x4D8, s21;
	[dreg:$0xb] =	wrdreg s22  }
0x17: {  	s11 =	simm.s32 $0x19300;
	[dreg:$0xc] =	wrdreg s23;
	s24 =	sadd.s32 s8, s4  }
0x18: {  	s0 =	sadd.s32 s14, s0;
	s4 =	sadd.s32 s9, s4;
	[dreg:$0xd] =	wrdreg s24  }
0x19: {  	s13 =	simm.s32 $0x5;
	s0 =	sadd.s32 $0x63A00, s0;
	[dreg:$0xe] =	wrdreg s4  }
0x1a: {  	s23 =	simm.s32 $0x14280;
	s22 =	simm.s32 $0x19180;
	[dreg:$0xf] =	wrdreg s0  }
0x1b: {  	s0 =	sadd.s32 s3, s25;
	s24 =	simm.s32 $0x7;
	s25 =	simm.s32 $0x16A00  }
0x1c: {  	s4 =	simm.s32 $0x1BC80;
	[dreg:$0x10] =	wrdreg s0;
	s0 =	simm.s32 $0x19400  }
.LBB2_1:
0x1d: {  	s12 =	simm.s32 $0x0;
	s3 =	rddreg [dreg:$0x5]  }
0x1e: {  	[tilespmem:s23], [sflag:$0x7] =	stream.linear.gather [hbm4b:s3+s12], $0x2780, $0x38;
	[tilespmem:$0x1E480] =	vst v63  }
0x1f: {  	_ =	swait.ge [sflag:s24], $0x2780  }
0x20: {  	[sflag:s24] =	ssyncset.done $0x0  }
0x21: {  	s19 =	stileid.u32;
	s15 =	rddreg [dreg:$0x6];
	[sflag:s24] =	ssyncadd.s32 $0xFFFFD880  }
0x22: {  	[tilespmem:s25], [sflag:$0x7] =	stream.linear.gather [hbm4b:s15+s12], $0x2780, $0x38;
	[tilespmem:$0x1E480] =	vst v63  }
0x23: {  	s3 =	sshll.u32 s19, $0x6;
	_ =	swait.ge [sflag:s24], $0x2780  }
0x24: {  	s19 =	sor.u32 $0x1C07, s3;
	[sflag:s24] =	ssyncset.done $0x0;
	s20 =	rddreg [dreg:$0x7]  }
0x25: {  	s21 =	rddreg [dreg:$0x8];
	[sflag:s24] =	ssyncadd.s32 $0xFFFFD880;
	s20 =	sshrl.u32 s20, $0x3  }
0x26: {  	[spmem:s20], [sflag:s19] =	dma.local [hbm:s21], $0x2800  }
0x27: {  	_ =	swait.ge [sflag:s24], $0x2800  }
0x28: {  	[sflag:s24] =	ssyncset.done $0x0;
	s26 =	rddreg [dreg:$0x9]  }
0x29: {  	s14 =	rddreg [dreg:$0xa];
	[sflag:s24] =	ssyncadd.s32 $0xFFFFD800;
	s21 =	sshrl.u32 s26, $0x3  }
0x2a: {  	[spmem:s21], [sflag:s19] =	dma.local [hbm:s14], $0x50  }
0x2b: {  	_ =	swait.ge [sflag:s24], $0x50  }
0x2c: {  	[sflag:s24] =	ssyncset.done $0x0  }
0x2d: {  	[sflag:s24] =	ssyncadd.s32 $0xFFFFFFB0  }
0x2e: {  	[bflag:$0x0] =	sbarrier.arrive $0xFFFF  }
0x2f: {  	s15 =	rddreg [dreg:$0xb]  }
0x30: {  	[tilespmem:s22], [sflag:$0x7] =	stream.linear.gather [hbm4b:s15+s12], $0x50, $0x38;
	[tilespmem:$0x1E480] =	vst v63  }
0x31: {  	_ =	swait.ge [sflag:s24], $0x50  }
0x32: {  	[sflag:s24] =	ssyncset.done $0x0  }
0x33: {  	s26 =	rddreg [dreg:$0xc];
	[sflag:s24] =	ssyncadd.s32 $0xFFFFFFB0  }
0x34: {  	[tilespmem:s28], [sflag:$0x7] =	stream.linear.gather [hbm4b:s26+s12], $0x50, $0x38;
	[tilespmem:$0x1E480] =	vst v63  }
0x35: {  	_ =	swait.ge [sflag:s24], $0x50  }
0x36: {  	[sflag:s24] =	ssyncset.done $0x0  }
0x37: {  	[sflag:s24] =	ssyncadd.s32 $0xFFFFFFB0  }
0x38: {  	v0 =	vld [tilespmem:$0x19180]  }
0x39: {  	v1 =	vld [tilespmem:$0x19380];
	_ =	sdelay $0x6  }
0x3a: {  	v0 =	vld.idx.msk [tilespmem:v0+s23+$0x0], $0xffff  }
0x3b: {  	v1 =	vld.idx.msk [tilespmem:v1+s25+$0x0], $0xffff;
	_ =	sdelay $0x4  }
0x3c: {  	v0 =	vadd.f32 v1, v0;
	_ =	sdelay $0x1  }
0x3d: {  	v1 =	vmul.f32 $2.000000030e-01, v0  }
0x3e: {  	vm0 =	vgt.f32 v0, $0.0e+00  }
0x3f: {  	v0 =	vsel vm0, v0, v1  }
0x40: {  	v0 =	vmul.f32 $1.442695020e+00, v0;
	_ =	sdelay $0x1  }
0x41: {  	(erf) = vpow2.f32 v0;
	_ =	sdelay $0x2  }
0x42: {  	v53 =	vld [tilespmem:$0x19190]  }
0x43: {  	v54 =	vld [tilespmem:$0x19390];
	_ =	sdelay $0x4  }
0x44: {  	v2 =	vpop (erf)  }
0x45: {  	[tilespmem:$0x19280] =	vst v2  }
0x46: {  	v0 =	vld.idx.msk [tilespmem:v53+s23+$0x0], $0xffff  }
0x47: {  	v1 =	vld.idx.msk [tilespmem:v54+s25+$0x0], $0xffff;
	_ =	sdelay $0x4  }
0x48: {  	v0 =	vadd.f32 v1, v0;
	_ =	sdelay $0x1  }
0x49: {  	v1 =	vmul.f32 $2.000000030e-01, v0  }
0x4a: {  	vm12 =	vgt.f32 v0, $0.0e+00  }
0x4b: {  	v0 =	vsel vm12, v0, v1  }
0x4c: {  	v0 =	vmul.f32 $1.442695020e+00, v0;
	_ =	sdelay $0x1  }
0x4d: {  	(erf) = vpow2.f32 v0;
	_ =	sdelay $0x2  }
0x4e: {  	v55 =	vld [tilespmem:$0x191A0]  }
0x4f: {  	v56 =	vld [tilespmem:$0x193A0];
	_ =	sdelay $0x4  }
0x50: {  	v57 =	vpop (erf)  }
0x51: {  	[tilespmem:$0x19290] =	vst v57  }
0x52: {  	v0 =	vld.idx.msk [tilespmem:v55+s23+$0x0], $0xffff  }
0x53: {  	v1 =	vld.idx.msk [tilespmem:v56+s25+$0x0], $0xffff;
	_ =	sdelay $0x4  }
0x54: {  	v0 =	vadd.f32 v1, v0;
	_ =	sdelay $0x1  }
0x55: {  	v1 =	vmul.f32 $2.000000030e-01, v0  }
0x56: {  	vm13 =	vgt.f32 v0, $0.0e+00  }
0x57: {  	v0 =	vsel vm13, v0, v1  }
0x58: {  	v0 =	vmul.f32 $1.442695020e+00, v0;
	_ =	sdelay $0x1  }
0x59: {  	(erf) = vpow2.f32 v0;
	_ =	sdelay $0x2  }
0x5a: {  	v58 =	vld [tilespmem:$0x191B0]  }
0x5b: {  	v59 =	vld [tilespmem:$0x193B0];
	_ =	sdelay $0x4  }
0x5c: {  	v60 =	vpop (erf)  }
0x5d: {  	[tilespmem:$0x192A0] =	vst v60  }
0x5e: {  	v0 =	vld.idx.msk [tilespmem:v58+s23+$0x0], $0xffff  }
0x5f: {  	v1 =	vld.idx.msk [tilespmem:v59+s25+$0x0], $0xffff;
	_ =	sdelay $0x4  }
0x60: {  	v0 =	vadd.f32 v1, v0;
	_ =	sdelay $0x1  }
0x61: {  	v1 =	vmul.f32 $2.000000030e-01, v0  }
0x62: {  	vm14 =	vgt.f32 v0, $0.0e+00  }
0x63: {  	v0 =	vsel vm14, v0, v1  }
0x64: {  	v0 =	vmul.f32 $1.442695020e+00, v0;
	_ =	sdelay $0x1  }
0x65: {  	(erf) = vpow2.f32 v0;
	_ =	sdelay $0x2  }
0x66: {  	v61 =	vld [tilespmem:$0x191C0]  }
0x67: {  	v62 =	vld [tilespmem:$0x193C0];
	_ =	sdelay $0x4  }
0x68: {  	v63 =	vpop (erf)  }
0x69: {  	[tilespmem:$0x192B0] =	vst v63  }
0x6a: {  	v0 =	vld.idx.msk [tilespmem:v61+s23+$0x0], $0xffff  }
0x6b: {  	v1 =	vld.idx.msk [tilespmem:v62+s25+$0x0], $0xffff;
	_ =	sdelay $0x4  }
0x6c: {  	v0 =	vadd.f32 v1, v0;
	_ =	sdelay $0x1  }
0x6d: {  	v1 =	vmul.f32 $2.000000030e-01, v0  }
0x6e: {  	vm15 =	vgt.f32 v0, $0.0e+00  }
0x6f: {  	v0 =	vsel vm15, v0, v1  }
0x70: {  	v0 =	vmul.f32 $1.442695020e+00, v0;
	_ =	sdelay $0x1  }
0x71: {  	(erf) = vpow2.f32 v0;
	_ =	sdelay $0x8  }
0x72: {  	v0 =	vpop (erf)  }
0x73: {  	[tilespmem:$0x192C0] =	vst v0  }
0x74: {  	[tilespmem:s30], [sflag:$0x1] =	stream.indirect.gather [hbm4b:s5+s29], $0x80, s22, s29, $0xb8;
	[tilespmem:$0x1E480] =	vst v63  }
0x75: {  	s22 =	simm.s32 $0x0  }
.LBB2_2:
0x76: {  	p0 =	seq.s32 s22, $0x0  }
0x77: {  	s3 =	simm.s32 @!p0 $0x4  }
0x78: {  	_ =	swait.ge @!p0 [sflag:s3], $0x2800  }
0x79: {  	s14 =	smul.u32 $0xA0, s22;
	[sflag:s3] =	ssyncset.done @!p0 $0x0  }
0x7a: {  	[sflag:s3] =	ssyncadd.s32 @!p0 $0xFFFFD800;
	s3 =	simm.s32 @!p0 $0x6  }
0x7b: {  	s15 =	sadd.s32 s14, s16;
	_ =	swait.ge @!p0 [sflag:s3], $0x50  }
0x7c: {  	s26 =	sshrl.u32 s15, $0x3;
	[sflag:s3] =	ssyncset.done @!p0 $0x0  }
0x7d: {  	s12 =	simm.s32 $0x0;
	s15 =	sadd.s32 s8, s26;
	[sflag:s3] =	ssyncadd.s32 @!p0 $0xFFFFFFB0  }
0x7e: {  	[tilespmem:s31], [sflag:$0x7] =	stream.linear.gather [hbm4b:s15+s12], $0x50, $0x38;
	[tilespmem:$0x1E480] =	vst v63  }
0x7f: {  	_ =	swait.ge [sflag:s24], $0x50  }
0x80: {  	[sflag:s24] =	ssyncset.done $0x0  }
0x81: {  	s26 =	sadd.s32 s9, s26;
	[sflag:s24] =	ssyncadd.s32 $0xFFFFFFB0  }
0x82: {  	[tilespmem:s0], [sflag:$0x7] =	stream.linear.gather [hbm4b:s26+s12], $0x50, $0x38;
	[tilespmem:$0x1E480] =	vst v63  }
0x83: {  	_ =	swait.ge [sflag:s24], $0x50  }
0x84: {  	[sflag:s24] =	ssyncset.done $0x0  }
0x85: {  	[sflag:s24] =	ssyncadd.s32 $0xFFFFFFB0  }
0x86: {  	v0 =	vld [tilespmem:$0x19200]  }
0x87: {  	v1 =	vld [tilespmem:$0x19400];
	_ =	sdelay $0x6  }
0x88: {  	v0 =	vld.idx.msk [tilespmem:v0+s23+$0x0], $0xffff  }
0x89: {  	v1 =	vld.idx.msk [tilespmem:v1+s25+$0x0], $0xffff;
	_ =	sdelay $0x4  }
0x8a: {  	v0 =	vadd.f32 v1, v0;
	_ =	sdelay $0x1  }
0x8b: {  	v1 =	vmul.f32 $2.000000030e-01, v0  }
0x8c: {  	vm0 =	vgt.f32 v0, $0.0e+00  }
0x8d: {  	v0 =	vsel vm0, v0, v1  }
0x8e: {  	v0 =	vmul.f32 $1.442695020e+00, v0;
	_ =	sdelay $0x1  }
0x8f: {  	(erf) = vpow2.f32 v0;
	_ =	sdelay $0x2  }
0x90: {  	v0 =	vld [tilespmem:$0x19210]  }
0x91: {  	v1 =	vld [tilespmem:$0x19410];
	_ =	sdelay $0x4  }
0x92: {  	v2 =	vpop (erf)  }
0x93: {  	[tilespmem:$0x19300] =	vst v2  }
0x94: {  	v0 =	vld.idx.msk [tilespmem:v0+s23+$0x0], $0xffff  }
0x95: {  	v1 =	vld.idx.msk [tilespmem:v1+s25+$0x0], $0xffff;
	_ =	sdelay $0x4  }
0x96: {  	v0 =	vadd.f32 v1, v0;
	_ =	sdelay $0x1  }
0x97: {  	v1 =	vmul.f32 $2.000000030e-01, v0  }
0x98: {  	vm12 =	vgt.f32 v0, $0.0e+00  }
0x99: {  	v0 =	vsel vm12, v0, v1  }
0x9a: {  	v0 =	vmul.f32 $1.442695020e+00, v0;
	_ =	sdelay $0x1  }
0x9b: {  	(erf) = vpow2.f32 v0;
	_ =	sdelay $0x2  }
0x9c: {  	v0 =	vld [tilespmem:$0x19220]  }
0x9d: {  	v1 =	vld [tilespmem:$0x19420];
	_ =	sdelay $0x4  }
0x9e: {  	v2 =	vpop (erf)  }
0x9f: {  	[tilespmem:$0x19310] =	vst v2  }
0xa0: {  	v0 =	vld.idx.msk [tilespmem:v0+s23+$0x0], $0xffff  }
0xa1: {  	v1 =	vld.idx.msk [tilespmem:v1+s25+$0x0], $0xffff;
	_ =	sdelay $0x4  }
0xa2: {  	v0 =	vadd.f32 v1, v0;
	_ =	sdelay $0x1  }
0xa3: {  	v1 =	vmul.f32 $2.000000030e-01, v0  }
0xa4: {  	vm13 =	vgt.f32 v0, $0.0e+00  }
0xa5: {  	v0 =	vsel vm13, v0, v1  }
0xa6: {  	v0 =	vmul.f32 $1.442695020e+00, v0;
	_ =	sdelay $0x1  }
0xa7: {  	(erf) = vpow2.f32 v0;
	_ =	sdelay $0x2  }
0xa8: {  	v0 =	vld [tilespmem:$0x19230]  }
0xa9: {  	v1 =	vld [tilespmem:$0x19430];
	_ =	sdelay $0x4  }
0xaa: {  	v2 =	vpop (erf)  }
0xab: {  	[tilespmem:$0x19320] =	vst v2  }
0xac: {  	v0 =	vld.idx.msk [tilespmem:v0+s23+$0x0], $0xffff  }
0xad: {  	v1 =	vld.idx.msk [tilespmem:v1+s25+$0x0], $0xffff;
	_ =	sdelay $0x4  }
0xae: {  	v0 =	vadd.f32 v1, v0;
	_ =	sdelay $0x1  }
0xaf: {  	v1 =	vmul.f32 $2.000000030e-01, v0  }
0xb0: {  	vm14 =	vgt.f32 v0, $0.0e+00  }
0xb1: {  	v0 =	vsel vm14, v0, v1  }
0xb2: {  	v0 =	vmul.f32 $1.442695020e+00, v0;
	_ =	sdelay $0x1  }
0xb3: {  	(erf) = vpow2.f32 v0;
	_ =	sdelay $0x2  }
0xb4: {  	v0 =	vld [tilespmem:$0x19240]  }
0xb5: {  	v1 =	vld [tilespmem:$0x19440];
	_ =	sdelay $0x4  }
0xb6: {  	v2 =	vpop (erf)  }
0xb7: {  	[tilespmem:$0x19330] =	vst v2  }
0xb8: {  	v0 =	vld.idx.msk [tilespmem:v0+s23+$0x0], $0xffff  }
0xb9: {  	v1 =	vld.idx.msk [tilespmem:v1+s25+$0x0], $0xffff;
	_ =	sdelay $0x4  }
0xba: {  	v0 =	vadd.f32 v1, v0;
	_ =	sdelay $0x1  }
0xbb: {  	v1 =	vmul.f32 $2.000000030e-01, v0  }
0xbc: {  	vm15 =	vgt.f32 v0, $0.0e+00  }
0xbd: {  	v0 =	vsel vm15, v0, v1  }
0xbe: {  	v0 =	vmul.f32 $1.442695020e+00, v0;
	_ =	sdelay $0x1  }
0xbf: {  	(erf) = vpow2.f32 v0;
	_ =	sdelay $0x8  }
0xc0: {  	v0 =	vpop (erf)  }
0xc1: {  	[tilespmem:$0x19340] =	vst v0  }
0xc2: {  	[tilespmem:s4], [sflag:$0x2] =	stream.indirect.gather [hbm4b:s5+s29], $0x80, s31, s29, $0xb8;
	[tilespmem:$0x1E480] =	vst v63  }
0xc3: {  	_ =	swait.ge [sflag:s6], $0x2800  }
0xc4: {  	v0 =	vmov s12;
	[sflag:s6] =	ssyncset.done $0x0  }
0xc5: {  	s15 =	simm.s32 $0x194C0;
	[sflag:s6] =	ssyncadd.s32 $0xFFFFD800  }
0xc6: {  	v4 =	vld [tilespmem:s15+$0x30]  }
0xc7: {  	v7 =	vld [tilespmem:s15+$0x10]  }
0xc8: {  	v5 =	vld [tilespmem:s15+$0xFFFFFFC0]  }
0xc9: {  	v1 =	vld.idx.msk [tilespmem:v0+s7+$0x0], $0xffff  }
0xca: {  	v9 =	vld [tilespmem:s15+$0xFFFFFFE0]  }
0xcb: {  	v0 =	vld [tilespmem:s15+$0xFFFFFFF0]  }
0xcc: {  	v2 =	vld [tilespmem:s15+$0x20]  }
0xcd: {  	v3 =	vld [tilespmem:s15+$0xFFFFFFD0]  }
0xce: {  	v8 =	vmul.f32 v4, v1;
	v4 =	vld [tilespmem:s15+$0x0]  }
0xcf: {  	v6 =	vmul.f32 v5, v1  }
0xd0: {  	s3 =	simm.s32 $0x1;
	s26 =	simm.s32 $0x194C0;
	v5 =	vmul.f32 v9, v1;
	v7 =	vmul.f32 v7, v1  }
.LBB2_3:
0xd1: {  	p0 =	sne.s32 s3, $0x4F  }
0xd2: {  	v3 =	vmul.f32 v3, v1;
	v2 =	vmul.f32 v2, v1;
	[tilespmem:s15+$0x30] =	vst v8;
	s26 =	sadd.s32 $0x80, s26;
	s12 =	smov.u32 s3;
	s3 =	sadd.s32 $0x1, s3  }
0xd3: {  	[tilespmem:s15+$0xFFFFFFC0] =	vst v6;
	v6 =	vmul.f32 v0, v1;
	v1 =	vmul.f32 v4, v1  }
0xd4: {  	[tilespmem:s15+$0x10] =	vst v7  }
0xd5: {  	v4 =	vmov s12;
	[tilespmem:s15+$0xFFFFFFE0] =	vst v5  }
0xd6: {  	v0 =	vld [tilespmem:s26+$0xFFFFFFF0];
	[tilespmem:s15+$0xFFFFFFF0] =	vst v6  }
0xd7: {  	v5 =	vld [tilespmem:s26+$0x30];
	[tilespmem:s15+$0x0] =	vst v1  }
0xd8: {  	v7 =	vld [tilespmem:s26+$0x10];
	[tilespmem:s15+$0x20] =	vst v2  }
0xd9: {  	v6 =	vld [tilespmem:s26+$0xFFFFFFC0];
	[tilespmem:s15+$0xFFFFFFD0] =	vst v3;
	s15 =	smov.u32 s26  }
0xda: {  	v1 =	vld.idx.msk [tilespmem:v4+s7+$0x0], $0xffff  }
0xdb: {  	v9 =	vld [tilespmem:s26+$0xFFFFFFE0]  }
0xdc: {  	v2 =	vld [tilespmem:s26+$0x20]  }
.Ltmp0:
0xdd: {  	v3 =	vld [tilespmem:s26+$0xFFFFFFD0];
	(pc) =	sbr.rel @p0 .LBB2_3-.Ltmp0, $3  }
0xde: {  	v4 =	vld [tilespmem:s26+$0x0];
	_ =	sdelay $0x1  }
0xdf: {  	v6 =	vmul.f32 v6, v1;
	v8 =	vmul.f32 v5, v1  }
0xe0: {  	v7 =	vmul.f32 v7, v1;
	v5 =	vmul.f32 v9, v1  }
0xe1: {  	[tilespmem:s15+$0x30] =	vst v8  }
0xe2: {  	[tilespmem:s15+$0xFFFFFFC0] =	vst v6  }
0xe3: {  	v0 =	vmul.f32 v0, v1;
	[tilespmem:s15+$0x10] =	vst v7  }
0xe4: {  	v2 =	vmul.f32 v2, v1;
	[tilespmem:s15+$0xFFFFFFE0] =	vst v5  }
0xe5: {  	v4 =	vmul.f32 v4, v1;
	[tilespmem:s15+$0xFFFFFFF0] =	vst v0  }
0xe6: {  	v0 =	vmul.f32 v3, v1;
	[tilespmem:s15+$0x20] =	vst v2  }
0xe7: {  	[tilespmem:s15+$0x0] =	vst v4  }
0xe8: {  	[tilespmem:s15+$0xFFFFFFD0] =	vst v0  }
0xe9: {  	[spmem:s1] =	stream.indirect.scatter.add.f32 [tilespmem:s30], [sflag:$0x3], $0x80, s28, s29, $0xb8;
	[tilespmem:$0x1E480] =	vst v63  }
0xea: {  	_ = 	snop  }
0xeb: {  	[spmem:s2] =	stream.indirect.scatter.add.f32 [tilespmem:s7], [sflag:$0x5], $0x1, s28, s29, $0xb8;
	[tilespmem:$0x1E480] =	vst v63  }
0xec: {  	s3 =	simm.s32 $0x0;
	_ =	swait.ge [sflag:s10], $0x2800  }
0xed: {  	v0 =	vmov s3;
	[sflag:s10] =	ssyncset.done $0x0  }
0xee: {  	s15 =	simm.s32 $0x1BCC0;
	[sflag:s10] =	ssyncadd.s32 $0xFFFFD800  }
0xef: {  	v4 =	vld [tilespmem:s15+$0x30]  }
0xf0: {  	v7 =	vld [tilespmem:s15+$0x10]  }
0xf1: {  	v5 =	vld [tilespmem:s15+$0xFFFFFFC0]  }
0xf2: {  	v1 =	vld.idx.msk [tilespmem:v0+s11+$0x0], $0xffff  }
0xf3: {  	v9 =	vld [tilespmem:s15+$0xFFFFFFE0]  }
0xf4: {  	v0 =	vld [tilespmem:s15+$0xFFFFFFF0]  }
0xf5: {  	v2 =	vld [tilespmem:s15+$0x20]  }
0xf6: {  	v3 =	vld [tilespmem:s15+$0xFFFFFFD0]  }
0xf7: {  	v8 =	vmul.f32 v4, v1;
	v4 =	vld [tilespmem:s15+$0x0]  }
0xf8: {  	v6 =	vmul.f32 v5, v1  }
0xf9: {  	s26 =	simm.s32 $0x1BCC0;
	s3 =	simm.s32 $0x1;
	v5 =	vmul.f32 v9, v1;
	v7 =	vmul.f32 v7, v1  }
.LBB2_5:
0xfa: {  	p0 =	sne.s32 s3, $0x4F  }
0xfb: {  	v3 =	vmul.f32 v3, v1;
	v2 =	vmul.f32 v2, v1;
	[tilespmem:s15+$0x30] =	vst v8;
	s26 =	sadd.s32 $0x80, s26;
	s12 =	smov.u32 s3;
	s3 =	sadd.s32 $0x1, s3  }
0xfc: {  	[tilespmem:s15+$0xFFFFFFC0] =	vst v6;
	v6 =	vmul.f32 v0, v1;
	v1 =	vmul.f32 v4, v1  }
0xfd: {  	[tilespmem:s15+$0x10] =	vst v7  }
0xfe: {  	v4 =	vmov s12;
	[tilespmem:s15+$0xFFFFFFE0] =	vst v5  }
0xff: {  	v0 =	vld [tilespmem:s26+$0xFFFFFFF0];
	[tilespmem:s15+$0xFFFFFFF0] =	vst v6  }
0x100: {  	v5 =	vld [tilespmem:s26+$0x30];
	[tilespmem:s15+$0x0] =	vst v1  }
0x101: {  	v7 =	vld [tilespmem:s26+$0x10];
	[tilespmem:s15+$0x20] =	vst v2  }
0x102: {  	v6 =	vld [tilespmem:s26+$0xFFFFFFC0];
	[tilespmem:s15+$0xFFFFFFD0] =	vst v3;
	s15 =	smov.u32 s26  }
0x103: {  	v1 =	vld.idx.msk [tilespmem:v4+s11+$0x0], $0xffff  }
0x104: {  	v9 =	vld [tilespmem:s26+$0xFFFFFFE0]  }
0x105: {  	v2 =	vld [tilespmem:s26+$0x20]  }
.Ltmp1:
0x106: {  	v3 =	vld [tilespmem:s26+$0xFFFFFFD0];
	(pc) =	sbr.rel @p0 .LBB2_5-.Ltmp1, $3  }
0x107: {  	v4 =	vld [tilespmem:s26+$0x0];
	_ =	sdelay $0x1  }
0x108: {  	v6 =	vmul.f32 v6, v1;
	v8 =	vmul.f32 v5, v1  }
0x109: {  	v7 =	vmul.f32 v7, v1;
	v5 =	vmul.f32 v9, v1  }
0x10a: {  	[tilespmem:s15+$0x30] =	vst v8  }
0x10b: {  	[tilespmem:s15+$0xFFFFFFC0] =	vst v6  }
0x10c: {  	v0 =	vmul.f32 v0, v1;
	[tilespmem:s15+$0x10] =	vst v7  }
0x10d: {  	v2 =	vmul.f32 v2, v1;
	[tilespmem:s15+$0xFFFFFFE0] =	vst v5  }
0x10e: {  	v63 =	vmul.f32 v3, v1;
	[tilespmem:s15+$0xFFFFFFF0] =	vst v0  }
0x10f: {  	v4 =	vmul.f32 v4, v1;
	[tilespmem:s15+$0x20] =	vst v2  }
0x110: {  	[tilespmem:s15+$0xFFFFFFD0] =	vst v63  }
0x111: {  	p0 =	seq.s32 s22, $0x3D;
	[tilespmem:s15+$0x0] =	vst v4  }
0x112: {  	[spmem:s1] =	stream.indirect.scatter.add.f32 [tilespmem:s4], [sflag:$0x4], $0x80, s0, s29, $0xb8;
	[tilespmem:$0x1E480] =	vst v63  }
0x113: {  	s3 =	simm.s32 @!p0 $0x3  }
0x114: {  	[spmem:s2] =	stream.indirect.scatter.add.f32 [tilespmem:s11], [sflag:$0x6], $0x1, s0, s29, $0xb8;
	[tilespmem:$0x1E480] =	vst v63  }
0x115: {  	_ =	swait.ge @!p0 [sflag:s3], $0x2800  }
0x116: {  	[sflag:s3] =	ssyncset.done @!p0 $0x0  }
0x117: {  	[sflag:s3] =	ssyncadd.s32 @!p0 $0xFFFFD800;
	s3 =	simm.s32 @!p0 $0x5  }
0x118: {  	_ =	swait.ge @!p0 [sflag:s3], $0x50  }
0x119: {  	s12 =	sadd.s32 @!p0 s14, s17;
	[sflag:s3] =	ssyncset.done @!p0 $0x0  }
0x11a: {  	[sflag:s3] =	ssyncadd.s32 @!p0 $0xFFFFFFB0;
	s3 =	sshrl.u32 @!p0 s12, $0x3  }
0x11b: {  	s14 =	simm.s32 @!p0 $0x19180;
	s15 =	simm.s32 @!p0 $0x0;
	s12 =	sadd.s32 @!p0 s8, s3  }
0x11c: {  	[tilespmem:s14], [sflag:$0x7] =	stream.linear.gather @!p0 [hbm4b:s12+s15], $0x50, $0x38;
	[tilespmem:$0x1E480] =	vst v63  }
0x11d: {  	s12 =	simm.s32 @!p0 $0x7  }
0x11e: {  	_ =	swait.ge @!p0 [sflag:s12], $0x50  }
0x11f: {  	[sflag:s12] =	ssyncset.done @!p0 $0x0  }
0x120: {  	s26 =	simm.s32 @!p0 $0x19380;
	s3 =	sadd.s32 @!p0 s9, s3;
	[sflag:s12] =	ssyncadd.s32 @!p0 $0xFFFFFFB0  }
0x121: {  	[tilespmem:s26], [sflag:$0x7] =	stream.linear.gather @!p0 [hbm4b:s3+s15], $0x50, $0x38;
	[tilespmem:$0x1E480] =	vst v63  }
0x122: {  	_ =	swait.ge @!p0 [sflag:s12], $0x50  }
0x123: {  	[sflag:s12] =	ssyncset.done @!p0 $0x0  }
0x124: {  	[sflag:s12] =	ssyncadd.s32 @!p0 $0xFFFFFFB0  }
0x125: {  	v0 =	vld @!p0 [tilespmem:$0x19180]  }
0x126: {  	v1 =	vld @!p0 [tilespmem:$0x19380];
	_ =	sdelay $0x5  }
0x127: {  	s3 =	simm.s32 @!p0 $0x14280  }
0x128: {  	s12 =	simm.s32 @!p0 $0x16A00;
	v0 =	vld.idx.msk @!p0 [tilespmem:v0+s3+$0x0], $0xffff  }
0x129: {  	v1 =	vld.idx.msk @!p0 [tilespmem:v1+s12+$0x0], $0xffff;
	_ =	sdelay $0x4  }
0x12a: {  	v0 =	vadd.f32 @!p0 v1, v0;
	_ =	sdelay $0x1  }
0x12b: {  	v1 =	vmul.f32 @!p0 $2.000000030e-01, v0  }
0x12c: {  	vm0 =	vgt.f32 @!p0 v0, $0.0e+00  }
0x12d: {  	v0 =	vsel @!p0 vm0, v0, v1  }
0x12e: {  	v0 =	vmul.f32 @!p0 $1.442695020e+00, v0;
	_ =	sdelay $0x1  }
0x12f: {  	(erf) = vpow2.f32 @!p0 v0;
	_ =	sdelay $0x2  }
0x130: {  	v0 =	vld @!p0 [tilespmem:$0x19190]  }
0x131: {  	v1 =	vld @!p0 [tilespmem:$0x19390];
	_ =	sdelay $0x4  }
0x132: {  	v2 =	vpop @!p0 (erf)  }
0x133: {  	[tilespmem:$0x19280] =	vst @!p0 v2  }
0x134: {  	v0 =	vld.idx.msk @!p0 [tilespmem:v0+s3+$0x0], $0xffff  }
0x135: {  	v1 =	vld.idx.msk @!p0 [tilespmem:v1+s12+$0x0], $0xffff;
	_ =	sdelay $0x4  }
0x136: {  	v0 =	vadd.f32 @!p0 v1, v0;
	_ =	sdelay $0x1  }
0x137: {  	v1 =	vmul.f32 @!p0 $2.000000030e-01, v0  }
0x138: {  	vm0 =	vgt.f32 @!p0 v0, $0.0e+00  }
0x139: {  	v0 =	vsel @!p0 vm0, v0, v1  }
0x13a: {  	v0 =	vmul.f32 @!p0 $1.442695020e+00, v0;
	_ =	sdelay $0x1  }
0x13b: {  	(erf) = vpow2.f32 @!p0 v0;
	_ =	sdelay $0x2  }
0x13c: {  	v0 =	vld @!p0 [tilespmem:$0x191A0]  }
0x13d: {  	v1 =	vld @!p0 [tilespmem:$0x193A0];
	_ =	sdelay $0x4  }
0x13e: {  	v2 =	vpop @!p0 (erf)  }
0x13f: {  	[tilespmem:$0x19290] =	vst @!p0 v2  }
0x140: {  	v0 =	vld.idx.msk @!p0 [tilespmem:v0+s3+$0x0], $0xffff  }
0x141: {  	v1 =	vld.idx.msk @!p0 [tilespmem:v1+s12+$0x0], $0xffff;
	_ =	sdelay $0x4  }
0x142: {  	v0 =	vadd.f32 @!p0 v1, v0;
	_ =	sdelay $0x1  }
0x143: {  	v1 =	vmul.f32 @!p0 $2.000000030e-01, v0  }
0x144: {  	vm0 =	vgt.f32 @!p0 v0, $0.0e+00  }
0x145: {  	v0 =	vsel @!p0 vm0, v0, v1  }
0x146: {  	v0 =	vmul.f32 @!p0 $1.442695020e+00, v0;
	_ =	sdelay $0x1  }
0x147: {  	(erf) = vpow2.f32 @!p0 v0;
	_ =	sdelay $0x2  }
0x148: {  	v0 =	vld @!p0 [tilespmem:$0x191B0]  }
0x149: {  	v1 =	vld @!p0 [tilespmem:$0x193B0];
	_ =	sdelay $0x4  }
0x14a: {  	v2 =	vpop @!p0 (erf)  }
0x14b: {  	[tilespmem:$0x192A0] =	vst @!p0 v2  }
0x14c: {  	v0 =	vld.idx.msk @!p0 [tilespmem:v0+s3+$0x0], $0xffff  }
0x14d: {  	v1 =	vld.idx.msk @!p0 [tilespmem:v1+s12+$0x0], $0xffff;
	_ =	sdelay $0x4  }
0x14e: {  	v0 =	vadd.f32 @!p0 v1, v0;
	_ =	sdelay $0x1  }
0x14f: {  	v1 =	vmul.f32 @!p0 $2.000000030e-01, v0  }
0x150: {  	vm0 =	vgt.f32 @!p0 v0, $0.0e+00  }
0x151: {  	v0 =	vsel @!p0 vm0, v0, v1  }
0x152: {  	v0 =	vmul.f32 @!p0 $1.442695020e+00, v0;
	_ =	sdelay $0x1  }
0x153: {  	(erf) = vpow2.f32 @!p0 v0;
	_ =	sdelay $0x2  }
0x154: {  	v0 =	vld @!p0 [tilespmem:$0x191C0]  }
0x155: {  	v1 =	vld @!p0 [tilespmem:$0x193C0];
	_ =	sdelay $0x4  }
0x156: {  	v2 =	vpop @!p0 (erf)  }
0x157: {  	[tilespmem:$0x192B0] =	vst @!p0 v2  }
0x158: {  	v0 =	vld.idx.msk @!p0 [tilespmem:v0+s3+$0x0], $0xffff  }
0x159: {  	v1 =	vld.idx.msk @!p0 [tilespmem:v1+s12+$0x0], $0xffff;
	_ =	sdelay $0x4  }
0x15a: {  	v0 =	vadd.f32 @!p0 v1, v0;
	_ =	sdelay $0x1  }
0x15b: {  	v1 =	vmul.f32 @!p0 $2.000000030e-01, v0  }
0x15c: {  	vm0 =	vgt.f32 @!p0 v0, $0.0e+00  }
0x15d: {  	v0 =	vsel @!p0 vm0, v0, v1  }
0x15e: {  	v0 =	vmul.f32 @!p0 $1.442695020e+00, v0;
	_ =	sdelay $0x1  }
0x15f: {  	(erf) = vpow2.f32 @!p0 v0;
	_ =	sdelay $0x8  }
0x160: {  	s22 =	sadd.s32 @!p0 $0x1, s22;
	v0 =	vpop @!p0 (erf)  }
0x161: {  	p1 =	sne.s32 @!p0 s22, $0x3E;
	s3 =	simm.s32 @!p0 $0x50;
	s12 =	simm.s32 @!p0 $0x19480;
	[tilespmem:$0x192C0] =	vst @!p0 v0  }
0x162: {  	[tilespmem:s12], [sflag:$0x1] =	stream.indirect.gather @!p0 [hbm4b:s5+s3], $0x80, s14, s3, $0xb8;
	[tilespmem:$0x1E480] =	vst v63  }
0x163: {  	p0 =	por p0, !p1  }
.Ltmp2:
0x164: {  	_ = 	snop;
	(pc) =	sbr.rel @!p0 .LBB2_2-.Ltmp2, $1  }
0x165: {  	_ =	sdelay $0x3  }
0x166: {  	s26 =	simm.s32 $0x3  }
0x167: {  	_ =	swait.ge [sflag:s26], $0x2800  }
0x168: {  	[sflag:s26] =	ssyncset.done $0x0  }
0x169: {  	[sflag:s26] =	ssyncadd.s32 $0xFFFFD800  }
0x16a: {  	_ =	swait.ge [sflag:s13], $0x50  }
0x16b: {  	s14 =	simm.s32 $0x0;
	[sflag:s13] =	ssyncset.done $0x0  }
0x16c: {  	s22 =	simm.s32 $0x19180;
	s3 =	rddreg [dreg:$0xd];
	[sflag:s13] =	ssyncadd.s32 $0xFFFFFFB0  }
0x16d: {  	[tilespmem:s22], [sflag:$0x7] =	stream.linear.gather [hbm4b:s3+s14], $0x50, $0x38;
	[tilespmem:$0x1E480] =	vst v63  }
0x16e: {  	_ =	swait.ge [sflag:s24], $0x50  }
0x16f: {  	[sflag:s24] =	ssyncset.done $0x0  }
0x170: {  	s15 =	rddreg [dreg:$0xe];
	[sflag:s24] =	ssyncadd.s32 $0xFFFFFFB0  }
0x171: {  	[tilespmem:s28], [sflag:$0x7] =	stream.linear.gather [hbm4b:s15+s14], $0x50, $0x38;
	[tilespmem:$0x1E480] =	vst v63  }
0x172: {  	_ =	swait.ge [sflag:s24], $0x50  }
0x173: {  	[sflag:s24] =	ssyncset.done $0x0  }
0x174: {  	[sflag:s24] =	ssyncadd.s32 $0xFFFFFFB0  }
0x175: {  	v0 =	vld [tilespmem:$0x19180]  }
0x176: {  	v1 =	vld [tilespmem:$0x19380];
	_ =	sdelay $0x6  }
0x177: {  	v0 =	vld.idx.msk [tilespmem:v0+s23+$0x0], $0xffff  }
0x178: {  	v1 =	vld.idx.msk [tilespmem:v1+s25+$0x0], $0xffff;
	_ =	sdelay $0x4  }
0x179: {  	v0 =	vadd.f32 v1, v0;
	_ =	sdelay $0x1  }
0x17a: {  	v1 =	vmul.f32 $2.000000030e-01, v0  }
0x17b: {  	vm0 =	vgt.f32 v0, $0.0e+00  }
0x17c: {  	v0 =	vsel vm0, v0, v1  }
0x17d: {  	v0 =	vmul.f32 $1.442695020e+00, v0;
	_ =	sdelay $0x1  }
0x17e: {  	(erf) = vpow2.f32 v0;
	_ =	sdelay $0x2  }
0x17f: {  	v0 =	vld [tilespmem:$0x19190]  }
0x180: {  	v1 =	vld [tilespmem:$0x19390];
	_ =	sdelay $0x4  }
0x181: {  	v2 =	vpop (erf)  }
0x182: {  	[tilespmem:$0x19280] =	vst v2  }
0x183: {  	v0 =	vld.idx.msk [tilespmem:v0+s23+$0x0], $0xffff  }
0x184: {  	v1 =	vld.idx.msk [tilespmem:v1+s25+$0x0], $0xffff;
	_ =	sdelay $0x4  }
0x185: {  	v0 =	vadd.f32 v1, v0;
	_ =	sdelay $0x1  }
0x186: {  	v1 =	vmul.f32 $2.000000030e-01, v0  }
0x187: {  	vm12 =	vgt.f32 v0, $0.0e+00  }
0x188: {  	v0 =	vsel vm12, v0, v1  }
0x189: {  	v0 =	vmul.f32 $1.442695020e+00, v0;
	_ =	sdelay $0x1  }
0x18a: {  	(erf) = vpow2.f32 v0;
	_ =	sdelay $0x2  }
0x18b: {  	v0 =	vld [tilespmem:$0x191A0]  }
0x18c: {  	v1 =	vld [tilespmem:$0x193A0];
	_ =	sdelay $0x4  }
0x18d: {  	v2 =	vpop (erf)  }
0x18e: {  	[tilespmem:$0x19290] =	vst v2  }
0x18f: {  	v0 =	vld.idx.msk [tilespmem:v0+s23+$0x0], $0xffff  }
0x190: {  	v1 =	vld.idx.msk [tilespmem:v1+s25+$0x0], $0xffff;
	_ =	sdelay $0x4  }
0x191: {  	v0 =	vadd.f32 v1, v0;
	_ =	sdelay $0x1  }
0x192: {  	v1 =	vmul.f32 $2.000000030e-01, v0  }
0x193: {  	vm13 =	vgt.f32 v0, $0.0e+00  }
0x194: {  	v0 =	vsel vm13, v0, v1  }
0x195: {  	v0 =	vmul.f32 $1.442695020e+00, v0;
	_ =	sdelay $0x1  }
0x196: {  	(erf) = vpow2.f32 v0;
	_ =	sdelay $0x2  }
0x197: {  	v0 =	vld [tilespmem:$0x191B0]  }
0x198: {  	v1 =	vld [tilespmem:$0x193B0];
	_ =	sdelay $0x4  }
0x199: {  	v2 =	vpop (erf)  }
0x19a: {  	[tilespmem:$0x192A0] =	vst v2  }
0x19b: {  	v0 =	vld.idx.msk [tilespmem:v0+s23+$0x0], $0xffff  }
0x19c: {  	v1 =	vld.idx.msk [tilespmem:v1+s25+$0x0], $0xffff;
	_ =	sdelay $0x4  }
0x19d: {  	v0 =	vadd.f32 v1, v0;
	_ =	sdelay $0x1  }
0x19e: {  	v1 =	vmul.f32 $2.000000030e-01, v0  }
0x19f: {  	vm14 =	vgt.f32 v0, $0.0e+00  }
0x1a0: {  	v0 =	vsel vm14, v0, v1  }
0x1a1: {  	v0 =	vmul.f32 $1.442695020e+00, v0;
	_ =	sdelay $0x1  }
0x1a2: {  	(erf) = vpow2.f32 v0;
	_ =	sdelay $0x2  }
0x1a3: {  	v0 =	vld [tilespmem:$0x191C0]  }
0x1a4: {  	v1 =	vld [tilespmem:$0x193C0];
	_ =	sdelay $0x4  }
0x1a5: {  	v2 =	vpop (erf)  }
0x1a6: {  	[tilespmem:$0x192B0] =	vst v2  }
0x1a7: {  	v0 =	vld.idx.msk [tilespmem:v0+s23+$0x0], $0xffff  }
0x1a8: {  	v1 =	vld.idx.msk [tilespmem:v1+s25+$0x0], $0xffff;
	_ =	sdelay $0x4  }
0x1a9: {  	v0 =	vadd.f32 v1, v0;
	_ =	sdelay $0x1  }
0x1aa: {  	v1 =	vmul.f32 $2.000000030e-01, v0  }
0x1ab: {  	vm15 =	vgt.f32 v0, $0.0e+00  }
0x1ac: {  	v0 =	vsel vm15, v0, v1  }
0x1ad: {  	v0 =	vmul.f32 $1.442695020e+00, v0;
	_ =	sdelay $0x1  }
0x1ae: {  	(erf) = vpow2.f32 v0;
	_ =	sdelay $0x8  }
0x1af: {  	v0 =	vpop (erf)  }
0x1b0: {  	[tilespmem:$0x192C0] =	vst v0  }
0x1b1: {  	[tilespmem:s30], [sflag:$0x1] =	stream.indirect.gather [hbm4b:s5+s29], $0x80, s22, s29, $0xb8;
	[tilespmem:$0x1E480] =	vst v63  }
0x1b2: {  	_ =	swait.ge [sflag:s6], $0x2800  }
0x1b3: {  	v0 =	vmov s14;
	[sflag:s6] =	ssyncset.done $0x0  }
0x1b4: {  	s14 =	simm.s32 $0x194C0;
	[sflag:s6] =	ssyncadd.s32 $0xFFFFD800  }
0x1b5: {  	v4 =	vld [tilespmem:s14+$0x30]  }
0x1b6: {  	v7 =	vld [tilespmem:s14+$0x10]  }
0x1b7: {  	v5 =	vld [tilespmem:s14+$0xFFFFFFC0]  }
0x1b8: {  	v1 =	vld.idx.msk [tilespmem:v0+s7+$0x0], $0xffff  }
0x1b9: {  	v9 =	vld [tilespmem:s14+$0xFFFFFFE0]  }
0x1ba: {  	v0 =	vld [tilespmem:s14+$0xFFFFFFF0]  }
0x1bb: {  	v2 =	vld [tilespmem:s14+$0x20]  }
0x1bc: {  	v3 =	vld [tilespmem:s14+$0xFFFFFFD0]  }
0x1bd: {  	v8 =	vmul.f32 v4, v1;
	v4 =	vld [tilespmem:s14+$0x0]  }
0x1be: {  	v6 =	vmul.f32 v5, v1  }
0x1bf: {  	s3 =	simm.s32 $0x1;
	s15 =	simm.s32 $0x194C0;
	v5 =	vmul.f32 v9, v1;
	v7 =	vmul.f32 v7, v1  }
.LBB2_8:
0x1c0: {  	p0 =	sne.s32 s3, $0x4F  }
0x1c1: {  	v3 =	vmul.f32 v3, v1;
	v2 =	vmul.f32 v2, v1;
	[tilespmem:s14+$0x30] =	vst v8;
	s15 =	sadd.s32 $0x80, s15;
	s12 =	smov.u32 s3;
	s3 =	sadd.s32 $0x1, s3  }
0x1c2: {  	[tilespmem:s14+$0xFFFFFFC0] =	vst v6;
	v6 =	vmul.f32 v0, v1;
	v1 =	vmul.f32 v4, v1  }
0x1c3: {  	[tilespmem:s14+$0x10] =	vst v7  }
0x1c4: {  	v4 =	vmov s12;
	[tilespmem:s14+$0xFFFFFFE0] =	vst v5  }
0x1c5: {  	v0 =	vld [tilespmem:s15+$0xFFFFFFF0];
	[tilespmem:s14+$0xFFFFFFF0] =	vst v6  }
0x1c6: {  	v5 =	vld [tilespmem:s15+$0x30];
	[tilespmem:s14+$0x0] =	vst v1  }
0x1c7: {  	v7 =	vld [tilespmem:s15+$0x10];
	[tilespmem:s14+$0x20] =	vst v2  }
0x1c8: {  	v6 =	vld [tilespmem:s15+$0xFFFFFFC0];
	[tilespmem:s14+$0xFFFFFFD0] =	vst v3;
	s14 =	smov.u32 s15  }
0x1c9: {  	v1 =	vld.idx.msk [tilespmem:v4+s7+$0x0], $0xffff  }
0x1ca: {  	v9 =	vld [tilespmem:s15+$0xFFFFFFE0]  }
0x1cb: {  	v2 =	vld [tilespmem:s15+$0x20]  }
.Ltmp3:
0x1cc: {  	v3 =	vld [tilespmem:s15+$0xFFFFFFD0];
	(pc) =	sbr.rel @p0 .LBB2_8-.Ltmp3, $3  }
0x1cd: {  	v4 =	vld [tilespmem:s15+$0x0];
	_ =	sdelay $0x1  }
0x1ce: {  	v6 =	vmul.f32 v6, v1;
	v8 =	vmul.f32 v5, v1  }
0x1cf: {  	v7 =	vmul.f32 v7, v1;
	v5 =	vmul.f32 v9, v1  }
0x1d0: {  	[tilespmem:s14+$0x30] =	vst v8  }
0x1d1: {  	[tilespmem:s14+$0xFFFFFFC0] =	vst v6  }
0x1d2: {  	v0 =	vmul.f32 v0, v1;
	[tilespmem:s14+$0x10] =	vst v7  }
0x1d3: {  	v2 =	vmul.f32 v2, v1;
	[tilespmem:s14+$0xFFFFFFE0] =	vst v5  }
0x1d4: {  	v63 =	vmul.f32 v3, v1;
	[tilespmem:s14+$0xFFFFFFF0] =	vst v0  }
0x1d5: {  	v4 =	vmul.f32 v4, v1;
	[tilespmem:s14+$0x20] =	vst v2  }
0x1d6: {  	[tilespmem:s14+$0xFFFFFFD0] =	vst v63  }
0x1d7: {  	[tilespmem:s14+$0x0] =	vst v4  }
0x1d8: {  	[spmem:s1] =	stream.indirect.scatter.add.f32 [tilespmem:s30], [sflag:$0x3], $0x80, s28, s29, $0xb8;
	[tilespmem:$0x1E480] =	vst v63  }
0x1d9: {  	_ = 	snop  }
0x1da: {  	[spmem:s2] =	stream.indirect.scatter.add.f32 [tilespmem:s7], [sflag:$0x5], $0x1, s28, s29, $0xb8;
	[tilespmem:$0x1E480] =	vst v63  }
0x1db: {  	_ =	swait.ge [sflag:s26], $0x2800  }
0x1dc: {  	[sflag:s26] =	ssyncset.done $0x0  }
0x1dd: {  	[sflag:s26] =	ssyncadd.s32 $0xFFFFD800  }
0x1de: {  	_ =	swait.ge [sflag:s13], $0x50  }
0x1df: {  	[sflag:s13] =	ssyncset.done $0x0  }
0x1e0: {  	s3 =	simm.s32 $0x4;
	[sflag:s13] =	ssyncadd.s32 $0xFFFFFFB0  }
0x1e1: {  	_ =	swait.ge [sflag:s3], $0x2800  }
0x1e2: {  	[sflag:s3] =	ssyncset.done $0x0  }
0x1e3: {  	s14 =	simm.s32 $0x6;
	[sflag:s3] =	ssyncadd.s32 $0xFFFFD800  }
0x1e4: {  	_ =	swait.ge [sflag:s14], $0x50  }
0x1e5: {  	[sflag:s14] =	ssyncset.done $0x0  }
0x1e6: {  	[sflag:s14] =	ssyncadd.s32 $0xFFFFFFB0  }
0x1e7: {  	[bflag:$0x0] =	sbarrier.arrive $0xFFFF  }
0x1e8: {  	s15 =	rddreg [dreg:$0xf]  }
0x1e9: {  	[hbm:s15], [sflag:s19] =	dma.local [spmem:s20], $0x2800  }
0x1ea: {  	_ =	swait.ge [sflag:s24], $0x2800  }
0x1eb: {  	[sflag:s24] =	ssyncset.done $0x0  }
0x1ec: {  	s20 =	rddreg [dreg:$0x10];
	[sflag:s24] =	ssyncadd.s32 $0xFFFFD800  }
0x1ed: {  	[hbm:s20], [sflag:s19] =	dma.local [spmem:s21], $0x50  }
0x1ee: {  	_ =	swait.ge [sflag:s24], $0x50  }
0x1ef: {  	s18 =	sadd.s32 $0x1, s18;
	s26 =	rddreg [dreg:$0x11]  }
0x1f0: {  	p0 =	sne.s32 s18, s26  }
.Ltmp4:
0x1f1: {  	_ = 	snop;
	(pc) =	sbr.rel @p0 .LBB2_1-.Ltmp4, $3  }
0x1f2: {  	_ =	sdelay $0x1  }
0x1f3: {  	[sflag:s24] =	ssyncset.done $0x0  }
0x1f4: {  	[sflag:s24] =	ssyncadd.s32 $0xFFFFFFB0  }
0x1f5: {  	_ =	sfence.sel $0x180000  }
0x1f6: {  	[bflag:$0x0] =	sbarrier.arrive $0xFFFF  }
0x1f7: {  	_ =	strace $0x9000004A  }
0x1f8: {  	s0 =	stileid.u32;
	[bflag:$0x2] =	sbarrier.arrive $0xFFFF  }
0x1f9: {  	p0 =	sne.s32 s0, $0x0;
	s0 =	rddreg [dreg:$0x4]  }
0x1fa: {  	s0 =	sadd.s32 @!p0 $0x100000, s0  }
0x1fb: {  	[sflag:s0] =	ssyncadd.tile.s32 @!p0 $0x1;
	_ =	shalt  }
.Lfunc_end2:
_tile_overlayer_lowered:
.L_overlay_start_2:
0x1fc: {  	(tag) =	ssettag $0x2  }
0x1fd: {  	s0 =	rddreg [dreg:$0x0];
	s2 =	stileid.u32  }
0x1fe: {  	s1 =	rddreg [dreg:$0x1];
	p0 =	sne.s32 s2, $0x0  }
0x1ff: {  	s3 =	rddreg [dreg:$0x2];
	[bflag:$0x3] =	sbarrier.arrive $0xFFFF;
	s2 =	simm.s32 @!p0 $0x1C07  }
0x200: {  	[timem:s3], [sflag:s2] =	dma.local @!p0 [hbm:s0], s1  }
0x201: {  	s0 =	simm.s32 @!p0 $0x7  }
0x202: {  	_ =	swait.ge @!p0 [sflag:s0], s1  }
0x203: {  	s1 =	ssub.s32 @!p0 $0x0, s1;
	[sflag:s0] =	ssyncset.done @!p0 $0x0  }
0x204: {  	[sflag:s0] =	ssyncadd.s32 @!p0 s1  }
0x205: {  	[bflag:$0x3] =	sbarrier.arrive $0xFFFF  }
0x206: {  	_ =	shalt  }

// kernel: kernel.7.cloned.1.call-start
scs
__scs_entry_jumppad:
0x0: {  	(pc) =	sbr.rel $0x88, $3  }
0x1: {  	(tag) =	ssettag $0x0;
	lr =	simm.s32 $0x1  }
0x2: {  	[smem:$0x3F97] =	sst lr;
	_ =	strace $0xD0000000  }
0x3: {  	_ = 	snop  }
0x4: {  	_ = 	snop  }
0x5: {  	_ = 	snop  }
0x6: {  	_ = 	snop  }
0x7: {  	_ = 	snop  }
__scs_overlays_trampoline_lowered:
0x8: {  	[smem:$0x3FA6] =	sst s0  }
0x9: {  	[smem:$0x3FA7] =	sst s1  }
0xa: {  	[smem:$0x3FA8] =	sst s2  }
0xb: {  	[smem:$0x3FA9] =	sst s3  }
0xc: {  	[smem:$0x3FAA] =	sst s4  }
0xd: {  	[smem:$0x3FAB] =	sst s5  }
0xe: {  	[smem:$0x3FAC] =	sst s6  }
0xf: {  	[smem:$0x3FAD] =	sst s7  }
0x10: {  	[smem:$0x3FAE] =	sst s8  }
0x11: {  	[smem:$0x3FAF] =	sst s9;
	s0 =	simm.s32 @!p0 $0x0  }
0x12: {  	s1 =	sld [smem:$0x3F95];
	s0 =	simm.s32 @p0 $0x1  }
0x13: {  	[smem:$0x3FB0] =	sst s0;
	s0 =	simm.s32 @!p1 $0x0  }
0x14: {  	s2 =	sld [smem:$0x3F94];
	s0 =	simm.s32 @p1 $0x1  }
0x15: {  	[smem:$0x3FB1] =	sst s0;
	s0 =	simm.s32 @!p2 $0x0  }
0x16: {  	s3 =	sld [smem:$0x3FDB];
	s0 =	simm.s32 @p2 $0x1  }
0x17: {  	s4 =	simm.s32 $0x1BF5;
	[smem:$0x3FB3] =	sst s0  }
0x18: {  	s0 =	sld [smem:$0x3F96];
	_ =	swait.ge [sflag:s4], $0x0  }
0x19: {  	s7 =	sld [smem:$0x3F97]  }
0x1a: {  	s8 =	sadd.s32 $0xFFFFE003, lr  }
0x1b: {  	s9 =	sadd.s32 $0xFFFFFEF7, lr;
	s5 =	simm.s32 $0xFFFFFFFF;
	p2 =	slt.u32 s8, $0xFFFFF086  }
0x1c: {  	p1 =	slt.u32 s9, $0xF7A;
	s5 =	simm.s32 @!p2 $0x0  }
0x1d: {  	s5 =	simm.s32 @p1 $0x1;
	p0 =	seq.s32 s7, s2  }
0x1e: {  	s7 =	smul.u32 @!p0 $0xF7A, s2;
	p2 =	seq.s32 @!p0 s5, $0x0  }
0x1f: {  	s9 =	smul.u32 $0xF7A, s1;
	s8 =	simm.s32 @!p0 $0x1BF5;
	p2 =	por !p2, p0  }
0x20: {  	[sflag:s8] =	ssyncset.s32 @!p0 $0xFFFFF086;
	s6 =	sadd.s32 @!p0 s3, s7;
	s7 =	simm.s32 @!p0 $0x108  }
0x21: {  	s3 =	sadd.s32 s3, s9;
	s6 =	sadd.s32 @!p0 $0x88, s6;
	s7 =	simm.s32 @p2 $0x1082  }
0x22: {  	[simem:s7], [sflag:s8] =	dma.local @!p0 [hbm:s6], $0xF7A  }
0x23: {  	s9 =	sor.u32 $0xD0000000, s2;
	s6 =	simm.s32 $0x108;
	_ =	swait.ge @!p0 [sflag:s8], $0x0  }
0x24: {  	s3 =	sadd.s32 $0x88, s3;
	s6 =	simm.s32 @!p1 $0x1082;
	[sflag:s4] =	ssyncset.s32 $0xFFFFF086  }
0x25: {  	[simem:s6], [sflag:s4] =	dma.local [hbm:s3], $0xF7A  }
0x26: {  	[smem:$0x3F97] =	sst s1;
	(tag) =	ssettag s2;
	_ =	strace s9  }
0x27: {  	s1 =	sld [smem:$0x3FA7]  }
0x28: {  	s2 =	sld [smem:$0x3FA8]  }
0x29: {  	s4 =	sld [smem:$0x3FAA]  }
0x2a: {  	p0 =	seq.s32 s5, $0x0;
	s5 =	sld [smem:$0x3FAB]  }
0x2b: {  	s6 =	sld [smem:$0x3FAC]  }
0x2c: {  	s7 =	sld [smem:$0x3FAD]  }
0x2d: {  	s3 =	simm.s32 $0x108;
	s8 =	sld [smem:$0x3FAE]  }
0x2e: {  	s3 =	simm.s32 @!p0 $0x1082;
	s9 =	sld [smem:$0x3FAF]  }
0x2f: {  	lr =	sadd.s32 s0, s3;
	s0 =	sld [smem:$0x3FA6]  }
0x30: {  	s3 =	sld [smem:$0x3FA9]  }
0x31: {  	[smem:$0x3FB2] =	sst s10  }
0x32: {  	s10 =	sld [smem:$0x3FB0];
	_ =	sdelay $0x3  }
0x33: {  	p0 =	seq.s32 s10, $0x1;
	s10 =	sld [smem:$0x3FB2];
	_ =	sdelay $0x3  }
0x34: {  	[smem:$0x3FB2] =	sst s10  }
0x35: {  	s10 =	sld [smem:$0x3FB1];
	_ =	sdelay $0x3  }
0x36: {  	p1 =	seq.s32 s10, $0x1;
	s10 =	sld [smem:$0x3FB2];
	_ =	sdelay $0x3  }
0x37: {  	[smem:$0x3FB2] =	sst s10  }
0x38: {  	s10 =	sld [smem:$0x3FB3]  }
0x39: {  	_ = 	snop;
	(pc) =	sbr.ind lr, $3  }
0x3a: {  	_ = 	snop  }
0x3b: {  	_ = 	snop  }
0x3c: {  	p2 =	seq.s32 s10, $0x1;
	s10 =	sld [smem:$0x3FB2]  }
0x3d: {  	_ =	shalt  }
0x3e: {  	_ =	shalt  }
0x3f: {  	_ =	shalt  }
0x40: {  	_ =	shalt  }
0x41: {  	_ =	shalt  }
0x42: {  	_ =	shalt  }
0x43: {  	_ =	shalt  }
0x44: {  	_ =	shalt  }
0x45: {  	_ =	shalt  }
0x46: {  	_ =	shalt  }
0x47: {  	_ =	shalt  }
0x48: {  	_ =	shalt  }
0x49: {  	_ =	shalt  }
0x4a: {  	_ =	shalt  }
0x4b: {  	_ =	shalt  }
0x4c: {  	_ =	shalt  }
0x4d: {  	_ =	shalt  }
0x4e: {  	_ =	shalt  }
0x4f: {  	_ =	shalt  }
0x50: {  	_ =	shalt  }
0x51: {  	_ =	shalt  }
0x52: {  	_ =	shalt  }
0x53: {  	_ =	shalt  }
0x54: {  	_ =	shalt  }
0x55: {  	_ =	shalt  }
0x56: {  	_ =	shalt  }
0x57: {  	_ =	shalt  }
0x58: {  	_ =	shalt  }
0x59: {  	_ =	shalt  }
0x5a: {  	_ =	shalt  }
0x5b: {  	_ =	shalt  }
0x5c: {  	_ =	shalt  }
0x5d: {  	_ =	shalt  }
0x5e: {  	_ =	shalt  }
0x5f: {  	_ =	shalt  }
0x60: {  	_ =	shalt  }
0x61: {  	_ =	shalt  }
0x62: {  	_ =	shalt  }
0x63: {  	_ =	shalt  }
0x64: {  	_ =	shalt  }
0x65: {  	_ =	shalt  }
0x66: {  	_ =	shalt  }
0x67: {  	_ =	shalt  }
0x68: {  	_ =	shalt  }
0x69: {  	_ =	shalt  }
0x6a: {  	_ =	shalt  }
0x6b: {  	_ =	shalt  }
0x6c: {  	_ =	shalt  }
0x6d: {  	_ =	shalt  }
0x6e: {  	_ =	shalt  }
0x6f: {  	_ =	shalt  }
0x70: {  	_ =	shalt  }
0x71: {  	_ =	shalt  }
0x72: {  	_ =	shalt  }
0x73: {  	_ =	shalt  }
0x74: {  	_ =	shalt  }
0x75: {  	_ =	shalt  }
0x76: {  	_ =	shalt  }
0x77: {  	_ =	shalt  }
0x78: {  	_ =	shalt  }
0x79: {  	_ =	shalt  }
0x7a: {  	_ =	shalt  }
0x7b: {  	_ =	shalt  }
0x7c: {  	_ =	shalt  }
0x7d: {  	_ =	shalt  }
0x7e: {  	_ =	shalt  }
0x7f: {  	_ =	shalt  }
0x80: {  	_ =	shalt  }
0x81: {  	_ =	shalt  }
0x82: {  	_ =	shalt  }
0x83: {  	_ =	shalt  }
0x84: {  	_ =	shalt  }
0x85: {  	_ =	shalt  }
0x86: {  	_ =	shalt  }
0x87: {  	_ =	shalt  }
.Lfunc_end0:
.L_simem_size_0:
called_computation_lowered:
.L_overlay_start_0:
0x88: {  	s2 =	sld [smem:$0x3FD9]  }
0x89: {  	s3 =	sld [smem:$0x3FFE];
	_ =	sdelay $0x1  }
0x8a: {  	s1 =	srdreg.scid  }
0x8b: {  	s0 =	sand.u32 $0x1, s1  }
0x8c: {  	s17 =	sshll.u32 s0, $0xA;
	s2 =	sadd.s32 s3, s2  }
0x8d: {  	s2 =	sadd.s32 s2, s17  }
0x8e: {  	[smem:$0x3FBE] =	sst s2  }
0x8f: {  	_ = 	snop  }
0x90: {  	s2 =	sld [smem:$0x3FD0];
	(tm) =	ssettm $0x1  }
0x91: {  	s18 =	sld [smem:$0x3FFB];
	_ =	sdelay $0x3  }
0x92: {  	_ =	strace s18  }
0x93: {  	s3 =	sld [smem:$0x3FFC];
	_ =	sdelay $0x3  }
0x94: {  	_ =	strace s3  }
0x95: {  	s3 =	sld [smem:$0x3FFD];
	_ =	sdelay $0x3  }
0x96: {  	_ =	strace s3  }
0x97: {  	_ =	strace $0x8FFFFFFF  }
0x98: {  	s19 =	sld [smem:$0x3FDB];
	_ =	sdelay $0x1  }
0x99: {  	s4 =	simm.s32 $_scs_section_size  }
0x9a: {  	s5 =	simm.s32 $_size__tile_overlayer_lowered;
	s6 =	simm.s32 $_tile_overlayer_lowered  }
0x9b: {  	s22 =	simm.s32 $0x1BFF;
	s21 =	sshll.u32 s6, $0x1;
	s3 =	sadd.s32 s4, s19  }
0x9c: {  	s7 =	simm.s32 $0x0;
	s20 =	sshll.u32 s5, $0x1;
	s5 =	sadd.s32 s21, s3  }
0x9d: {  	[timem:s7], [sflag:s22] =	dma.local [hbm:s5], s20  }
0x9e: {  	_ =	swait.ge [sflag:s22], s20  }
0x9f: {  	s4 =	ssub.s32 $0x0, s20;
	[sflag:s22] =	ssyncset.done $0x0  }
0xa0: {  	[sflag:s22] =	ssyncadd.s32 s4;
	_ =	sdelay $0x1  }
0xa1: {  	s23 =	simm.s32 $0x1B8B  }
0xa2: {  	_ =	swait.ge [sflag:s23], $0x1  }
0xa3: {  	[sflag:s23] =	ssyncset.done $0x0  }
0xa4: {  	s25 =	simm.s32 $0x1B8E;
	s24 =	sld [smem:$0x3FFE];
	[sflag:s23] =	ssyncadd.s32 $0xFFFFFFFF  }
0xa5: {  	s26 =	simm.s32 $execute0_lowered;
	[smem:$0x3FD2] =	sst s25  }
0xa6: {  	s5 =	sshll.u32 s26, $0x1;
	_ =	strace $0x80000046;
	[dreg:$0x1] =	wrdreg $0xFFFFFFFF  }
0xa7: {  	s28 =	simm.s32 $_size_execute0_lowered;
	s3 =	sadd.s32 s3, s5;
	[dreg:$0x0] =	wrdreg $0x0  }
0xa8: {  	s5 =	sshll.u32 s28, $0x1;
	[dreg:$0x2] =	wrdreg s3  }
0xa9: {  	[dreg:$0x3] =	wrdreg s5  }
0xaa: {  	[dreg:$0x4] =	wrdreg $0xC0  }
0xab: {  	_ =	task [dreg:s7], $0x5FFFF  }
0xac: {  	[dreg:$0x1] =	wrdreg $0xFFFFFFFF  }
0xad: {  	[dreg:$0x0] =	wrdreg $0x60  }
0xae: {  	[dreg:$0x2] =	wrdreg s24  }
0xaf: {  	[dreg:$0x3] =	wrdreg s2  }
0xb0: {  	[dreg:$0x4] =	wrdreg $0x0  }
0xb1: {  	[dreg:$0x5] =	wrdreg $0x140000  }
0xb2: {  	[dreg:$0x6] =	wrdreg $0x9  }
0xb3: {  	_ =	task.clear_ibuf [dreg:s7], $0x7FFFF;
	_ =	strace $0x90000046  }
0xb4: {  	s29 =	simm.s32 $0x9;
	_ =	strace $0x80000048  }
0xb5: {  	_ =	swait.ge [sflag:s29], $0x1  }
0xb6: {  	[sflag:s29] =	ssyncadd.s32 $0xFFFFFFFF  }
0xb7: {  	_ =	strace $0x90000048  }
0xb8: {  	_ =	sfence  }
0xb9: {  	s30 =	sld [smem:$0x0];
	_ =	sdelay $0x2  }
0xba: {  	s31 =	sshll.u32 s1, $0xD;
	s1 =	sshrl.u32 s1, $0x2  }
0xbb: {  	s3 =	sand.u32 $0x4000, s31;
	s1 =	sadd.s32 s1, s30  }
0xbc: {  	s0 =	sor.u32 s3, s0;
	s1 =	sshll.u32 s1, $0x11  }
0xbd: {  	s0 =	sor.u32 s1, s0  }
0xbe: {  	s0 =	sadd.s32 $0x8F2B, s0  }
0xbf: {  	[sflag:s0] =	ssyncadd.remote.s32 $0x1  }
0xc0: {  	_ =	sfence.sel $0xFFFF  }
0xc1: {  	[dreg:$0x0] =	wrdreg $0xFFFFFFFF;
	(pc) =	sbr.abs _section_cstart, $3  }
0xc2: {  	[dreg:$0x1] =	wrdreg $0xFFFFFFFF  }
0xc3: {  	_ =	task.clear_ibuf [dreg:s7], $0x2FFFF;
	_ =	strace $0x9FFFFFFF  }
0xc4: {  	(tm) =	ssettm $0x7FFFFFFF  }
0xc5: {  	_ =	shalt  }
tec
execute0_lowered:
.L_overlay_start_1:
0x0: {  	(tag) =	ssettag $0x1  }
0x1: {  	s0 =	rddreg [dreg:$0x0]  }
0x2: {  	s4 =	rddreg [dreg:$0x1]  }
0x3: {  	s1 =	rddreg [dreg:$0x2]  }
0x4: {  	s2 =	rddreg [dreg:$0x3];
	s3 =	simm.s32 $0x0;
	s19 =	stileid.u32  }
0x5: {  	s5 =	srdreg.scid;
	s28 =	simm.s32 $0x19480;
	s9 =	smul.u32 $0x280, s19  }
0x6: {  	s29 =	simm.s32 $0x19200;
	s30 =	simm.s32 $0x19400;
	s14 =	smul.u32 $0x2800, s19  }
0x7: {  	s31 =	simm.s32 $0x1BC80;
	[smem:$0x7FF] =	sst s3;
	s17 =	smul.u32 $0x50000, s19  }
0x8: {  	s8 =	sand.u32 $0x1, s5;
	s5 =	sadd.s32 $0x8A000, s0;
	s25 =	smul.u32 $0x4E20, s19  }
0x9: {  	s6 =	sadd.s32 $0xAC00, s0;
	s7 =	sadd.s32 $0xE00, s0;
	s10 =	smul.u32 $0x2710, s8  }
0xa: {  	_ =	strace $0x80000047;
	s12 =	smul.u32 $0x2800, s8;
	s8 =	ssub.s32 $0x2, s8  }
0xb: {  	s15 =	sshrl.u32 s9, $0x3;
	s14 =	sadd.s32 s14, s0;
	s24 =	sshrl.u32 s8, $0x1  }
0xc: {  	s26 =	sshrl.u32 s17, $0x2;
	s21 =	sadd.s32 s9, s2;
	s22 =	sshrl.u32 s25, $0x3  }
0xd: {  	s11 =	sshrl.u32 s10, $0x3;
	s12 =	sadd.s32 s9, s12;
	s15 =	sadd.s32 s15, s0  }
0xe: {  	s8 =	ssub.s32 s8, s24;
	s19 =	sadd.s32 s26, s1;
	s20 =	sadd.s32 $0xD9200, s14  }
0xf: {  	[dreg:$0x9] =	wrdreg s21;
	s24 =	sadd.s32 s6, s22;
	s21 =	simm.s32 $0x14280  }
0x10: {  	s9 =	simm.s32 $0x19300;
	s14 =	simm.s32 $0x0;
	s13 =	sadd.s32 s11, s0  }
0x11: {  	s16 =	sshll.u32 s12, $0x4;
	s12 =	sshrl.u32 s12, $0x3;
	[dreg:$0x7] =	wrdreg s19  }
0x12: {  	s4 =	sadd.s32 s4, s11;
	[dreg:$0x8] =	wrdreg s20;
	s23 =	sadd.s32 $0xD8C00, s15  }
0x13: {  	[dreg:$0xb] =	wrdreg s24;
	s26 =	smax.u32 s8, $0x1;
	s8 =	simm.s32 $0x2  }
0x14: {  	s18 =	sadd.s32 s16, s0;
	s0 =	sadd.s32 s12, s0;
	[dreg:$0x5] =	wrdreg s4  }
0x15: {  	s17 =	sadd.s32 $0xD8200, s13;
	[dreg:$0xa] =	wrdreg s23;
	s4 =	sadd.s32 s7, s22  }
0x16: {  	s16 =	sadd.s32 $0x50, s25;
	[dreg:$0xf] =	wrdreg s26;
	s22 =	simm.s32 $0x7  }
0x17: {  	s23 =	simm.s32 $0x16A00;
	s26 =	simm.s32 $0x50;
	[dreg:$0x6] =	wrdreg s17  }
0x18: {  	[dreg:$0xc] =	wrdreg s4;
	s17 =	sadd.s32 $0xA0, s25;
	s25 =	sadd.s32 $0x101200, s18  }
0x19: {  	s0 =	sadd.s32 $0x151200, s0;
	s4 =	simm.s32 $0x19280;
	[dreg:$0xd] =	wrdreg s25  }
0x1a: {  	v0 =	vmov s10;
	[dreg:$0xe] =	wrdreg s0;
	s25 =	simm.s32 $0x19380;
	s0 =	simm.s32 $0x1  }
.LBB2_1:
0x1b: {  	s10 =	rddreg [dreg:$0x5]  }
0x1c: {  	[tilespmem:s21], [sflag:$0x7] =	stream.linear.gather [hbm4b:s10+s3], $0x2710, $0x38;
	[tilespmem:$0x1E480] =	vst v63  }
0x1d: {  	_ =	swait.ge [sflag:s22], $0x2710  }
0x1e: {  	[sflag:s22] =	ssyncset.done $0x0  }
0x1f: {  	s20 =	stileid.u32;
	s19 =	rddreg [dreg:$0x6];
	[sflag:s22] =	ssyncadd.s32 $0xFFFFD8F0  }
0x20: {  	[tilespmem:s23], [sflag:$0x7] =	stream.linear.gather [hbm4b:s19+s3], $0x2710, $0x38;
	[tilespmem:$0x1E480] =	vst v63  }
0x21: {  	s10 =	sshll.u32 s20, $0x6;
	_ =	swait.ge [sflag:s22], $0x2710  }
0x22: {  	s15 =	sor.u32 $0x1C07, s10;
	[sflag:s22] =	ssyncset.done $0x0;
	s24 =	rddreg [dreg:$0x7]  }
0x23: {  	s11 =	rddreg [dreg:$0x8];
	[sflag:s22] =	ssyncadd.s32 $0xFFFFD8F0;
	s24 =	sshrl.u32 s24, $0x3  }
0x24: {  	[spmem:s24], [sflag:s15] =	dma.local [hbm:s11], $0x2800  }
0x25: {  	_ =	swait.ge [sflag:s22], $0x2800  }
0x26: {  	[sflag:s22] =	ssyncset.done $0x0;
	s12 =	rddreg [dreg:$0x9]  }
0x27: {  	s13 =	rddreg [dreg:$0xa];
	[sflag:s22] =	ssyncadd.s32 $0xFFFFD800;
	s18 =	sshrl.u32 s12, $0x3  }
0x28: {  	[spmem:s18], [sflag:s15] =	dma.local [hbm:s13], $0x50  }
0x29: {  	_ =	swait.ge [sflag:s22], $0x50  }
0x2a: {  	[sflag:s22] =	ssyncset.done $0x0  }
0x2b: {  	[sflag:s22] =	ssyncadd.s32 $0xFFFFFFB0  }
0x2c: {  	[bflag:$0x0] =	sbarrier.arrive $0xFFFF  }
0x2d: {  	s11 =	simm.s32 $0x19180;
	s19 =	rddreg [dreg:$0xb]  }
0x2e: {  	[tilespmem:s11], [sflag:$0x7] =	stream.linear.gather [hbm4b:s19+s3], $0x50, $0x38;
	[tilespmem:$0x1E480] =	vst v63  }
0x2f: {  	_ =	swait.ge [sflag:s22], $0x50  }
0x30: {  	[sflag:s22] =	ssyncset.done $0x0  }
0x31: {  	s20 =	rddreg [dreg:$0xc];
	[sflag:s22] =	ssyncadd.s32 $0xFFFFFFB0  }
0x32: {  	[tilespmem:s25], [sflag:$0x7] =	stream.linear.gather [hbm4b:s20+s3], $0x50, $0x38;
	[tilespmem:$0x1E480] =	vst v63  }
0x33: {  	_ =	swait.ge [sflag:s22], $0x50  }
0x34: {  	[sflag:s22] =	ssyncset.done $0x0  }
0x35: {  	[sflag:s22] =	ssyncadd.s32 $0xFFFFFFB0  }
0x36: {  	v1 =	vld [tilespmem:$0x19180]  }
0x37: {  	v2 =	vld [tilespmem:$0x19380];
	_ =	sdelay $0x6  }
0x38: {  	v3 =	vld.idx.msk [tilespmem:v1+s21+$0x0], $0xffff  }
0x39: {  	v2 =	vld.idx.msk [tilespmem:v2+s23+$0x0], $0xffff;
	_ =	sdelay $0x4  }
0x3a: {  	v2 =	vadd.f32 v2, v3;
	_ =	sdelay $0x1  }
0x3b: {  	v3 =	vmul.f32 $2.000000030e-01, v2  }
0x3c: {  	vm0 =	vgt.f32 v2, $0.0e+00  }
0x3d: {  	v2 =	vsel vm0, v2, v3  }
0x3e: {  	v2 =	vmul.f32 $1.442695020e+00, v2;
	_ =	sdelay $0x1  }
0x3f: {  	(erf) = vpow2.f32 v2;
	_ =	sdelay $0x2  }
0x40: {  	v2 =	vld [tilespmem:$0x19190]  }
0x41: {  	v3 =	vld [tilespmem:$0x19390];
	_ =	sdelay $0x3  }
0x42: {  	v1 =	vadd.s32 v0, v1  }
0x43: {  	[tilespmem:$0x19180] =	vst v1;
	v4 =	vpop (erf)  }
0x44: {  	[tilespmem:$0x19280] =	vst v4  }
0x45: {  	v1 =	vld.idx.msk [tilespmem:v2+s21+$0x0], $0xffff  }
0x46: {  	v3 =	vld.idx.msk [tilespmem:v3+s23+$0x0], $0xffff;
	_ =	sdelay $0x4  }
0x47: {  	v1 =	vadd.f32 v3, v1;
	_ =	sdelay $0x1  }
0x48: {  	v3 =	vmul.f32 $2.000000030e-01, v1  }
0x49: {  	vm12 =	vgt.f32 v1, $0.0e+00  }
0x4a: {  	v1 =	vsel vm12, v1, v3  }
0x4b: {  	v1 =	vmul.f32 $1.442695020e+00, v1;
	_ =	sdelay $0x1  }
0x4c: {  	(erf) = vpow2.f32 v1;
	_ =	sdelay $0x2  }
0x4d: {  	v1 =	vld [tilespmem:$0x191A0]  }
0x4e: {  	v3 =	vld [tilespmem:$0x193A0];
	_ =	sdelay $0x3  }
0x4f: {  	v2 =	vadd.s32 v0, v2  }
0x50: {  	[tilespmem:$0x19190] =	vst v2;
	v61 =	vpop (erf)  }
0x51: {  	[tilespmem:$0x19290] =	vst v61  }
0x52: {  	v2 =	vld.idx.msk [tilespmem:v1+s21+$0x0], $0xffff  }
0x53: {  	v3 =	vld.idx.msk [tilespmem:v3+s23+$0x0], $0xffff;
	_ =	sdelay $0x4  }
0x54: {  	v2 =	vadd.f32 v3, v2;
	_ =	sdelay $0x1  }
0x55: {  	v3 =	vmul.f32 $2.000000030e-01, v2  }
0x56: {  	vm13 =	vgt.f32 v2, $0.0e+00  }
0x57: {  	v2 =	vsel vm13, v2, v3  }
0x58: {  	v2 =	vmul.f32 $1.442695020e+00, v2;
	_ =	sdelay $0x1  }
0x59: {  	(erf) = vpow2.f32 v2;
	_ =	sdelay $0x2  }
0x5a: {  	v2 =	vld [tilespmem:$0x191B0]  }
0x5b: {  	v3 =	vld [tilespmem:$0x193B0];
	_ =	sdelay $0x3  }
0x5c: {  	v1 =	vadd.s32 v0, v1  }
0x5d: {  	[tilespmem:$0x191A0] =	vst v1;
	v62 =	vpop (erf)  }
0x5e: {  	[tilespmem:$0x192A0] =	vst v62  }
0x5f: {  	v1 =	vld.idx.msk [tilespmem:v2+s21+$0x0], $0xffff  }
0x60: {  	v3 =	vld.idx.msk [tilespmem:v3+s23+$0x0], $0xffff;
	_ =	sdelay $0x4  }
0x61: {  	v1 =	vadd.f32 v3, v1;
	_ =	sdelay $0x1  }
0x62: {  	v3 =	vmul.f32 $2.000000030e-01, v1  }
0x63: {  	vm14 =	vgt.f32 v1, $0.0e+00  }
0x64: {  	v1 =	vsel vm14, v1, v3  }
0x65: {  	v1 =	vmul.f32 $1.442695020e+00, v1;
	_ =	sdelay $0x1  }
0x66: {  	(erf) = vpow2.f32 v1;
	_ =	sdelay $0x2  }
0x67: {  	v1 =	vld [tilespmem:$0x191C0]  }
0x68: {  	v3 =	vld [tilespmem:$0x193C0];
	_ =	sdelay $0x3  }
0x69: {  	v2 =	vadd.s32 v0, v2  }
0x6a: {  	[tilespmem:$0x191B0] =	vst v2;
	v63 =	vpop (erf)  }
0x6b: {  	[tilespmem:$0x192B0] =	vst v63  }
0x6c: {  	v2 =	vld.idx.msk [tilespmem:v1+s21+$0x0], $0xffff  }
0x6d: {  	v3 =	vld.idx.msk [tilespmem:v3+s23+$0x0], $0xffff;
	_ =	sdelay $0x4  }
0x6e: {  	v2 =	vadd.f32 v3, v2;
	_ =	sdelay $0x1  }
0x6f: {  	v3 =	vmul.f32 $2.000000030e-01, v2  }
0x70: {  	vm15 =	vgt.f32 v2, $0.0e+00  }
0x71: {  	v2 =	vsel vm15, v2, v3  }
0x72: {  	v2 =	vmul.f32 $1.442695020e+00, v2;
	_ =	sdelay $0x1  }
0x73: {  	(erf) = vpow2.f32 v2;
	_ =	sdelay $0x7  }
0x74: {  	v1 =	vadd.s32 v0, v1  }
0x75: {  	[tilespmem:$0x191C0] =	vst v1;
	v2 =	vpop (erf)  }
0x76: {  	s19 =	simm.s32 $0x0;
	[tilespmem:$0x192C0] =	vst v2  }
0x77: {  	[tilespmem:s28], [sflag:$0x1] =	stream.indirect.gather [hbm4b:s5+s26], $0x80, s11, s26, $0xb8;
	[tilespmem:$0x1E480] =	vst v63  }
.LBB2_2:
0x78: {  	p0 =	seq.s32 s19, $0x0  }
0x79: {  	s10 =	simm.s32 @!p0 $0x4  }
0x7a: {  	_ =	swait.ge @!p0 [sflag:s10], $0x2800  }
0x7b: {  	s20 =	smul.u32 $0xA0, s19;
	[sflag:s10] =	ssyncset.done @!p0 $0x0  }
0x7c: {  	[sflag:s10] =	ssyncadd.s32 @!p0 $0xFFFFD800;
	s10 =	simm.s32 @!p0 $0x6  }
0x7d: {  	s11 =	sadd.s32 s20, s16;
	_ =	swait.ge @!p0 [sflag:s10], $0x50  }
0x7e: {  	s11 =	sshrl.u32 s11, $0x3;
	[sflag:s10] =	ssyncset.done @!p0 $0x0  }
0x7f: {  	s13 =	simm.s32 $0x0;
	s12 =	sadd.s32 s6, s11;
	[sflag:s10] =	ssyncadd.s32 @!p0 $0xFFFFFFB0  }
0x80: {  	[tilespmem:s29], [sflag:$0x7] =	stream.linear.gather [hbm4b:s12+s13], $0x50, $0x38;
	[tilespmem:$0x1E480] =	vst v63  }
0x81: {  	_ =	swait.ge [sflag:s22], $0x50  }
0x82: {  	[sflag:s22] =	ssyncset.done $0x0  }
0x83: {  	s11 =	sadd.s32 s7, s11;
	[sflag:s22] =	ssyncadd.s32 $0xFFFFFFB0  }
0x84: {  	[tilespmem:s30], [sflag:$0x7] =	stream.linear.gather [hbm4b:s11+s13], $0x50, $0x38;
	[tilespmem:$0x1E480] =	vst v63  }
0x85: {  	_ =	swait.ge [sflag:s22], $0x50  }
0x86: {  	[sflag:s22] =	ssyncset.done $0x0  }
0x87: {  	[sflag:s22] =	ssyncadd.s32 $0xFFFFFFB0  }
0x88: {  	v1 =	vld [tilespmem:$0x19200]  }
0x89: {  	v2 =	vld [tilespmem:$0x19400];
	_ =	sdelay $0x6  }
0x8a: {  	v3 =	vld.idx.msk [tilespmem:v1+s21+$0x0], $0xffff  }
0x8b: {  	v2 =	vld.idx.msk [tilespmem:v2+s23+$0x0], $0xffff;
	_ =	sdelay $0x4  }
0x8c: {  	v2 =	vadd.f32 v2, v3;
	_ =	sdelay $0x1  }
0x8d: {  	v3 =	vmul.f32 $2.000000030e-01, v2  }
0x8e: {  	vm0 =	vgt.f32 v2, $0.0e+00  }
0x8f: {  	v2 =	vsel vm0, v2, v3  }
0x90: {  	v2 =	vmul.f32 $1.442695020e+00, v2;
	_ =	sdelay $0x1  }
0x91: {  	(erf) = vpow2.f32 v2;
	_ =	sdelay $0x2  }
0x92: {  	v2 =	vld [tilespmem:$0x19210]  }
0x93: {  	v3 =	vld [tilespmem:$0x19410];
	_ =	sdelay $0x3  }
0x94: {  	v1 =	vadd.s32 v0, v1  }
0x95: {  	[tilespmem:$0x19200] =	vst v1;
	v4 =	vpop (erf)  }
0x96: {  	[tilespmem:$0x19300] =	vst v4  }
0x97: {  	v1 =	vld.idx.msk [tilespmem:v2+s21+$0x0], $0xffff  }
0x98: {  	v3 =	vld.idx.msk [tilespmem:v3+s23+$0x0], $0xffff;
	_ =	sdelay $0x4  }
0x99: {  	v1 =	vadd.f32 v3, v1;
	_ =	sdelay $0x1  }
0x9a: {  	v3 =	vmul.f32 $2.000000030e-01, v1  }
0x9b: {  	vm12 =	vgt.f32 v1, $0.0e+00  }
0x9c: {  	v1 =	vsel vm12, v1, v3  }
0x9d: {  	v1 =	vmul.f32 $1.442695020e+00, v1;
	_ =	sdelay $0x1  }
0x9e: {  	(erf) = vpow2.f32 v1;
	_ =	sdelay $0x2  }
0x9f: {  	v1 =	vld [tilespmem:$0x19220]  }
0xa0: {  	v3 =	vld [tilespmem:$0x19420];
	_ =	sdelay $0x3  }
0xa1: {  	v2 =	vadd.s32 v0, v2  }
0xa2: {  	[tilespmem:$0x19210] =	vst v2;
	v4 =	vpop (erf)  }
0xa3: {  	[tilespmem:$0x19310] =	vst v4  }
0xa4: {  	v2 =	vld.idx.msk [tilespmem:v1+s21+$0x0], $0xffff  }
0xa5: {  	v3 =	vld.idx.msk [tilespmem:v3+s23+$0x0], $0xffff;
	_ =	sdelay $0x4  }
0xa6: {  	v2 =	vadd.f32 v3, v2;
	_ =	sdelay $0x1  }
0xa7: {  	v3 =	vmul.f32 $2.000000030e-01, v2  }
0xa8: {  	vm13 =	vgt.f32 v2, $0.0e+00  }
0xa9: {  	v2 =	vsel vm13, v2, v3  }
0xaa: {  	v2 =	vmul.f32 $1.442695020e+00, v2;
	_ =	sdelay $0x1  }
0xab: {  	(erf) = vpow2.f32 v2;
	_ =	sdelay $0x2  }
0xac: {  	v2 =	vld [tilespmem:$0x19230]  }
0xad: {  	v3 =	vld [tilespmem:$0x19430];
	_ =	sdelay $0x3  }
0xae: {  	v1 =	vadd.s32 v0, v1  }
0xaf: {  	[tilespmem:$0x19220] =	vst v1;
	v4 =	vpop (erf)  }
0xb0: {  	[tilespmem:$0x19320] =	vst v4  }
0xb1: {  	v1 =	vld.idx.msk [tilespmem:v2+s21+$0x0], $0xffff  }
0xb2: {  	v3 =	vld.idx.msk [tilespmem:v3+s23+$0x0], $0xffff;
	_ =	sdelay $0x4  }
0xb3: {  	v1 =	vadd.f32 v3, v1;
	_ =	sdelay $0x1  }
0xb4: {  	v3 =	vmul.f32 $2.000000030e-01, v1  }
0xb5: {  	vm14 =	vgt.f32 v1, $0.0e+00  }
0xb6: {  	v1 =	vsel vm14, v1, v3  }
0xb7: {  	v1 =	vmul.f32 $1.442695020e+00, v1;
	_ =	sdelay $0x1  }
0xb8: {  	(erf) = vpow2.f32 v1;
	_ =	sdelay $0x2  }
0xb9: {  	v1 =	vld [tilespmem:$0x19240]  }
0xba: {  	v3 =	vld [tilespmem:$0x19440];
	_ =	sdelay $0x3  }
0xbb: {  	v2 =	vadd.s32 v0, v2  }
0xbc: {  	[tilespmem:$0x19230] =	vst v2;
	v4 =	vpop (erf)  }
0xbd: {  	[tilespmem:$0x19330] =	vst v4  }
0xbe: {  	v2 =	vld.idx.msk [tilespmem:v1+s21+$0x0], $0xffff  }
0xbf: {  	v3 =	vld.idx.msk [tilespmem:v3+s23+$0x0], $0xffff;
	_ =	sdelay $0x4  }
0xc0: {  	v2 =	vadd.f32 v3, v2;
	_ =	sdelay $0x1  }
0xc1: {  	v3 =	vmul.f32 $2.000000030e-01, v2  }
0xc2: {  	vm15 =	vgt.f32 v2, $0.0e+00  }
0xc3: {  	v2 =	vsel vm15, v2, v3  }
0xc4: {  	v2 =	vmul.f32 $1.442695020e+00, v2;
	_ =	sdelay $0x1  }
0xc5: {  	(erf) = vpow2.f32 v2;
	_ =	sdelay $0x7  }
0xc6: {  	v1 =	vadd.s32 v0, v1  }
0xc7: {  	[tilespmem:$0x19240] =	vst v1;
	v2 =	vpop (erf)  }
0xc8: {  	[tilespmem:$0x19340] =	vst v2  }
0xc9: {  	[tilespmem:s31], [sflag:$0x2] =	stream.indirect.gather [hbm4b:s5+s26], $0x80, s29, s26, $0xb8;
	[tilespmem:$0x1E480] =	vst v63  }
0xca: {  	_ =	swait.ge [sflag:s0], $0x2800  }
0xcb: {  	v1 =	vmov s13;
	[sflag:s0] =	ssyncset.done $0x0  }
0xcc: {  	s10 =	simm.s32 $0x194C0;
	[sflag:s0] =	ssyncadd.s32 $0xFFFFD800  }
0xcd: {  	v5 =	vld [tilespmem:s10+$0x30]  }
0xce: {  	v8 =	vld [tilespmem:s10+$0x10]  }
0xcf: {  	v6 =	vld [tilespmem:s10+$0xFFFFFFC0]  }
0xd0: {  	v2 =	vld.idx.msk [tilespmem:v1+s4+$0x0], $0xffff  }
0xd1: {  	v10 =	vld [tilespmem:s10+$0xFFFFFFE0]  }
0xd2: {  	v1 =	vld [tilespmem:s10+$0xFFFFFFF0]  }
0xd3: {  	v3 =	vld [tilespmem:s10+$0x20]  }
0xd4: {  	v4 =	vld [tilespmem:s10+$0xFFFFFFD0]  }
0xd5: {  	v9 =	vmul.f32 v5, v2;
	v5 =	vld [tilespmem:s10+$0x0]  }
0xd6: {  	v7 =	vmul.f32 v6, v2  }
0xd7: {  	s12 =	simm.s32 $0x194C0;
	s11 =	simm.s32 $0x1;
	v6 =	vmul.f32 v10, v2;
	v8 =	vmul.f32 v8, v2  }
.LBB2_3:
0xd8: {  	p0 =	sne.s32 s11, $0x4F  }
0xd9: {  	v4 =	vmul.f32 v4, v2;
	v3 =	vmul.f32 v3, v2;
	[tilespmem:s10+$0x30] =	vst v9;
	s12 =	sadd.s32 $0x80, s12;
	s13 =	smov.u32 s11;
	s11 =	sadd.s32 $0x1, s11  }
0xda: {  	[tilespmem:s10+$0xFFFFFFC0] =	vst v7;
	v7 =	vmul.f32 v1, v2;
	v2 =	vmul.f32 v5, v2  }
0xdb: {  	[tilespmem:s10+$0x10] =	vst v8  }
0xdc: {  	v5 =	vmov s13;
	[tilespmem:s10+$0xFFFFFFE0] =	vst v6  }
0xdd: {  	v1 =	vld [tilespmem:s12+$0xFFFFFFF0];
	[tilespmem:s10+$0xFFFFFFF0] =	vst v7  }
0xde: {  	v6 =	vld [tilespmem:s12+$0x30];
	[tilespmem:s10+$0x0] =	vst v2  }
0xdf: {  	v8 =	vld [tilespmem:s12+$0x10];
	[tilespmem:s10+$0x20] =	vst v3  }
0xe0: {  	v7 =	vld [tilespmem:s12+$0xFFFFFFC0];
	[tilespmem:s10+$0xFFFFFFD0] =	vst v4;
	s10 =	smov.u32 s12  }
0xe1: {  	v2 =	vld.idx.msk [tilespmem:v5+s4+$0x0], $0xffff  }
0xe2: {  	v10 =	vld [tilespmem:s12+$0xFFFFFFE0]  }
0xe3: {  	v3 =	vld [tilespmem:s12+$0x20]  }
.Ltmp0:
0xe4: {  	v4 =	vld [tilespmem:s12+$0xFFFFFFD0];
	(pc) =	sbr.rel @p0 .LBB2_3-.Ltmp0, $3  }
0xe5: {  	v5 =	vld [tilespmem:s12+$0x0];
	_ =	sdelay $0x1  }
0xe6: {  	v7 =	vmul.f32 v7, v2;
	v9 =	vmul.f32 v6, v2  }
0xe7: {  	v8 =	vmul.f32 v8, v2;
	v6 =	vmul.f32 v10, v2  }
0xe8: {  	[tilespmem:s10+$0x30] =	vst v9  }
0xe9: {  	[tilespmem:s10+$0xFFFFFFC0] =	vst v7  }
0xea: {  	v1 =	vmul.f32 v1, v2;
	[tilespmem:s10+$0x10] =	vst v8  }
0xeb: {  	v3 =	vmul.f32 v3, v2;
	[tilespmem:s10+$0xFFFFFFE0] =	vst v6  }
0xec: {  	v5 =	vmul.f32 v5, v2;
	[tilespmem:s10+$0xFFFFFFF0] =	vst v1  }
0xed: {  	v1 =	vmul.f32 v4, v2;
	[tilespmem:s10+$0x20] =	vst v3  }
0xee: {  	[tilespmem:s10+$0x0] =	vst v5  }
0xef: {  	[tilespmem:s10+$0xFFFFFFD0] =	vst v1  }
0xf0: {  	[spmem:s1] =	stream.indirect.scatter.add.f32 [tilespmem:s28], [sflag:$0x3], $0x80, s25, s26, $0xb8;
	[tilespmem:$0x1E480] =	vst v63  }
0xf1: {  	_ = 	snop  }
0xf2: {  	[spmem:s2] =	stream.indirect.scatter.add.f32 [tilespmem:s4], [sflag:$0x5], $0x1, s25, s26, $0xb8;
	[tilespmem:$0x1E480] =	vst v63  }
0xf3: {  	s13 =	simm.s32 $0x0;
	_ =	swait.ge [sflag:s8], $0x2800  }
0xf4: {  	v1 =	vmov s13;
	[sflag:s8] =	ssyncset.done $0x0  }
0xf5: {  	s10 =	simm.s32 $0x1BCC0;
	[sflag:s8] =	ssyncadd.s32 $0xFFFFD800  }
0xf6: {  	v5 =	vld [tilespmem:s10+$0x30]  }
0xf7: {  	v8 =	vld [tilespmem:s10+$0x10]  }
0xf8: {  	v6 =	vld [tilespmem:s10+$0xFFFFFFC0]  }
0xf9: {  	v2 =	vld.idx.msk [tilespmem:v1+s9+$0x0], $0xffff  }
0xfa: {  	v10 =	vld [tilespmem:s10+$0xFFFFFFE0]  }
0xfb: {  	v1 =	vld [tilespmem:s10+$0xFFFFFFF0]  }
0xfc: {  	v3 =	vld [tilespmem:s10+$0x20]  }
0xfd: {  	v4 =	vld [tilespmem:s10+$0xFFFFFFD0]  }
0xfe: {  	v9 =	vmul.f32 v5, v2;
	v5 =	vld [tilespmem:s10+$0x0]  }
0xff: {  	v7 =	vmul.f32 v6, v2  }
0x100: {  	s11 =	simm.s32 $0x1;
	s12 =	simm.s32 $0x1BCC0;
	v6 =	vmul.f32 v10, v2;
	v8 =	vmul.f32 v8, v2  }
.LBB2_5:
0x101: {  	p0 =	sne.s32 s11, $0x4F  }
0x102: {  	v4 =	vmul.f32 v4, v2;
	v3 =	vmul.f32 v3, v2;
	[tilespmem:s10+$0x30] =	vst v9;
	s12 =	sadd.s32 $0x80, s12;
	s13 =	smov.u32 s11;
	s11 =	sadd.s32 $0x1, s11  }
0x103: {  	[tilespmem:s10+$0xFFFFFFC0] =	vst v7;
	v7 =	vmul.f32 v1, v2;
	v2 =	vmul.f32 v5, v2  }
0x104: {  	[tilespmem:s10+$0x10] =	vst v8  }
0x105: {  	v5 =	vmov s13;
	[tilespmem:s10+$0xFFFFFFE0] =	vst v6  }
0x106: {  	v1 =	vld [tilespmem:s12+$0xFFFFFFF0];
	[tilespmem:s10+$0xFFFFFFF0] =	vst v7  }
0x107: {  	v6 =	vld [tilespmem:s12+$0x30];
	[tilespmem:s10+$0x0] =	vst v2  }
0x108: {  	v8 =	vld [tilespmem:s12+$0x10];
	[tilespmem:s10+$0x20] =	vst v3  }
0x109: {  	v7 =	vld [tilespmem:s12+$0xFFFFFFC0];
	[tilespmem:s10+$0xFFFFFFD0] =	vst v4;
	s10 =	smov.u32 s12  }
0x10a: {  	v2 =	vld.idx.msk [tilespmem:v5+s9+$0x0], $0xffff  }
0x10b: {  	v10 =	vld [tilespmem:s12+$0xFFFFFFE0]  }
0x10c: {  	v3 =	vld [tilespmem:s12+$0x20]  }
.Ltmp1:
0x10d: {  	v4 =	vld [tilespmem:s12+$0xFFFFFFD0];
	(pc) =	sbr.rel @p0 .LBB2_5-.Ltmp1, $3  }
0x10e: {  	v5 =	vld [tilespmem:s12+$0x0];
	_ =	sdelay $0x1  }
0x10f: {  	v7 =	vmul.f32 v7, v2;
	v9 =	vmul.f32 v6, v2  }
0x110: {  	v8 =	vmul.f32 v8, v2;
	v6 =	vmul.f32 v10, v2  }
0x111: {  	[tilespmem:s10+$0x30] =	vst v9  }
0x112: {  	[tilespmem:s10+$0xFFFFFFC0] =	vst v7  }
0x113: {  	v1 =	vmul.f32 v1, v2;
	[tilespmem:s10+$0x10] =	vst v8  }
0x114: {  	v3 =	vmul.f32 v3, v2;
	[tilespmem:s10+$0xFFFFFFE0] =	vst v6  }
0x115: {  	v5 =	vmul.f32 v5, v2;
	[tilespmem:s10+$0xFFFFFFF0] =	vst v1  }
0x116: {  	v1 =	vmul.f32 v4, v2;
	[tilespmem:s10+$0x20] =	vst v3  }
0x117: {  	[tilespmem:s10+$0x0] =	vst v5  }
0x118: {  	p0 =	seq.s32 s19, $0x7C;
	[tilespmem:s10+$0xFFFFFFD0] =	vst v1  }
0x119: {  	[spmem:s1] =	stream.indirect.scatter.add.f32 [tilespmem:s31], [sflag:$0x4], $0x80, s30, s26, $0xb8;
	[tilespmem:$0x1E480] =	vst v63  }
0x11a: {  	s10 =	simm.s32 @!p0 $0x3  }
0x11b: {  	[spmem:s2] =	stream.indirect.scatter.add.f32 [tilespmem:s9], [sflag:$0x6], $0x1, s30, s26, $0xb8;
	[tilespmem:$0x1E480] =	vst v63  }
0x11c: {  	_ =	swait.ge @!p0 [sflag:s10], $0x2800  }
0x11d: {  	[sflag:s10] =	ssyncset.done @!p0 $0x0  }
0x11e: {  	[sflag:s10] =	ssyncadd.s32 @!p0 $0xFFFFD800;
	s10 =	simm.s32 @!p0 $0x5  }
0x11f: {  	_ =	swait.ge @!p0 [sflag:s10], $0x50  }
0x120: {  	s11 =	sadd.s32 @!p0 s20, s17;
	[sflag:s10] =	ssyncset.done @!p0 $0x0  }
0x121: {  	[sflag:s10] =	ssyncadd.s32 @!p0 $0xFFFFFFB0;
	s10 =	sshrl.u32 @!p0 s11, $0x3  }
0x122: {  	s12 =	simm.s32 @!p0 $0x0;
	s20 =	simm.s32 @!p0 $0x19180;
	s11 =	sadd.s32 @!p0 s6, s10  }
0x123: {  	[tilespmem:s20], [sflag:$0x7] =	stream.linear.gather @!p0 [hbm4b:s11+s12], $0x50, $0x38;
	[tilespmem:$0x1E480] =	vst v63  }
0x124: {  	s11 =	simm.s32 @!p0 $0x7  }
0x125: {  	_ =	swait.ge @!p0 [sflag:s11], $0x50  }
0x126: {  	[sflag:s11] =	ssyncset.done @!p0 $0x0  }
0x127: {  	s13 =	simm.s32 @!p0 $0x19380;
	s10 =	sadd.s32 @!p0 s7, s10;
	[sflag:s11] =	ssyncadd.s32 @!p0 $0xFFFFFFB0  }
0x128: {  	[tilespmem:s13], [sflag:$0x7] =	stream.linear.gather @!p0 [hbm4b:s10+s12], $0x50, $0x38;
	[tilespmem:$0x1E480] =	vst v63  }
0x129: {  	_ =	swait.ge @!p0 [sflag:s11], $0x50  }
0x12a: {  	[sflag:s11] =	ssyncset.done @!p0 $0x0  }
0x12b: {  	[sflag:s11] =	ssyncadd.s32 @!p0 $0xFFFFFFB0  }
0x12c: {  	v1 =	vld @!p0 [tilespmem:$0x19180]  }
0x12d: {  	v2 =	vld @!p0 [tilespmem:$0x19380];
	_ =	sdelay $0x5  }
0x12e: {  	s10 =	simm.s32 @!p0 $0x14280  }
0x12f: {  	s11 =	simm.s32 @!p0 $0x16A00;
	v3 =	vld.idx.msk @!p0 [tilespmem:v1+s10+$0x0], $0xffff  }
0x130: {  	v2 =	vld.idx.msk @!p0 [tilespmem:v2+s11+$0x0], $0xffff;
	_ =	sdelay $0x4  }
0x131: {  	v2 =	vadd.f32 @!p0 v2, v3;
	_ =	sdelay $0x1  }
0x132: {  	v3 =	vmul.f32 @!p0 $2.000000030e-01, v2  }
0x133: {  	vm0 =	vgt.f32 @!p0 v2, $0.0e+00  }
0x134: {  	v2 =	vsel @!p0 vm0, v2, v3  }
0x135: {  	v2 =	vmul.f32 @!p0 $1.442695020e+00, v2;
	_ =	sdelay $0x1  }
0x136: {  	(erf) = vpow2.f32 @!p0 v2;
	_ =	sdelay $0x2  }
0x137: {  	v2 =	vld @!p0 [tilespmem:$0x19190]  }
0x138: {  	v3 =	vld @!p0 [tilespmem:$0x19390];
	_ =	sdelay $0x3  }
0x139: {  	v1 =	vadd.s32 @!p0 v0, v1  }
0x13a: {  	[tilespmem:$0x19180] =	vst @!p0 v1;
	v4 =	vpop @!p0 (erf)  }
0x13b: {  	[tilespmem:$0x19280] =	vst @!p0 v4  }
0x13c: {  	v1 =	vld.idx.msk @!p0 [tilespmem:v2+s10+$0x0], $0xffff  }
0x13d: {  	v3 =	vld.idx.msk @!p0 [tilespmem:v3+s11+$0x0], $0xffff;
	_ =	sdelay $0x4  }
0x13e: {  	v1 =	vadd.f32 @!p0 v3, v1;
	_ =	sdelay $0x1  }
0x13f: {  	v3 =	vmul.f32 @!p0 $2.000000030e-01, v1  }
0x140: {  	vm0 =	vgt.f32 @!p0 v1, $0.0e+00  }
0x141: {  	v1 =	vsel @!p0 vm0, v1, v3  }
0x142: {  	v1 =	vmul.f32 @!p0 $1.442695020e+00, v1;
	_ =	sdelay $0x1  }
0x143: {  	(erf) = vpow2.f32 @!p0 v1;
	_ =	sdelay $0x2  }
0x144: {  	v1 =	vld @!p0 [tilespmem:$0x191A0]  }
0x145: {  	v3 =	vld @!p0 [tilespmem:$0x193A0];
	_ =	sdelay $0x3  }
0x146: {  	v2 =	vadd.s32 @!p0 v0, v2  }
0x147: {  	[tilespmem:$0x19190] =	vst @!p0 v2;
	v4 =	vpop @!p0 (erf)  }
0x148: {  	[tilespmem:$0x19290] =	vst @!p0 v4  }
0x149: {  	v2 =	vld.idx.msk @!p0 [tilespmem:v1+s10+$0x0], $0xffff  }
0x14a: {  	v3 =	vld.idx.msk @!p0 [tilespmem:v3+s11+$0x0], $0xffff;
	_ =	sdelay $0x4  }
0x14b: {  	v2 =	vadd.f32 @!p0 v3, v2;
	_ =	sdelay $0x1  }
0x14c: {  	v3 =	vmul.f32 @!p0 $2.000000030e-01, v2  }
0x14d: {  	vm0 =	vgt.f32 @!p0 v2, $0.0e+00  }
0x14e: {  	v2 =	vsel @!p0 vm0, v2, v3  }
0x14f: {  	v2 =	vmul.f32 @!p0 $1.442695020e+00, v2;
	_ =	sdelay $0x1  }
0x150: {  	(erf) = vpow2.f32 @!p0 v2;
	_ =	sdelay $0x2  }
0x151: {  	v2 =	vld @!p0 [tilespmem:$0x191B0]  }
0x152: {  	v3 =	vld @!p0 [tilespmem:$0x193B0];
	_ =	sdelay $0x3  }
0x153: {  	v1 =	vadd.s32 @!p0 v0, v1  }
0x154: {  	[tilespmem:$0x191A0] =	vst @!p0 v1;
	v4 =	vpop @!p0 (erf)  }
0x155: {  	[tilespmem:$0x192A0] =	vst @!p0 v4  }
0x156: {  	v1 =	vld.idx.msk @!p0 [tilespmem:v2+s10+$0x0], $0xffff  }
0x157: {  	v3 =	vld.idx.msk @!p0 [tilespmem:v3+s11+$0x0], $0xffff;
	_ =	sdelay $0x4  }
0x158: {  	v1 =	vadd.f32 @!p0 v3, v1;
	_ =	sdelay $0x1  }
0x159: {  	v3 =	vmul.f32 @!p0 $2.000000030e-01, v1  }
0x15a: {  	vm0 =	vgt.f32 @!p0 v1, $0.0e+00  }
0x15b: {  	v1 =	vsel @!p0 vm0, v1, v3  }
0x15c: {  	v1 =	vmul.f32 @!p0 $1.442695020e+00, v1;
	_ =	sdelay $0x1  }
0x15d: {  	(erf) = vpow2.f32 @!p0 v1;
	_ =	sdelay $0x2  }
0x15e: {  	v1 =	vld @!p0 [tilespmem:$0x191C0]  }
0x15f: {  	v3 =	vld @!p0 [tilespmem:$0x193C0];
	_ =	sdelay $0x3  }
0x160: {  	v2 =	vadd.s32 @!p0 v0, v2  }
0x161: {  	[tilespmem:$0x191B0] =	vst @!p0 v2;
	v4 =	vpop @!p0 (erf)  }
0x162: {  	[tilespmem:$0x192B0] =	vst @!p0 v4  }
0x163: {  	v2 =	vld.idx.msk @!p0 [tilespmem:v1+s10+$0x0], $0xffff  }
0x164: {  	v3 =	vld.idx.msk @!p0 [tilespmem:v3+s11+$0x0], $0xffff;
	_ =	sdelay $0x4  }
0x165: {  	v2 =	vadd.f32 @!p0 v3, v2;
	_ =	sdelay $0x1  }
0x166: {  	v3 =	vmul.f32 @!p0 $2.000000030e-01, v2  }
0x167: {  	vm0 =	vgt.f32 @!p0 v2, $0.0e+00  }
0x168: {  	v2 =	vsel @!p0 vm0, v2, v3  }
0x169: {  	v2 =	vmul.f32 @!p0 $1.442695020e+00, v2;
	_ =	sdelay $0x1  }
0x16a: {  	(erf) = vpow2.f32 @!p0 v2;
	_ =	sdelay $0x7  }
0x16b: {  	v1 =	vadd.s32 @!p0 v0, v1  }
0x16c: {  	s19 =	sadd.s32 @!p0 $0x1, s19;
	[tilespmem:$0x191C0] =	vst @!p0 v1;
	v2 =	vpop @!p0 (erf)  }
0x16d: {  	p1 =	sne.s32 @!p0 s19, $0x7D;
	s10 =	simm.s32 @!p0 $0x50;
	s11 =	simm.s32 @!p0 $0x19480;
	[tilespmem:$0x192C0] =	vst @!p0 v2  }
0x16e: {  	[tilespmem:s11], [sflag:$0x1] =	stream.indirect.gather @!p0 [hbm4b:s5+s10], $0x80, s20, s10, $0xb8;
	[tilespmem:$0x1E480] =	vst v63  }
0x16f: {  	p0 =	por p0, !p1  }
.Ltmp2:
0x170: {  	_ = 	snop;
	(pc) =	sbr.rel @!p0 .LBB2_2-.Ltmp2, $1  }
0x171: {  	_ =	sdelay $0x3  }
0x172: {  	s10 =	simm.s32 $0x3  }
0x173: {  	_ =	swait.ge [sflag:s10], $0x2800  }
0x174: {  	[sflag:s10] =	ssyncset.done $0x0  }
0x175: {  	s11 =	simm.s32 $0x5;
	[sflag:s10] =	ssyncadd.s32 $0xFFFFD800  }
0x176: {  	_ =	swait.ge [sflag:s11], $0x50  }
0x177: {  	[sflag:s11] =	ssyncset.done $0x0  }
0x178: {  	s12 =	simm.s32 $0x4;
	[sflag:s11] =	ssyncadd.s32 $0xFFFFFFB0  }
0x179: {  	_ =	swait.ge [sflag:s12], $0x2800  }
0x17a: {  	[sflag:s12] =	ssyncset.done $0x0  }
0x17b: {  	s13 =	simm.s32 $0x6;
	[sflag:s12] =	ssyncadd.s32 $0xFFFFD800  }
0x17c: {  	_ =	swait.ge [sflag:s13], $0x50  }
0x17d: {  	[sflag:s13] =	ssyncset.done $0x0  }
0x17e: {  	[sflag:s13] =	ssyncadd.s32 $0xFFFFFFB0  }
0x17f: {  	[bflag:$0x0] =	sbarrier.arrive $0xFFFF  }
0x180: {  	s19 =	rddreg [dreg:$0xd]  }
0x181: {  	[hbm:s19], [sflag:s15] =	dma.local [spmem:s24], $0x2800  }
0x182: {  	_ =	swait.ge [sflag:s22], $0x2800  }
0x183: {  	[sflag:s22] =	ssyncset.done $0x0  }
0x184: {  	s20 =	rddreg [dreg:$0xe];
	[sflag:s22] =	ssyncadd.s32 $0xFFFFD800  }
0x185: {  	[hbm:s20], [sflag:s15] =	dma.local [spmem:s18], $0x50  }
0x186: {  	_ =	swait.ge [sflag:s22], $0x50  }
0x187: {  	s14 =	sadd.s32 $0x1, s14;
	s24 =	rddreg [dreg:$0xf]  }
0x188: {  	p0 =	sne.s32 s14, s24  }
.Ltmp3:
0x189: {  	_ = 	snop;
	(pc) =	sbr.rel @p0 .LBB2_1-.Ltmp3, $3  }
0x18a: {  	_ =	sdelay $0x1  }
0x18b: {  	[sflag:s22] =	ssyncset.done $0x0  }
0x18c: {  	[sflag:s22] =	ssyncadd.s32 $0xFFFFFFB0  }
0x18d: {  	_ =	sfence.sel $0x180000  }
0x18e: {  	[bflag:$0x0] =	sbarrier.arrive $0xFFFF  }
0x18f: {  	_ =	strace $0x90000047  }
0x190: {  	s0 =	stileid.u32;
	[bflag:$0x2] =	sbarrier.arrive $0xFFFF  }
0x191: {  	p0 =	sne.s32 s0, $0x0;
	s0 =	rddreg [dreg:$0x4]  }
0x192: {  	s0 =	sadd.s32 @!p0 $0x100000, s0  }
0x193: {  	[sflag:s0] =	ssyncadd.tile.s32 @!p0 $0x1;
	_ =	shalt  }
.Lfunc_end2:
_tile_overlayer_lowered:
.L_overlay_start_2:
0x194: {  	(tag) =	ssettag $0x2  }
0x195: {  	s0 =	rddreg [dreg:$0x0];
	s2 =	stileid.u32  }
0x196: {  	s1 =	rddreg [dreg:$0x1];
	p0 =	sne.s32 s2, $0x0  }
0x197: {  	s3 =	rddreg [dreg:$0x2];
	[bflag:$0x3] =	sbarrier.arrive $0xFFFF;
	s2 =	simm.s32 @!p0 $0x1C07  }
0x198: {  	[timem:s3], [sflag:s2] =	dma.local @!p0 [hbm:s0], s1  }
0x199: {  	s0 =	simm.s32 @!p0 $0x7  }
0x19a: {  	_ =	swait.ge @!p0 [sflag:s0], s1  }
0x19b: {  	s1 =	ssub.s32 @!p0 $0x0, s1;
	[sflag:s0] =	ssyncset.done @!p0 $0x0  }
0x19c: {  	[sflag:s0] =	ssyncadd.s32 @!p0 s1  }
0x19d: {  	[bflag:$0x3] =	sbarrier.arrive $0xFFFF  }
0x19e: {  	_ =	shalt  }

</sc_bundles>
